<compile_context>
chip_gen: v7x
topology: tpu7x:2x2x1
jax: 0.10.2.dev20260603
libtpu: 0.0.44.dev20260713+nightly
codegen_flags: <defaults>
</compile_context>

<pallas_src>
import functools

import jax
import jax.numpy as jnp
from jax import lax
from jax.experimental import pallas as pl
from jax.experimental.pallas import tpu as pltpu
from jax.experimental.pallas import tpu_sc as plsc

NUM_PARTS = 256
NUM_K = 2047
STRIDE = NUM_K + 1
VAE_DIMS = 32
OUT_DIMS = 32
BATCH = 1024

TABLE_ROWS = STRIDE * NUM_PARTS
NW = 32
ROWS_TOTAL = BATCH * NUM_PARTS
ROWS_PER_W = ROWS_TOTAL // NW
IDX_ROWS = ROWS_PER_W // 128
CHUNK = 1024
NCHUNK = ROWS_PER_W // CHUNK
GPC = CHUNK // 128



A_COLS = 8192
AQ = A_COLS // 4


def _project_body(x_ref, wt_ref, peb_ref, o_ref):
    i = pl.program_id(0)
    x = x_ref[...]
    acc_t = jnp.dot(wt_ref[...], x, preferred_element_type=jnp.float32)
    prow = peb_ref[pl.ds(4 * i, 4), :]
    stacked = jnp.concatenate(
        [acc_t[:, AQ * a:AQ * (a + 1)] for a in range(4)], axis=0)
    pebrow = jnp.concatenate(
        [prow[a:a + 1] for a in range(4)], axis=1)
    o_ref[...] = jnp.swapaxes(stacked, 0, 1) + pebrow


def _project(emb_t, wt, peb):
    return pl.pallas_call(
        _project_body,
        grid=(TABLE_ROWS // A_COLS,),
        in_specs=[
            pl.BlockSpec((VAE_DIMS, A_COLS), lambda i: (0, i)),
            pl.BlockSpec((OUT_DIMS, VAE_DIMS), lambda i: (0, 0)),
            pl.BlockSpec((NUM_PARTS, OUT_DIMS), lambda i: (0, 0)),
        ],
        out_specs=pl.BlockSpec((AQ, 128), lambda i: (i, 0)),
        out_shape=jax.ShapeDtypeStruct((TABLE_ROWS // 4, 128), jnp.float32),
    )(emb_t, wt, peb)




def _sc_gather_body(h2d, table, mu_out, idx2d, rows0, rows1, gsem, wsem):
    cid = lax.axis_index("c")
    sid = lax.axis_index("s")
    wid = sid * 2 + cid
    pltpu.sync_copy(h2d.at[pl.ds(wid * IDX_ROWS, IDX_ROWS)], idx2d)

    lane = lax.iota(jnp.int32, 16)

    def add_offs(j, carry):
        row = j // 8
        col = (j % 8) * 16
        offs = ((j % 16) * 16 + lane) * STRIDE
        r = idx2d[row, pl.ds(col, 16)] + offs
        w = jnp.bitwise_and(r, 8191)
        rp = (r - w) + jnp.left_shift(jnp.bitwise_and(w, 2047), 2) \
            + jnp.right_shift(w, 11)
        idx2d[row, pl.ds(col, 16)] = rp
        return carry

    lax.fori_loop(0, IDX_ROWS * 8, add_offs, 0)

    rows = [rows0, rows1]
    wb_handles = [None, None]
    for c in range(NCHUNK):
        buf = rows[c % 2]
        if wb_handles[c % 2] is not None:
            wb_handles[c % 2].wait()
        ghandles = []
        for k in range(GPC):
            ghandles.append(pltpu.async_copy(
                table.at[idx2d.at[c * GPC + k]],
                buf.at[pl.ds(k * 128, 128)],
                gsem))
        for h in ghandles:
            h.wait()
        a = (c // 2) % 4
        u0 = CHUNK * (c % 2)
        wb_handles[c % 2] = pltpu.async_copy(
            buf,
            mu_out.at[pl.ds(wid * 2048 + u0, CHUNK), pl.ds(32 * a, VAE_DIMS)],
            wsem)
    for h in wb_handles:
        if h is not None:
            h.wait()


def _sc_gather(h2d, table):
    mesh = plsc.VectorSubcoreMesh(core_axis_name="c", subcore_axis_name="s")
    f = functools.partial(
        pl.kernel,
        mesh=mesh,
        compiler_params=pltpu.CompilerParams(use_tc_tiling_on_sc=False),
        out_type=jax.ShapeDtypeStruct((ROWS_TOTAL // 4, 128), jnp.float32),
        scratch_types=[
            pltpu.VMEM((IDX_ROWS, 128), jnp.int32),
            pltpu.VMEM((CHUNK, VAE_DIMS), jnp.float32),
            pltpu.VMEM((CHUNK, VAE_DIMS), jnp.float32),
            pltpu.SemaphoreType.DMA,
            pltpu.SemaphoreType.DMA,
        ],
    )(_sc_gather_body)
    return f(h2d, table)




def _finish_body(m_ref, o_ref):
    m = m_ref[...]
    t = jnp.swapaxes(m, 0, 1)
    for a in range(4):
        for bb in range(8):
            o_ref[8 * a + bb] = t[32 * a:32 * (a + 1),
                                  256 * bb:256 * (bb + 1)]


def _finish(mu4):
    return pl.pallas_call(
        _finish_body,
        grid=(ROWS_TOTAL // A_COLS,),
        in_specs=[pl.BlockSpec((2048, 128), lambda i: (i, 0))],
        out_specs=pl.BlockSpec((32, OUT_DIMS, NUM_PARTS), lambda i: (i, 0, 0)),
        out_shape=jax.ShapeDtypeStruct((BATCH, OUT_DIMS, NUM_PARTS), jnp.float32),
    )(mu4)


def kernel(hashes, embedding, pe, W, b):
    B, P = hashes.shape
    h2d = hashes.reshape(-1, 128)
    emb_t = embedding.T
    peb = pe + b[None, :]
    p4 = _project(emb_t, W.T, peb)
    table = p4.reshape(TABLE_ROWS, VAE_DIMS)
    mu4 = _sc_gather(h2d, table)
    out_t = _finish(mu4)
    return jnp.swapaxes(out_t, 1, 2)

# --- scband reference (transcript-rebuilt; emitter-appended) ---
"""Pipeline reference for scband-token-mapper-59940563583540 (READ-ONLY COPY).

The authoritative reference and input builder live on the scoring server;
editing this copy changes nothing except your own understanding.
"""

import jax, jax.numpy as jnp
import numpy as np

NUM_PARTS = 256
NUM_K = 2047  # num_k_per_part
VAE_DIMS = 32
OUT_DIMS = 32
BATCH = 1024


def setup_inputs(seed: int = 0) -> dict:
    key = jax.random.key(seed)
    k1, k2, k3, k4 = jax.random.split(key, 4)
    hashes = jax.random.randint(k1, (BATCH, NUM_PARTS), 0, NUM_K + 1, dtype=jnp.int32)
    # embedding table: ((num_k_per_part + 1) * num_parts, vae_dims), init N(0, 0.01)
    embedding = jax.random.normal(k2, ((NUM_K + 1) * NUM_PARTS, VAE_DIMS), dtype=jnp.float32) * 0.01
    # positional embedding: (num_parts, out_dims), init N(0, 1)
    pe = jax.random.normal(k3, (NUM_PARTS, OUT_DIMS), dtype=jnp.float32)
    # projection: single Linear(vae_dims -> out_dims)
    kw, kb = jax.random.split(k4)
    bound = 1.0 / np.sqrt(VAE_DIMS)
    W = jax.random.uniform(kw, (VAE_DIMS, OUT_DIMS), minval=-bound, maxval=bound, dtype=jnp.float32)
    b = jax.random.uniform(kb, (OUT_DIMS,), minval=-bound, maxval=bound, dtype=jnp.float32)
    return {"hashes": hashes, "embedding": embedding, "pe": pe, "W": W, "b": b}


def reference(hashes, embedding, pe, W, b):
    # forward(hashes, index=None, get_mu=False, input_is_mu=False)
    B = hashes.shape[0]
    num_parts = pe.shape[0]
    stride = embedding.shape[0] // num_parts  # num_k_per_part + 1
    offset = jnp.arange(num_parts, dtype=hashes.dtype) * stride
    idx = hashes + offset.reshape(1, -1)                 # [B, P]
    orig_mu = jnp.take(embedding, idx, axis=0)           # [B, P, vae_dims] gather
    pe_b = jnp.broadcast_to(pe[None, :, :], (B, num_parts, pe.shape[-1]))
    # concat_pe=False: projection(mu) + pe
    projected = jnp.einsum('bpd,do->bpo', orig_mu, W) + b + pe_b
    return projected

if __name__ == "__main__":
    import jax
    _d = setup_inputs()
    print(jax.jit(kernel)(*tuple(_d.values())))

</pallas_src>

<mosaic_0001>
#map = affine_map<(d0, d1) -> (0, 0)>
module attributes {stable_mosaic.version = 14 : i64} {
  func.func @_sc_gather_body(%arg0: i32, %arg1: i32, %arg2: memref<2048x128xi32, #tpu.memory_space<hbm>>, %arg3: memref<524288x32xf32, #tpu.memory_space<hbm>>, %arg4: memref<65536x128xf32, #tpu.memory_space<hbm>>, %arg5: memref<64x128xi32, #tpu.memory_space<vmem>>, %arg6: memref<1024x32xf32, #tpu.memory_space<vmem>>, %arg7: memref<1024x32xf32, #tpu.memory_space<vmem>>, %arg8: memref<!tpu.dma_semaphore, #tpu.memory_space<semaphore_mem>>, %arg9: memref<!tpu.dma_semaphore, #tpu.memory_space<semaphore_mem>>) attributes {dimension_semantics = [#tpu.dimension_semantics<core_parallel>, #tpu.dimension_semantics<subcore_parallel>], iteration_bounds = array<i64: 2, 16>, scalar_prefetch = 0 : i64, scratch_operands = 5 : i64, tpu.core_type = #tpu.core_type<sc_vector_subcore>, window_params = [{transform_indices = #map}, {transform_indices = #map}, {transform_indices = #map}]} {
    %mul3A = arith.constant 2 : i32
    %mul3A_0 = arith.muli %arg1, %mul3A : i32
    %add3A = arith.addi %mul3A_0, %arg0 : i32
    %mul3A_1 = arith.constant 64 : i32
    %mul3A_2 = arith.muli %add3A, %mul3A_1 : i32
    "tpu.region"() ({
      %run_scoped3A = tpu.sem_alloc : memref<!tpu.dma_semaphore, #tpu.memory_space<semaphore_mem>>
      %dma_start3A_1382 = arith.constant 0 : i32
      %dma_start3A_1383 = tpu.memref_slice %arg2[%mul3A_2, %dma_start3A_1382] : memref<2048x128xi32, #tpu.memory_space<hbm>> -> memref<64x128xi32, #tpu.memory_space<hbm>>
      %dma_start3A_1384 = arith.constant 0 : i32
      %dma_start3A_1385 = tpu.memref_slice %arg2[%mul3A_2, %dma_start3A_1384] : memref<2048x128xi32, #tpu.memory_space<hbm>> -> memref<64x128xi32, #tpu.memory_space<hbm>>
      tpu.enqueue_dma source(%dma_start3A_1385 : memref<64x128xi32, #tpu.memory_space<hbm>>) target(%arg5 : memref<64x128xi32, #tpu.memory_space<vmem>>) target_semaphore(%run_scoped3A : memref<!tpu.dma_semaphore, #tpu.memory_space<semaphore_mem>>)
      %dma_wait3A_1386 = arith.constant 0 : i32
      %dma_wait3A_1387 = tpu.memref_slice %arg2[%mul3A_2, %dma_wait3A_1386] : memref<2048x128xi32, #tpu.memory_space<hbm>> -> memref<64x128xi32, #tpu.memory_space<hbm>>
      %dma_wait3A_1388 = arith.constant 0 : i32
      %dma_wait3A_1389 = tpu.memref_slice %arg2[%mul3A_2, %dma_wait3A_1388] : memref<2048x128xi32, #tpu.memory_space<hbm>> -> memref<64x128xi32, #tpu.memory_space<hbm>>
      tpu.wait_dma2 semaphore(%run_scoped3A : memref<!tpu.dma_semaphore, #tpu.memory_space<semaphore_mem>>) src(%dma_wait3A_1389 : memref<64x128xi32, #tpu.memory_space<hbm>>) dst(%arg5 : memref<64x128xi32, #tpu.memory_space<vmem>>)
      tpu.yield
    }) : () -> ()
    %iota3A = tpu.iota {dimensions = array<i32: 0>} : vector<16xi32>
    %scan3A = arith.constant 0 : i32
    %scan3A_3 = arith.constant 0 : i32
    %scan3A_4 = arith.constant 512 : i32
    %scan3A_5 = arith.addi %scan3A_3, %scan3A_4 : i32
    %scan3A_6 = arith.constant 1 : i32
    scf.for %scan3A_1382 = %scan3A_3 to %scan3A_5 step %scan3A_6  : i32 {
      %jit3A = arith.constant 8 : i32
      %div3A = arith.divsi %scan3A_1382, %jit3A : i32
      %sign3A = arith.constant 0 : i32
      %sign3A_1383 = arith.cmpi sgt, %scan3A_1382, %sign3A : i32
      %sign3A_1384 = arith.extui %sign3A_1383 : i1 to i32
      %sign3A_1385 = arith.constant 0 : i32
      %sign3A_1386 = arith.cmpi slt, %scan3A_1382, %sign3A_1385 : i32
      %sign3A_1387 = arith.extui %sign3A_1386 : i1 to i32
      %sign3A_1388 = arith.subi %sign3A_1384, %sign3A_1387 : i32
      %sign3A_1389 = arith.constant 0 : i32
      %sign3A_1390 = arith.cmpi sgt, %jit3A, %sign3A_1389 : i32
      %sign3A_1391 = arith.extui %sign3A_1390 : i1 to i32
      %sign3A_1392 = arith.constant 0 : i32
      %sign3A_1393 = arith.cmpi slt, %jit3A, %sign3A_1392 : i32
      %sign3A_1394 = arith.extui %sign3A_1393 : i1 to i32
      %sign3A_1395 = arith.subi %sign3A_1391, %sign3A_1394 : i32
      %ne3A = arith.cmpi ne, %sign3A_1388, %sign3A_1395 : i32
      %rem3A = arith.remsi %scan3A_1382, %jit3A : i32
      %ne3A_1396 = arith.constant 0 : i32
      %ne3A_1397 = arith.cmpi ne, %rem3A, %ne3A_1396 : i32
      %and3A = arith.andi %ne3A, %ne3A_1397 : i1
      %sub3A = arith.constant 1 : i32
      %sub3A_1398 = arith.subi %div3A, %sub3A : i32
      %select_n3A = arith.select %and3A, %sub3A_1398, %div3A : i32
      %jit3A_1399 = arith.constant 8 : i32
      %eq3A = arith.constant 0 : i32
      %eq3A_1400 = arith.cmpi eq, %jit3A_1399, %eq3A : i32
      %jit3A_1401 = arith.constant 1 : i32
      %select_n3A_1402 = arith.select %eq3A_1400, %jit3A_1401, %jit3A_1399 : i32
      %rem3A_1403 = arith.remsi %scan3A_1382, %select_n3A_1402 : i32
      %ne3A_1404 = arith.constant 0 : i32
      %ne3A_1405 = arith.cmpi ne, %rem3A_1403, %ne3A_1404 : i32
      %lt3A = arith.constant 0 : i32
      %lt3A_1406 = arith.cmpi slt, %rem3A_1403, %lt3A : i32
      %lt3A_1407 = arith.constant 0 : i32
      %lt3A_1408 = arith.cmpi slt, %select_n3A_1402, %lt3A_1407 : i32
      %ne3A_1409 = arith.xori %lt3A_1406, %lt3A_1408 : i1
      %and3A_1410 = arith.andi %ne3A_1409, %ne3A_1405 : i1
      %add3A_1411 = arith.addi %rem3A_1403, %select_n3A_1402 : i32
      %select_n3A_1412 = arith.select %and3A_1410, %add3A_1411, %rem3A_1403 : i32
      %mul3A_1413 = arith.constant 16 : i32
      %mul3A_1414 = arith.muli %select_n3A_1412, %mul3A_1413 : i32
      %jit3A_1415 = arith.constant 16 : i32
      %eq3A_1416 = arith.constant 0 : i32
      %eq3A_1417 = arith.cmpi eq, %jit3A_1415, %eq3A_1416 : i32
      %jit3A_1418 = arith.constant 1 : i32
      %select_n3A_1419 = arith.select %eq3A_1417, %jit3A_1418, %jit3A_1415 : i32
      %rem3A_1420 = arith.remsi %scan3A_1382, %select_n3A_1419 : i32
      %ne3A_1421 = arith.constant 0 : i32
      %ne3A_1422 = arith.cmpi ne, %rem3A_1420, %ne3A_1421 : i32
      %lt3A_1423 = arith.constant 0 : i32
      %lt3A_1424 = arith.cmpi slt, %rem3A_1420, %lt3A_1423 : i32
      %lt3A_1425 = arith.constant 0 : i32
      %lt3A_1426 = arith.cmpi slt, %select_n3A_1419, %lt3A_1425 : i32
      %ne3A_1427 = arith.xori %lt3A_1424, %lt3A_1426 : i1
      %and3A_1428 = arith.andi %ne3A_1427, %ne3A_1422 : i1
      %add3A_1429 = arith.addi %rem3A_1420, %select_n3A_1419 : i32
      %select_n3A_1430 = arith.select %and3A_1428, %add3A_1429, %rem3A_1420 : i32
      %mul3A_1431 = arith.constant 16 : i32
      %mul3A_1432 = arith.muli %select_n3A_1430, %mul3A_1431 : i32
      %add3A_1433 = vector.broadcast %mul3A_1432 : i32 to vector<16xi32>
      %add3A_1434 = arith.addi %add3A_1433, %iota3A : vector<16xi32>
      %mul3A_1435 = arith.constant 2048 : i32
      %mul3A_1436 = vector.broadcast %mul3A_1435 : i32 to vector<16xi32>
      %mul3A_1437 = arith.muli %add3A_1434, %mul3A_1436 : vector<16xi32>
      %get3A = arith.index_cast %select_n3A : i32 to index
      %get3A_1438 = arith.index_cast %mul3A_1414 : i32 to index
      %get3A_1439 = tpu.vector_load %arg5[%get3A, %get3A_1438] {strides = array<i32>} : memref<64x128xi32, #tpu.memory_space<vmem>>, vector<1x16xi32>,
      %get3A_1440 = vector.shape_cast %get3A_1439 : vector<1x16xi32> to vector<16xi32>
      %add3A_1441 = arith.addi %get3A_1440, %mul3A_1437 : vector<16xi32>
      %and3A_1442 = arith.constant 8191 : i32
      %and3A_1443 = vector.broadcast %and3A_1442 : i32 to vector<16xi32>
      %and3A_1444 = arith.andi %add3A_1441, %and3A_1443 : vector<16xi32>
      %sub3A_1445 = arith.subi %add3A_1441, %and3A_1444 : vector<16xi32>
      %and3A_1446 = arith.constant 2047 : i32
      %and3A_1447 = vector.broadcast %and3A_1446 : i32 to vector<16xi32>
      %and3A_1448 = arith.andi %and3A_1444, %and3A_1447 : vector<16xi32>
      %shift_left3A = arith.constant 2 : i32
      %shift_left3A_1449 = vector.broadcast %shift_left3A : i32 to vector<16xi32>
      %shift_left3A_1450 = arith.shli %and3A_1448, %shift_left3A_1449 : vector<16xi32>
      %add3A_1451 = arith.addi %sub3A_1445, %shift_left3A_1450 : vector<16xi32>
      %shift_right_arithmetic3A = arith.constant 11 : i32
      %shift_right_arithmetic3A_1452 = vector.broadcast %shift_right_arithmetic3A : i32 to vector<16xi32>
      %shift_right_arithmetic3A_1453 = arith.shrsi %and3A_1444, %shift_right_arithmetic3A_1452 : vector<16xi32>
      %add3A_1454 = arith.addi %add3A_1451, %shift_right_arithmetic3A_1453 : vector<16xi32>
      %swap3A = arith.index_cast %select_n3A : i32 to index
      %swap3A_1455 = arith.index_cast %mul3A_1414 : i32 to index
      %swap3A_1456 = tpu.vector_load %arg5[%swap3A, %swap3A_1455] {strides = array<i32>} : memref<64x128xi32, #tpu.memory_space<vmem>>, vector<1x16xi32>,
      %swap3A_1457 = vector.shape_cast %swap3A_1456 : vector<1x16xi32> to vector<16xi32>
      %swap3A_1458 = vector.shape_cast %add3A_1454 : vector<16xi32> to vector<1x16xi32>
      tpu.vector_store %arg5[%swap3A, %swap3A_1455], %swap3A_1458 {strides = array<i32>} : memref<64x128xi32, #tpu.memory_space<vmem>>, vector<1x16xi32>,
    }
    %scan3A_7 = arith.constant 512 : i32
    %dma_start3A = arith.constant 0 : i32
    %dma_start3A_8 = arith.constant 0 : i32
    %dma_start3A_9 = arith.constant 0 : i32
    %dma_start3A_10 = tpu.memref_slice %arg6[%dma_start3A_8, %dma_start3A_9] : memref<1024x32xf32, #tpu.memory_space<vmem>> -> memref<128x32xf32, #tpu.memory_space<vmem>>
    %dma_start3A_11 = arith.constant 0 : i32
    %dma_start3A_12 = tpu.memref_slice %arg5[%dma_start3A, %dma_start3A_11] : memref<64x128xi32, #tpu.memory_space<vmem>> -> memref<1x128xi32, #tpu.memory_space<vmem>>
    %dma_start3A_13 = tpu.memref_squeeze %dma_start3A_12 : memref<1x128xi32, #tpu.memory_space<vmem>> -> memref<128xi32, #tpu.memory_space<vmem>>
    %dma_start3A_14 = arith.constant 0 : i32
    %dma_start3A_15 = arith.constant 0 : i32
    %dma_start3A_16 = tpu.memref_slice %arg3[%dma_start3A_14, %dma_start3A_15] : memref<524288x32xf32, #tpu.memory_space<hbm>> -> memref<524288x32xf32, #tpu.memory_space<hbm>>
    tpu.enqueue_indirect_dma source(%dma_start3A_16 : memref<524288x32xf32, #tpu.memory_space<hbm>>) target(%dma_start3A_10 : memref<128x32xf32, #tpu.memory_space<vmem>>) offsets(%dma_start3A_13 : memref<128xi32, #tpu.memory_space<vmem>>) semaphore(%arg8 : memref<!tpu.dma_semaphore, #tpu.memory_space<semaphore_mem>>)
    %dma_start3A_17 = arith.constant 1 : i32
    %dma_start3A_18 = arith.constant 128 : i32
    %dma_start3A_19 = arith.constant 0 : i32
    %dma_start3A_20 = tpu.memref_slice %arg6[%dma_start3A_18, %dma_start3A_19] : memref<1024x32xf32, #tpu.memory_space<vmem>> -> memref<128x32xf32, #tpu.memory_space<vmem>>
    %dma_start3A_21 = arith.constant 0 : i32
    %dma_start3A_22 = tpu.memref_slice %arg5[%dma_start3A_17, %dma_start3A_21] : memref<64x128xi32, #tpu.memory_space<vmem>> -> memref<1x128xi32, #tpu.memory_space<vmem>>
    %dma_start3A_23 = tpu.memref_squeeze %dma_start3A_22 : memref<1x128xi32, #tpu.memory_space<vmem>> -> memref<128xi32, #tpu.memory_space<vmem>>
    %dma_start3A_24 = arith.constant 0 : i32
    %dma_start3A_25 = arith.constant 0 : i32
    %dma_start3A_26 = tpu.memref_slice %arg3[%dma_start3A_24, %dma_start3A_25] : memref<524288x32xf32, #tpu.memory_space<hbm>> -> memref<524288x32xf32, #tpu.memory_space<hbm>>
    tpu.enqueue_indirect_dma source(%dma_start3A_26 : memref<524288x32xf32, #tpu.memory_space<hbm>>) target(%dma_start3A_20 : memref<128x32xf32, #tpu.memory_space<vmem>>) offsets(%dma_start3A_23 : memref<128xi32, #tpu.memory_space<vmem>>) semaphore(%arg8 : memref<!tpu.dma_semaphore, #tpu.memory_space<semaphore_mem>>)
    %dma_start3A_27 = arith.constant 2 : i32
    %dma_start3A_28 = arith.constant 256 : i32
    %dma_start3A_29 = arith.constant 0 : i32
    %dma_start3A_30 = tpu.memref_slice %arg6[%dma_start3A_28, %dma_start3A_29] : memref<1024x32xf32, #tpu.memory_space<vmem>> -> memref<128x32xf32, #tpu.memory_space<vmem>>
    %dma_start3A_31 = arith.constant 0 : i32
    %dma_start3A_32 = tpu.memref_slice %arg5[%dma_start3A_27, %dma_start3A_31] : memref<64x128xi32, #tpu.memory_space<vmem>> -> memref<1x128xi32, #tpu.memory_space<vmem>>
    %dma_start3A_33 = tpu.memref_squeeze %dma_start3A_32 : memref<1x128xi32, #tpu.memory_space<vmem>> -> memref<128xi32, #tpu.memory_space<vmem>>
    %dma_start3A_34 = arith.constant 0 : i32
    %dma_start3A_35 = arith.constant 0 : i32
    %dma_start3A_36 = tpu.memref_slice %arg3[%dma_start3A_34, %dma_start3A_35] : memref<524288x32xf32, #tpu.memory_space<hbm>> -> memref<524288x32xf32, #tpu.memory_space<hbm>>
    tpu.enqueue_indirect_dma source(%dma_start3A_36 : memref<524288x32xf32, #tpu.memory_space<hbm>>) target(%dma_start3A_30 : memref<128x32xf32, #tpu.memory_space<vmem>>) offsets(%dma_start3A_33 : memref<128xi32, #tpu.memory_space<vmem>>) semaphore(%arg8 : memref<!tpu.dma_semaphore, #tpu.memory_space<semaphore_mem>>)
    %dma_start3A_37 = arith.constant 3 : i32
    %dma_start3A_38 = arith.constant 384 : i32
    %dma_start3A_39 = arith.constant 0 : i32
    %dma_start3A_40 = tpu.memref_slice %arg6[%dma_start3A_38, %dma_start3A_39] : memref<1024x32xf32, #tpu.memory_space<vmem>> -> memref<128x32xf32, #tpu.memory_space<vmem>>
    %dma_start3A_41 = arith.constant 0 : i32
    %dma_start3A_42 = tpu.memref_slice %arg5[%dma_start3A_37, %dma_start3A_41] : memref<64x128xi32, #tpu.memory_space<vmem>> -> memref<1x128xi32, #tpu.memory_space<vmem>>
    %dma_start3A_43 = tpu.memref_squeeze %dma_start3A_42 : memref<1x128xi32, #tpu.memory_space<vmem>> -> memref<128xi32, #tpu.memory_space<vmem>>
    %dma_start3A_44 = arith.constant 0 : i32
    %dma_start3A_45 = arith.constant 0 : i32
    %dma_start3A_46 = tpu.memref_slice %arg3[%dma_start3A_44, %dma_start3A_45] : memref<524288x32xf32, #tpu.memory_space<hbm>> -> memref<524288x32xf32, #tpu.memory_space<hbm>>
    tpu.enqueue_indirect_dma source(%dma_start3A_46 : memref<524288x32xf32, #tpu.memory_space<hbm>>) target(%dma_start3A_40 : memref<128x32xf32, #tpu.memory_space<vmem>>) offsets(%dma_start3A_43 : memref<128xi32, #tpu.memory_space<vmem>>) semaphore(%arg8 : memref<!tpu.dma_semaphore, #tpu.memory_space<semaphore_mem>>)
    %dma_start3A_47 = arith.constant 4 : i32
    %dma_start3A_48 = arith.constant 512 : i32
    %dma_start3A_49 = arith.constant 0 : i32
    %dma_start3A_50 = tpu.memref_slice %arg6[%dma_start3A_48, %dma_start3A_49] : memref<1024x32xf32, #tpu.memory_space<vmem>> -> memref<128x32xf32, #tpu.memory_space<vmem>>
    %dma_start3A_51 = arith.constant 0 : i32
    %dma_start3A_52 = tpu.memref_slice %arg5[%dma_start3A_47, %dma_start3A_51] : memref<64x128xi32, #tpu.memory_space<vmem>> -> memref<1x128xi32, #tpu.memory_space<vmem>>
    %dma_start3A_53 = tpu.memref_squeeze %dma_start3A_52 : memref<1x128xi32, #tpu.memory_space<vmem>> -> memref<128xi32, #tpu.memory_space<vmem>>
    %dma_start3A_54 = arith.constant 0 : i32
    %dma_start3A_55 = arith.constant 0 : i32
    %dma_start3A_56 = tpu.memref_slice %arg3[%dma_start3A_54, %dma_start3A_55] : memref<524288x32xf32, #tpu.memory_space<hbm>> -> memref<524288x32xf32, #tpu.memory_space<hbm>>
    tpu.enqueue_indirect_dma source(%dma_start3A_56 : memref<524288x32xf32, #tpu.memory_space<hbm>>) target(%dma_start3A_50 : memref<128x32xf32, #tpu.memory_space<vmem>>) offsets(%dma_start3A_53 : memref<128xi32, #tpu.memory_space<vmem>>) semaphore(%arg8 : memref<!tpu.dma_semaphore, #tpu.memory_space<semaphore_mem>>)
    %dma_start3A_57 = arith.constant 5 : i32
    %dma_start3A_58 = arith.constant 640 : i32
    %dma_start3A_59 = arith.constant 0 : i32
    %dma_start3A_60 = tpu.memref_slice %arg6[%dma_start3A_58, %dma_start3A_59] : memref<1024x32xf32, #tpu.memory_space<vmem>> -> memref<128x32xf32, #tpu.memory_space<vmem>>
    %dma_start3A_61 = arith.constant 0 : i32
    %dma_start3A_62 = tpu.memref_slice %arg5[%dma_start3A_57, %dma_start3A_61] : memref<64x128xi32, #tpu.memory_space<vmem>> -> memref<1x128xi32, #tpu.memory_space<vmem>>
    %dma_start3A_63 = tpu.memref_squeeze %dma_start3A_62 : memref<1x128xi32, #tpu.memory_space<vmem>> -> memref<128xi32, #tpu.memory_space<vmem>>
    %dma_start3A_64 = arith.constant 0 : i32
    %dma_start3A_65 = arith.constant 0 : i32
    %dma_start3A_66 = tpu.memref_slice %arg3[%dma_start3A_64, %dma_start3A_65] : memref<524288x32xf32, #tpu.memory_space<hbm>> -> memref<524288x32xf32, #tpu.memory_space<hbm>>
    tpu.enqueue_indirect_dma source(%dma_start3A_66 : memref<524288x32xf32, #tpu.memory_space<hbm>>) target(%dma_start3A_60 : memref<128x32xf32, #tpu.memory_space<vmem>>) offsets(%dma_start3A_63 : memref<128xi32, #tpu.memory_space<vmem>>) semaphore(%arg8 : memref<!tpu.dma_semaphore, #tpu.memory_space<semaphore_mem>>)
    %dma_start3A_67 = arith.constant 6 : i32
    %dma_start3A_68 = arith.constant 768 : i32
    %dma_start3A_69 = arith.constant 0 : i32
    %dma_start3A_70 = tpu.memref_slice %arg6[%dma_start3A_68, %dma_start3A_69] : memref<1024x32xf32, #tpu.memory_space<vmem>> -> memref<128x32xf32, #tpu.memory_space<vmem>>
    %dma_start3A_71 = arith.constant 0 : i32
    %dma_start3A_72 = tpu.memref_slice %arg5[%dma_start3A_67, %dma_start3A_71] : memref<64x128xi32, #tpu.memory_space<vmem>> -> memref<1x128xi32, #tpu.memory_space<vmem>>
    %dma_start3A_73 = tpu.memref_squeeze %dma_start3A_72 : memref<1x128xi32, #tpu.memory_space<vmem>> -> memref<128xi32, #tpu.memory_space<vmem>>
    %dma_start3A_74 = arith.constant 0 : i32
    %dma_start3A_75 = arith.constant 0 : i32
    %dma_start3A_76 = tpu.memref_slice %arg3[%dma_start3A_74, %dma_start3A_75] : memref<524288x32xf32, #tpu.memory_space<hbm>> -> memref<524288x32xf32, #tpu.memory_space<hbm>>
    tpu.enqueue_indirect_dma source(%dma_start3A_76 : memref<524288x32xf32, #tpu.memory_space<hbm>>) target(%dma_start3A_70 : memref<128x32xf32, #tpu.memory_space<vmem>>) offsets(%dma_start3A_73 : memref<128xi32, #tpu.memory_space<vmem>>) semaphore(%arg8 : memref<!tpu.dma_semaphore, #tpu.memory_space<semaphore_mem>>)
    %dma_start3A_77 = arith.constant 7 : i32
    %dma_start3A_78 = arith.constant 896 : i32
    %dma_start3A_79 = arith.constant 0 : i32
    %dma_start3A_80 = tpu.memref_slice %arg6[%dma_start3A_78, %dma_start3A_79] : memref<1024x32xf32, #tpu.memory_space<vmem>> -> memref<128x32xf32, #tpu.memory_space<vmem>>
    %dma_start3A_81 = arith.constant 0 : i32
    %dma_start3A_82 = tpu.memref_slice %arg5[%dma_start3A_77, %dma_start3A_81] : memref<64x128xi32, #tpu.memory_space<vmem>> -> memref<1x128xi32, #tpu.memory_space<vmem>>
    %dma_start3A_83 = tpu.memref_squeeze %dma_start3A_82 : memref<1x128xi32, #tpu.memory_space<vmem>> -> memref<128xi32, #tpu.memory_space<vmem>>
    %dma_start3A_84 = arith.constant 0 : i32
    %dma_start3A_85 = arith.constant 0 : i32
    %dma_start3A_86 = tpu.memref_slice %arg3[%dma_start3A_84, %dma_start3A_85] : memref<524288x32xf32, #tpu.memory_space<hbm>> -> memref<524288x32xf32, #tpu.memory_space<hbm>>
    tpu.enqueue_indirect_dma source(%dma_start3A_86 : memref<524288x32xf32, #tpu.memory_space<hbm>>) target(%dma_start3A_80 : memref<128x32xf32, #tpu.memory_space<vmem>>) offsets(%dma_start3A_83 : memref<128xi32, #tpu.memory_space<vmem>>) semaphore(%arg8 : memref<!tpu.dma_semaphore, #tpu.memory_space<semaphore_mem>>)
    %dma_wait3A = arith.constant 0 : i32
    %dma_wait3A_87 = arith.constant 0 : i32
    %dma_wait3A_88 = arith.constant 0 : i32
    %dma_wait3A_89 = tpu.memref_slice %arg6[%dma_wait3A_87, %dma_wait3A_88] : memref<1024x32xf32, #tpu.memory_space<vmem>> -> memref<128x32xf32, #tpu.memory_space<vmem>>
    %dma_wait3A_90 = arith.constant 0 : i32
    %dma_wait3A_91 = tpu.memref_slice %arg5[%dma_wait3A, %dma_wait3A_90] : memref<64x128xi32, #tpu.memory_space<vmem>> -> memref<1x128xi32, #tpu.memory_space<vmem>>
    %dma_wait3A_92 = tpu.memref_squeeze %dma_wait3A_91 : memref<1x128xi32, #tpu.memory_space<vmem>> -> memref<128xi32, #tpu.memory_space<vmem>>
    %dma_wait3A_93 = arith.constant 0 : i32
    %dma_wait3A_94 = arith.constant 0 : i32
    %dma_wait3A_95 = tpu.memref_slice %arg3[%dma_wait3A_93, %dma_wait3A_94] : memref<524288x32xf32, #tpu.memory_space<hbm>> -> memref<524288x32xf32, #tpu.memory_space<hbm>>
    tpu.wait_indirect_dma semaphore(%arg8 : memref<!tpu.dma_semaphore, #tpu.memory_space<semaphore_mem>>) src(%dma_wait3A_95 : memref<524288x32xf32, #tpu.memory_space<hbm>>) dst(%dma_wait3A_89 : memref<128x32xf32, #tpu.memory_space<vmem>>)
    %dma_wait3A_96 = arith.constant 1 : i32
    %dma_wait3A_97 = arith.constant 128 : i32
    %dma_wait3A_98 = arith.constant 0 : i32
    %dma_wait3A_99 = tpu.memref_slice %arg6[%dma_wait3A_97, %dma_wait3A_98] : memref<1024x32xf32, #tpu.memory_space<vmem>> -> memref<128x32xf32, #tpu.memory_space<vmem>>
    %dma_wait3A_100 = arith.constant 0 : i32
    %dma_wait3A_101 = tpu.memref_slice %arg5[%dma_wait3A_96, %dma_wait3A_100] : memref<64x128xi32, #tpu.memory_space<vmem>> -> memref<1x128xi32, #tpu.memory_space<vmem>>
    %dma_wait3A_102 = tpu.memref_squeeze %dma_wait3A_101 : memref<1x128xi32, #tpu.memory_space<vmem>> -> memref<128xi32, #tpu.memory_space<vmem>>
    %dma_wait3A_103 = arith.constant 0 : i32
    %dma_wait3A_104 = arith.constant 0 : i32
    %dma_wait3A_105 = tpu.memref_slice %arg3[%dma_wait3A_103, %dma_wait3A_104] : memref<524288x32xf32, #tpu.memory_space<hbm>> -> memref<524288x32xf32, #tpu.memory_space<hbm>>
    tpu.wait_indirect_dma semaphore(%arg8 : memref<!tpu.dma_semaphore, #tpu.memory_space<semaphore_mem>>) src(%dma_wait3A_105 : memref<524288x32xf32, #tpu.memory_space<hbm>>) dst(%dma_wait3A_99 : memref<128x32xf32, #tpu.memory_space<vmem>>)
    %dma_wait3A_106 = arith.constant 2 : i32
    %dma_wait3A_107 = arith.constant 256 : i32
    %dma_wait3A_108 = arith.constant 0 : i32
    %dma_wait3A_109 = tpu.memref_slice %arg6[%dma_wait3A_107, %dma_wait3A_108] : memref<1024x32xf32, #tpu.memory_space<vmem>> -> memref<128x32xf32, #tpu.memory_space<vmem>>
    %dma_wait3A_110 = arith.constant 0 : i32
    %dma_wait3A_111 = tpu.memref_slice %arg5[%dma_wait3A_106, %dma_wait3A_110] : memref<64x128xi32, #tpu.memory_space<vmem>> -> memref<1x128xi32, #tpu.memory_space<vmem>>
    %dma_wait3A_112 = tpu.memref_squeeze %dma_wait3A_111 : memref<1x128xi32, #tpu.memory_space<vmem>> -> memref<128xi32, #tpu.memory_space<vmem>>
    %dma_wait3A_113 = arith.constant 0 : i32
    %dma_wait3A_114 = arith.constant 0 : i32
    %dma_wait3A_115 = tpu.memref_slice %arg3[%dma_wait3A_113, %dma_wait3A_114] : memref<524288x32xf32, #tpu.memory_space<hbm>> -> memref<524288x32xf32, #tpu.memory_space<hbm>>
    tpu.wait_indirect_dma semaphore(%arg8 : memref<!tpu.dma_semaphore, #tpu.memory_space<semaphore_mem>>) src(%dma_wait3A_115 : memref<524288x32xf32, #tpu.memory_space<hbm>>) dst(%dma_wait3A_109 : memref<128x32xf32, #tpu.memory_space<vmem>>)
    %dma_wait3A_116 = arith.constant 3 : i32
    %dma_wait3A_117 = arith.constant 384 : i32
    %dma_wait3A_118 = arith.constant 0 : i32
    %dma_wait3A_119 = tpu.memref_slice %arg6[%dma_wait3A_117, %dma_wait3A_118] : memref<1024x32xf32, #tpu.memory_space<vmem>> -> memref<128x32xf32, #tpu.memory_space<vmem>>
    %dma_wait3A_120 = arith.constant 0 : i32
    %dma_wait3A_121 = tpu.memref_slice %arg5[%dma_wait3A_116, %dma_wait3A_120] : memref<64x128xi32, #tpu.memory_space<vmem>> -> memref<1x128xi32, #tpu.memory_space<vmem>>
    %dma_wait3A_122 = tpu.memref_squeeze %dma_wait3A_121 : memref<1x128xi32, #tpu.memory_space<vmem>> -> memref<128xi32, #tpu.memory_space<vmem>>
    %dma_wait3A_123 = arith.constant 0 : i32
    %dma_wait3A_124 = arith.constant 0 : i32
    %dma_wait3A_125 = tpu.memref_slice %arg3[%dma_wait3A_123, %dma_wait3A_124] : memref<524288x32xf32, #tpu.memory_space<hbm>> -> memref<524288x32xf32, #tpu.memory_space<hbm>>
    tpu.wait_indirect_dma semaphore(%arg8 : memref<!tpu.dma_semaphore, #tpu.memory_space<semaphore_mem>>) src(%dma_wait3A_125 : memref<524288x32xf32, #tpu.memory_space<hbm>>) dst(%dma_wait3A_119 : memref<128x32xf32, #tpu.memory_space<vmem>>)
    %dma_wait3A_126 = arith.constant 4 : i32
    %dma_wait3A_127 = arith.constant 512 : i32
    %dma_wait3A_128 = arith.constant 0 : i32
    %dma_wait3A_129 = tpu.memref_slice %arg6[%dma_wait3A_127, %dma_wait3A_128] : memref<1024x32xf32, #tpu.memory_space<vmem>> -> memref<128x32xf32, #tpu.memory_space<vmem>>
    %dma_wait3A_130 = arith.constant 0 : i32
    %dma_wait3A_131 = tpu.memref_slice %arg5[%dma_wait3A_126, %dma_wait3A_130] : memref<64x128xi32, #tpu.memory_space<vmem>> -> memref<1x128xi32, #tpu.memory_space<vmem>>
    %dma_wait3A_132 = tpu.memref_squeeze %dma_wait3A_131 : memref<1x128xi32, #tpu.memory_space<vmem>> -> memref<128xi32, #tpu.memory_space<vmem>>
    %dma_wait3A_133 = arith.constant 0 : i32
    %dma_wait3A_134 = arith.constant 0 : i32
    %dma_wait3A_135 = tpu.memref_slice %arg3[%dma_wait3A_133, %dma_wait3A_134] : memref<524288x32xf32, #tpu.memory_space<hbm>> -> memref<524288x32xf32, #tpu.memory_space<hbm>>
    tpu.wait_indirect_dma semaphore(%arg8 : memref<!tpu.dma_semaphore, #tpu.memory_space<semaphore_mem>>) src(%dma_wait3A_135 : memref<524288x32xf32, #tpu.memory_space<hbm>>) dst(%dma_wait3A_129 : memref<128x32xf32, #tpu.memory_space<vmem>>)
    %dma_wait3A_136 = arith.constant 5 : i32
    %dma_wait3A_137 = arith.constant 640 : i32
    %dma_wait3A_138 = arith.constant 0 : i32
    %dma_wait3A_139 = tpu.memref_slice %arg6[%dma_wait3A_137, %dma_wait3A_138] : memref<1024x32xf32, #tpu.memory_space<vmem>> -> memref<128x32xf32, #tpu.memory_space<vmem>>
    %dma_wait3A_140 = arith.constant 0 : i32
    %dma_wait3A_141 = tpu.memref_slice %arg5[%dma_wait3A_136, %dma_wait3A_140] : memref<64x128xi32, #tpu.memory_space<vmem>> -> memref<1x128xi32, #tpu.memory_space<vmem>>
    %dma_wait3A_142 = tpu.memref_squeeze %dma_wait3A_141 : memref<1x128xi32, #tpu.memory_space<vmem>> -> memref<128xi32, #tpu.memory_space<vmem>>
    %dma_wait3A_143 = arith.constant 0 : i32
    %dma_wait3A_144 = arith.constant 0 : i32
    %dma_wait3A_145 = tpu.memref_slice %arg3[%dma_wait3A_143, %dma_wait3A_144] : memref<524288x32xf32, #tpu.memory_space<hbm>> -> memref<524288x32xf32, #tpu.memory_space<hbm>>
    tpu.wait_indirect_dma semaphore(%arg8 : memref<!tpu.dma_semaphore, #tpu.memory_space<semaphore_mem>>) src(%dma_wait3A_145 : memref<524288x32xf32, #tpu.memory_space<hbm>>) dst(%dma_wait3A_139 : memref<128x32xf32, #tpu.memory_space<vmem>>)
    %dma_wait3A_146 = arith.constant 6 : i32
    %dma_wait3A_147 = arith.constant 768 : i32
    %dma_wait3A_148 = arith.constant 0 : i32
    %dma_wait3A_149 = tpu.memref_slice %arg6[%dma_wait3A_147, %dma_wait3A_148] : memref<1024x32xf32, #tpu.memory_space<vmem>> -> memref<128x32xf32, #tpu.memory_space<vmem>>
    %dma_wait3A_150 = arith.constant 0 : i32
    %dma_wait3A_151 = tpu.memref_slice %arg5[%dma_wait3A_146, %dma_wait3A_150] : memref<64x128xi32, #tpu.memory_space<vmem>> -> memref<1x128xi32, #tpu.memory_space<vmem>>
    %dma_wait3A_152 = tpu.memref_squeeze %dma_wait3A_151 : memref<1x128xi32, #tpu.memory_space<vmem>> -> memref<128xi32, #tpu.memory_space<vmem>>
    %dma_wait3A_153 = arith.constant 0 : i32
    %dma_wait3A_154 = arith.constant 0 : i32
    %dma_wait3A_155 = tpu.memref_slice %arg3[%dma_wait3A_153, %dma_wait3A_154] : memref<524288x32xf32, #tpu.memory_space<hbm>> -> memref<524288x32xf32, #tpu.memory_space<hbm>>
    tpu.wait_indirect_dma semaphore(%arg8 : memref<!tpu.dma_semaphore, #tpu.memory_space<semaphore_mem>>) src(%dma_wait3A_155 : memref<524288x32xf32, #tpu.memory_space<hbm>>) dst(%dma_wait3A_149 : memref<128x32xf32, #tpu.memory_space<vmem>>)
    %dma_wait3A_156 = arith.constant 7 : i32
    %dma_wait3A_157 = arith.constant 896 : i32
    %dma_wait3A_158 = arith.constant 0 : i32
    %dma_wait3A_159 = tpu.memref_slice %arg6[%dma_wait3A_157, %dma_wait3A_158] : memref<1024x32xf32, #tpu.memory_space<vmem>> -> memref<128x32xf32, #tpu.memory_space<vmem>>
    %dma_wait3A_160 = arith.constant 0 : i32
    %dma_wait3A_161 = tpu.memref_slice %arg5[%dma_wait3A_156, %dma_wait3A_160] : memref<64x128xi32, #tpu.memory_space<vmem>> -> memref<1x128xi32, #tpu.memory_space<vmem>>
    %dma_wait3A_162 = tpu.memref_squeeze %dma_wait3A_161 : memref<1x128xi32, #tpu.memory_space<vmem>> -> memref<128xi32, #tpu.memory_space<vmem>>
    %dma_wait3A_163 = arith.constant 0 : i32
    %dma_wait3A_164 = arith.constant 0 : i32
    %dma_wait3A_165 = tpu.memref_slice %arg3[%dma_wait3A_163, %dma_wait3A_164] : memref<524288x32xf32, #tpu.memory_space<hbm>> -> memref<524288x32xf32, #tpu.memory_space<hbm>>
    tpu.wait_indirect_dma semaphore(%arg8 : memref<!tpu.dma_semaphore, #tpu.memory_space<semaphore_mem>>) src(%dma_wait3A_165 : memref<524288x32xf32, #tpu.memory_space<hbm>>) dst(%dma_wait3A_159 : memref<128x32xf32, #tpu.memory_space<vmem>>)
    %mul3A_166 = arith.constant 2048 : i32
    %mul3A_167 = arith.muli %add3A, %mul3A_166 : i32
    %add3A_168 = arith.constant 0 : i32
    %add3A_169 = arith.addi %mul3A_167, %add3A_168 : i32
    %dma_start3A_170 = arith.constant 0 : i32
    %dma_start3A_171 = tpu.memref_slice %arg4[%add3A_169, %dma_start3A_170] : memref<65536x128xf32, #tpu.memory_space<hbm>> -> memref<1024x32xf32, #tpu.memory_space<hbm>>
    %dma_start3A_172 = arith.constant 0 : i32
    %dma_start3A_173 = tpu.memref_slice %arg4[%add3A_169, %dma_start3A_172] : memref<65536x128xf32, #tpu.memory_space<hbm>> -> memref<1024x32xf32, #tpu.memory_space<hbm>>
    tpu.enqueue_dma source(%arg6 : memref<1024x32xf32, #tpu.memory_space<vmem>>) target(%dma_start3A_173 : memref<1024x32xf32, #tpu.memory_space<hbm>>) target_semaphore(%arg9 : memref<!tpu.dma_semaphore, #tpu.memory_space<semaphore_mem>>)
    %dma_start3A_174 = arith.constant 8 : i32
    %dma_start3A_175 = arith.constant 0 : i32
    %dma_start3A_176 = arith.constant 0 : i32
    %dma_start3A_177 = tpu.memref_slice %arg7[%dma_start3A_175, %dma_start3A_176] : memref<1024x32xf32, #tpu.memory_space<vmem>> -> memref<128x32xf32, #tpu.memory_space<vmem>>
    %dma_start3A_178 = arith.constant 0 : i32
    %dma_start3A_179 = tpu.memref_slice %arg5[%dma_start3A_174, %dma_start3A_178] : memref<64x128xi32, #tpu.memory_space<vmem>> -> memref<1x128xi32, #tpu.memory_space<vmem>>
    %dma_start3A_180 = tpu.memref_squeeze %dma_start3A_179 : memref<1x128xi32, #tpu.memory_space<vmem>> -> memref<128xi32, #tpu.memory_space<vmem>>
    %dma_start3A_181 = arith.constant 0 : i32
    %dma_start3A_182 = arith.constant 0 : i32
    %dma_start3A_183 = tpu.memref_slice %arg3[%dma_start3A_181, %dma_start3A_182] : memref<524288x32xf32, #tpu.memory_space<hbm>> -> memref<524288x32xf32, #tpu.memory_space<hbm>>
    tpu.enqueue_indirect_dma source(%dma_start3A_183 : memref<524288x32xf32, #tpu.memory_space<hbm>>) target(%dma_start3A_177 : memref<128x32xf32, #tpu.memory_space<vmem>>) offsets(%dma_start3A_180 : memref<128xi32, #tpu.memory_space<vmem>>) semaphore(%arg8 : memref<!tpu.dma_semaphore, #tpu.memory_space<semaphore_mem>>)
    %dma_start3A_184 = arith.constant 9 : i32
    %dma_start3A_185 = arith.constant 128 : i32
    %dma_start3A_186 = arith.constant 0 : i32
    %dma_start3A_187 = tpu.memref_slice %arg7[%dma_start3A_185, %dma_start3A_186] : memref<1024x32xf32, #tpu.memory_space<vmem>> -> memref<128x32xf32, #tpu.memory_space<vmem>>
    %dma_start3A_188 = arith.constant 0 : i32
    %dma_start3A_189 = tpu.memref_slice %arg5[%dma_start3A_184, %dma_start3A_188] : memref<64x128xi32, #tpu.memory_space<vmem>> -> memref<1x128xi32, #tpu.memory_space<vmem>>
    %dma_start3A_190 = tpu.memref_squeeze %dma_start3A_189 : memref<1x128xi32, #tpu.memory_space<vmem>> -> memref<128xi32, #tpu.memory_space<vmem>>
    %dma_start3A_191 = arith.constant 0 : i32
    %dma_start3A_192 = arith.constant 0 : i32
    %dma_start3A_193 = tpu.memref_slice %arg3[%dma_start3A_191, %dma_start3A_192] : memref<524288x32xf32, #tpu.memory_space<hbm>> -> memref<524288x32xf32, #tpu.memory_space<hbm>>
    tpu.enqueue_indirect_dma source(%dma_start3A_193 : memref<524288x32xf32, #tpu.memory_space<hbm>>) target(%dma_start3A_187 : memref<128x32xf32, #tpu.memory_space<vmem>>) offsets(%dma_start3A_190 : memref<128xi32, #tpu.memory_space<vmem>>) semaphore(%arg8 : memref<!tpu.dma_semaphore, #tpu.memory_space<semaphore_mem>>)
    %dma_start3A_194 = arith.constant 10 : i32
    %dma_start3A_195 = arith.constant 256 : i32
    %dma_start3A_196 = arith.constant 0 : i32
    %dma_start3A_197 = tpu.memref_slice %arg7[%dma_start3A_195, %dma_start3A_196] : memref<1024x32xf32, #tpu.memory_space<vmem>> -> memref<128x32xf32, #tpu.memory_space<vmem>>
    %dma_start3A_198 = arith.constant 0 : i32
    %dma_start3A_199 = tpu.memref_slice %arg5[%dma_start3A_194, %dma_start3A_198] : memref<64x128xi32, #tpu.memory_space<vmem>> -> memref<1x128xi32, #tpu.memory_space<vmem>>
    %dma_start3A_200 = tpu.memref_squeeze %dma_start3A_199 : memref<1x128xi32, #tpu.memory_space<vmem>> -> memref<128xi32, #tpu.memory_space<vmem>>
    %dma_start3A_201 = arith.constant 0 : i32
    %dma_start3A_202 = arith.constant 0 : i32
    %dma_start3A_203 = tpu.memref_slice %arg3[%dma_start3A_201, %dma_start3A_202] : memref<524288x32xf32, #tpu.memory_space<hbm>> -> memref<524288x32xf32, #tpu.memory_space<hbm>>
    tpu.enqueue_indirect_dma source(%dma_start3A_203 : memref<524288x32xf32, #tpu.memory_space<hbm>>) target(%dma_start3A_197 : memref<128x32xf32, #tpu.memory_space<vmem>>) offsets(%dma_start3A_200 : memref<128xi32, #tpu.memory_space<vmem>>) semaphore(%arg8 : memref<!tpu.dma_semaphore, #tpu.memory_space<semaphore_mem>>)
    %dma_start3A_204 = arith.constant 11 : i32
    %dma_start3A_205 = arith.constant 384 : i32
    %dma_start3A_206 = arith.constant 0 : i32
    %dma_start3A_207 = tpu.memref_slice %arg7[%dma_start3A_205, %dma_start3A_206] : memref<1024x32xf32, #tpu.memory_space<vmem>> -> memref<128x32xf32, #tpu.memory_space<vmem>>
    %dma_start3A_208 = arith.constant 0 : i32
    %dma_start3A_209 = tpu.memref_slice %arg5[%dma_start3A_204, %dma_start3A_208] : memref<64x128xi32, #tpu.memory_space<vmem>> -> memref<1x128xi32, #tpu.memory_space<vmem>>
    %dma_start3A_210 = tpu.memref_squeeze %dma_start3A_209 : memref<1x128xi32, #tpu.memory_space<vmem>> -> memref<128xi32, #tpu.memory_space<vmem>>
    %dma_start3A_211 = arith.constant 0 : i32
    %dma_start3A_212 = arith.constant 0 : i32
    %dma_start3A_213 = tpu.memref_slice %arg3[%dma_start3A_211, %dma_start3A_212] : memref<524288x32xf32, #tpu.memory_space<hbm>> -> memref<524288x32xf32, #tpu.memory_space<hbm>>
    tpu.enqueue_indirect_dma source(%dma_start3A_213 : memref<524288x32xf32, #tpu.memory_space<hbm>>) target(%dma_start3A_207 : memref<128x32xf32, #tpu.memory_space<vmem>>) offsets(%dma_start3A_210 : memref<128xi32, #tpu.memory_space<vmem>>) semaphore(%arg8 : memref<!tpu.dma_semaphore, #tpu.memory_space<semaphore_mem>>)
    %dma_start3A_214 = arith.constant 12 : i32
    %dma_start3A_215 = arith.constant 512 : i32
    %dma_start3A_216 = arith.constant 0 : i32
    %dma_start3A_217 = tpu.memref_slice %arg7[%dma_start3A_215, %dma_start3A_216] : memref<1024x32xf32, #tpu.memory_space<vmem>> -> memref<128x32xf32, #tpu.memory_space<vmem>>
    %dma_start3A_218 = arith.constant 0 : i32
    %dma_start3A_219 = tpu.memref_slice %arg5[%dma_start3A_214, %dma_start3A_218] : memref<64x128xi32, #tpu.memory_space<vmem>> -> memref<1x128xi32, #tpu.memory_space<vmem>>
    %dma_start3A_220 = tpu.memref_squeeze %dma_start3A_219 : memref<1x128xi32, #tpu.memory_space<vmem>> -> memref<128xi32, #tpu.memory_space<vmem>>
    %dma_start3A_221 = arith.constant 0 : i32
    %dma_start3A_222 = arith.constant 0 : i32
    %dma_start3A_223 = tpu.memref_slice %arg3[%dma_start3A_221, %dma_start3A_222] : memref<524288x32xf32, #tpu.memory_space<hbm>> -> memref<524288x32xf32, #tpu.memory_space<hbm>>
    tpu.enqueue_indirect_dma source(%dma_start3A_223 : memref<524288x32xf32, #tpu.memory_space<hbm>>) target(%dma_start3A_217 : memref<128x32xf32, #tpu.memory_space<vmem>>) offsets(%dma_start3A_220 : memref<128xi32, #tpu.memory_space<vmem>>) semaphore(%arg8 : memref<!tpu.dma_semaphore, #tpu.memory_space<semaphore_mem>>)
    %dma_start3A_224 = arith.constant 13 : i32
    %dma_start3A_225 = arith.constant 640 : i32
    %dma_start3A_226 = arith.constant 0 : i32
    %dma_start3A_227 = tpu.memref_slice %arg7[%dma_start3A_225, %dma_start3A_226] : memref<1024x32xf32, #tpu.memory_space<vmem>> -> memref<128x32xf32, #tpu.memory_space<vmem>>
    %dma_start3A_228 = arith.constant 0 : i32
    %dma_start3A_229 = tpu.memref_slice %arg5[%dma_start3A_224, %dma_start3A_228] : memref<64x128xi32, #tpu.memory_space<vmem>> -> memref<1x128xi32, #tpu.memory_space<vmem>>
    %dma_start3A_230 = tpu.memref_squeeze %dma_start3A_229 : memref<1x128xi32, #tpu.memory_space<vmem>> -> memref<128xi32, #tpu.memory_space<vmem>>
    %dma_start3A_231 = arith.constant 0 : i32
    %dma_start3A_232 = arith.constant 0 : i32
    %dma_start3A_233 = tpu.memref_slice %arg3[%dma_start3A_231, %dma_start3A_232] : memref<524288x32xf32, #tpu.memory_space<hbm>> -> memref<524288x32xf32, #tpu.memory_space<hbm>>
    tpu.enqueue_indirect_dma source(%dma_start3A_233 : memref<524288x32xf32, #tpu.memory_space<hbm>>) target(%dma_start3A_227 : memref<128x32xf32, #tpu.memory_space<vmem>>) offsets(%dma_start3A_230 : memref<128xi32, #tpu.memory_space<vmem>>) semaphore(%arg8 : memref<!tpu.dma_semaphore, #tpu.memory_space<semaphore_mem>>)
    %dma_start3A_234 = arith.constant 14 : i32
    %dma_start3A_235 = arith.constant 768 : i32
    %dma_start3A_236 = arith.constant 0 : i32
    %dma_start3A_237 = tpu.memref_slice %arg7[%dma_start3A_235, %dma_start3A_236] : memref<1024x32xf32, #tpu.memory_space<vmem>> -> memref<128x32xf32, #tpu.memory_space<vmem>>
    %dma_start3A_238 = arith.constant 0 : i32
    %dma_start3A_239 = tpu.memref_slice %arg5[%dma_start3A_234, %dma_start3A_238] : memref<64x128xi32, #tpu.memory_space<vmem>> -> memref<1x128xi32, #tpu.memory_space<vmem>>
    %dma_start3A_240 = tpu.memref_squeeze %dma_start3A_239 : memref<1x128xi32, #tpu.memory_space<vmem>> -> memref<128xi32, #tpu.memory_space<vmem>>
    %dma_start3A_241 = arith.constant 0 : i32
    %dma_start3A_242 = arith.constant 0 : i32
    %dma_start3A_243 = tpu.memref_slice %arg3[%dma_start3A_241, %dma_start3A_242] : memref<524288x32xf32, #tpu.memory_space<hbm>> -> memref<524288x32xf32, #tpu.memory_space<hbm>>
    tpu.enqueue_indirect_dma source(%dma_start3A_243 : memref<524288x32xf32, #tpu.memory_space<hbm>>) target(%dma_start3A_237 : memref<128x32xf32, #tpu.memory_space<vmem>>) offsets(%dma_start3A_240 : memref<128xi32, #tpu.memory_space<vmem>>) semaphore(%arg8 : memref<!tpu.dma_semaphore, #tpu.memory_space<semaphore_mem>>)
    %dma_start3A_244 = arith.constant 15 : i32
    %dma_start3A_245 = arith.constant 896 : i32
    %dma_start3A_246 = arith.constant 0 : i32
    %dma_start3A_247 = tpu.memref_slice %arg7[%dma_start3A_245, %dma_start3A_246] : memref<1024x32xf32, #tpu.memory_space<vmem>> -> memref<128x32xf32, #tpu.memory_space<vmem>>
    %dma_start3A_248 = arith.constant 0 : i32
    %dma_start3A_249 = tpu.memref_slice %arg5[%dma_start3A_244, %dma_start3A_248] : memref<64x128xi32, #tpu.memory_space<vmem>> -> memref<1x128xi32, #tpu.memory_space<vmem>>
    %dma_start3A_250 = tpu.memref_squeeze %dma_start3A_249 : memref<1x128xi32, #tpu.memory_space<vmem>> -> memref<128xi32, #tpu.memory_space<vmem>>
    %dma_start3A_251 = arith.constant 0 : i32
    %dma_start3A_252 = arith.constant 0 : i32
    %dma_start3A_253 = tpu.memref_slice %arg3[%dma_start3A_251, %dma_start3A_252] : memref<524288x32xf32, #tpu.memory_space<hbm>> -> memref<524288x32xf32, #tpu.memory_space<hbm>>
    tpu.enqueue_indirect_dma source(%dma_start3A_253 : memref<524288x32xf32, #tpu.memory_space<hbm>>) target(%dma_start3A_247 : memref<128x32xf32, #tpu.memory_space<vmem>>) offsets(%dma_start3A_250 : memref<128xi32, #tpu.memory_space<vmem>>) semaphore(%arg8 : memref<!tpu.dma_semaphore, #tpu.memory_space<semaphore_mem>>)
    %dma_wait3A_254 = arith.constant 8 : i32
    %dma_wait3A_255 = arith.constant 0 : i32
    %dma_wait3A_256 = arith.constant 0 : i32
    %dma_wait3A_257 = tpu.memref_slice %arg7[%dma_wait3A_255, %dma_wait3A_256] : memref<1024x32xf32, #tpu.memory_space<vmem>> -> memref<128x32xf32, #tpu.memory_space<vmem>>
    %dma_wait3A_258 = arith.constant 0 : i32
    %dma_wait3A_259 = tpu.memref_slice %arg5[%dma_wait3A_254, %dma_wait3A_258] : memref<64x128xi32, #tpu.memory_space<vmem>> -> memref<1x128xi32, #tpu.memory_space<vmem>>
    %dma_wait3A_260 = tpu.memref_squeeze %dma_wait3A_259 : memref<1x128xi32, #tpu.memory_space<vmem>> -> memref<128xi32, #tpu.memory_space<vmem>>
    %dma_wait3A_261 = arith.constant 0 : i32
    %dma_wait3A_262 = arith.constant 0 : i32
    %dma_wait3A_263 = tpu.memref_slice %arg3[%dma_wait3A_261, %dma_wait3A_262] : memref<524288x32xf32, #tpu.memory_space<hbm>> -> memref<524288x32xf32, #tpu.memory_space<hbm>>
    tpu.wait_indirect_dma semaphore(%arg8 : memref<!tpu.dma_semaphore, #tpu.memory_space<semaphore_mem>>) src(%dma_wait3A_263 : memref<524288x32xf32, #tpu.memory_space<hbm>>) dst(%dma_wait3A_257 : memref<128x32xf32, #tpu.memory_space<vmem>>)
    %dma_wait3A_264 = arith.constant 9 : i32
    %dma_wait3A_265 = arith.constant 128 : i32
    %dma_wait3A_266 = arith.constant 0 : i32
    %dma_wait3A_267 = tpu.memref_slice %arg7[%dma_wait3A_265, %dma_wait3A_266] : memref<1024x32xf32, #tpu.memory_space<vmem>> -> memref<128x32xf32, #tpu.memory_space<vmem>>
    %dma_wait3A_268 = arith.constant 0 : i32
    %dma_wait3A_269 = tpu.memref_slice %arg5[%dma_wait3A_264, %dma_wait3A_268] : memref<64x128xi32, #tpu.memory_space<vmem>> -> memref<1x128xi32, #tpu.memory_space<vmem>>
    %dma_wait3A_270 = tpu.memref_squeeze %dma_wait3A_269 : memref<1x128xi32, #tpu.memory_space<vmem>> -> memref<128xi32, #tpu.memory_space<vmem>>
    %dma_wait3A_271 = arith.constant 0 : i32
    %dma_wait3A_272 = arith.constant 0 : i32
    %dma_wait3A_273 = tpu.memref_slice %arg3[%dma_wait3A_271, %dma_wait3A_272] : memref<524288x32xf32, #tpu.memory_space<hbm>> -> memref<524288x32xf32, #tpu.memory_space<hbm>>
    tpu.wait_indirect_dma semaphore(%arg8 : memref<!tpu.dma_semaphore, #tpu.memory_space<semaphore_mem>>) src(%dma_wait3A_273 : memref<524288x32xf32, #tpu.memory_space<hbm>>) dst(%dma_wait3A_267 : memref<128x32xf32, #tpu.memory_space<vmem>>)
    %dma_wait3A_274 = arith.constant 10 : i32
    %dma_wait3A_275 = arith.constant 256 : i32
    %dma_wait3A_276 = arith.constant 0 : i32
    %dma_wait3A_277 = tpu.memref_slice %arg7[%dma_wait3A_275, %dma_wait3A_276] : memref<1024x32xf32, #tpu.memory_space<vmem>> -> memref<128x32xf32, #tpu.memory_space<vmem>>
    %dma_wait3A_278 = arith.constant 0 : i32
    %dma_wait3A_279 = tpu.memref_slice %arg5[%dma_wait3A_274, %dma_wait3A_278] : memref<64x128xi32, #tpu.memory_space<vmem>> -> memref<1x128xi32, #tpu.memory_space<vmem>>
    %dma_wait3A_280 = tpu.memref_squeeze %dma_wait3A_279 : memref<1x128xi32, #tpu.memory_space<vmem>> -> memref<128xi32, #tpu.memory_space<vmem>>
    %dma_wait3A_281 = arith.constant 0 : i32
    %dma_wait3A_282 = arith.constant 0 : i32
    %dma_wait3A_283 = tpu.memref_slice %arg3[%dma_wait3A_281, %dma_wait3A_282] : memref<524288x32xf32, #tpu.memory_space<hbm>> -> memref<524288x32xf32, #tpu.memory_space<hbm>>
    tpu.wait_indirect_dma semaphore(%arg8 : memref<!tpu.dma_semaphore, #tpu.memory_space<semaphore_mem>>) src(%dma_wait3A_283 : memref<524288x32xf32, #tpu.memory_space<hbm>>) dst(%dma_wait3A_277 : memref<128x32xf32, #tpu.memory_space<vmem>>)
    %dma_wait3A_284 = arith.constant 11 : i32
    %dma_wait3A_285 = arith.constant 384 : i32
    %dma_wait3A_286 = arith.constant 0 : i32
    %dma_wait3A_287 = tpu.memref_slice %arg7[%dma_wait3A_285, %dma_wait3A_286] : memref<1024x32xf32, #tpu.memory_space<vmem>> -> memref<128x32xf32, #tpu.memory_space<vmem>>
    %dma_wait3A_288 = arith.constant 0 : i32
    %dma_wait3A_289 = tpu.memref_slice %arg5[%dma_wait3A_284, %dma_wait3A_288] : memref<64x128xi32, #tpu.memory_space<vmem>> -> memref<1x128xi32, #tpu.memory_space<vmem>>
    %dma_wait3A_290 = tpu.memref_squeeze %dma_wait3A_289 : memref<1x128xi32, #tpu.memory_space<vmem>> -> memref<128xi32, #tpu.memory_space<vmem>>
    %dma_wait3A_291 = arith.constant 0 : i32
    %dma_wait3A_292 = arith.constant 0 : i32
    %dma_wait3A_293 = tpu.memref_slice %arg3[%dma_wait3A_291, %dma_wait3A_292] : memref<524288x32xf32, #tpu.memory_space<hbm>> -> memref<524288x32xf32, #tpu.memory_space<hbm>>
    tpu.wait_indirect_dma semaphore(%arg8 : memref<!tpu.dma_semaphore, #tpu.memory_space<semaphore_mem>>) src(%dma_wait3A_293 : memref<524288x32xf32, #tpu.memory_space<hbm>>) dst(%dma_wait3A_287 : memref<128x32xf32, #tpu.memory_space<vmem>>)
    %dma_wait3A_294 = arith.constant 12 : i32
    %dma_wait3A_295 = arith.constant 512 : i32
    %dma_wait3A_296 = arith.constant 0 : i32
    %dma_wait3A_297 = tpu.memref_slice %arg7[%dma_wait3A_295, %dma_wait3A_296] : memref<1024x32xf32, #tpu.memory_space<vmem>> -> memref<128x32xf32, #tpu.memory_space<vmem>>
    %dma_wait3A_298 = arith.constant 0 : i32
    %dma_wait3A_299 = tpu.memref_slice %arg5[%dma_wait3A_294, %dma_wait3A_298] : memref<64x128xi32, #tpu.memory_space<vmem>> -> memref<1x128xi32, #tpu.memory_space<vmem>>
    %dma_wait3A_300 = tpu.memref_squeeze %dma_wait3A_299 : memref<1x128xi32, #tpu.memory_space<vmem>> -> memref<128xi32, #tpu.memory_space<vmem>>
    %dma_wait3A_301 = arith.constant 0 : i32
    %dma_wait3A_302 = arith.constant 0 : i32
    %dma_wait3A_303 = tpu.memref_slice %arg3[%dma_wait3A_301, %dma_wait3A_302] : memref<524288x32xf32, #tpu.memory_space<hbm>> -> memref<524288x32xf32, #tpu.memory_space<hbm>>
    tpu.wait_indirect_dma semaphore(%arg8 : memref<!tpu.dma_semaphore, #tpu.memory_space<semaphore_mem>>) src(%dma_wait3A_303 : memref<524288x32xf32, #tpu.memory_space<hbm>>) dst(%dma_wait3A_297 : memref<128x32xf32, #tpu.memory_space<vmem>>)
    %dma_wait3A_304 = arith.constant 13 : i32
    %dma_wait3A_305 = arith.constant 640 : i32
    %dma_wait3A_306 = arith.constant 0 : i32
    %dma_wait3A_307 = tpu.memref_slice %arg7[%dma_wait3A_305, %dma_wait3A_306] : memref<1024x32xf32, #tpu.memory_space<vmem>> -> memref<128x32xf32, #tpu.memory_space<vmem>>
    %dma_wait3A_308 = arith.constant 0 : i32
    %dma_wait3A_309 = tpu.memref_slice %arg5[%dma_wait3A_304, %dma_wait3A_308] : memref<64x128xi32, #tpu.memory_space<vmem>> -> memref<1x128xi32, #tpu.memory_space<vmem>>
    %dma_wait3A_310 = tpu.memref_squeeze %dma_wait3A_309 : memref<1x128xi32, #tpu.memory_space<vmem>> -> memref<128xi32, #tpu.memory_space<vmem>>
    %dma_wait3A_311 = arith.constant 0 : i32
    %dma_wait3A_312 = arith.constant 0 : i32
    %dma_wait3A_313 = tpu.memref_slice %arg3[%dma_wait3A_311, %dma_wait3A_312] : memref<524288x32xf32, #tpu.memory_space<hbm>> -> memref<524288x32xf32, #tpu.memory_space<hbm>>
    tpu.wait_indirect_dma semaphore(%arg8 : memref<!tpu.dma_semaphore, #tpu.memory_space<semaphore_mem>>) src(%dma_wait3A_313 : memref<524288x32xf32, #tpu.memory_space<hbm>>) dst(%dma_wait3A_307 : memref<128x32xf32, #tpu.memory_space<vmem>>)
    %dma_wait3A_314 = arith.constant 14 : i32
    %dma_wait3A_315 = arith.constant 768 : i32
    %dma_wait3A_316 = arith.constant 0 : i32
    %dma_wait3A_317 = tpu.memref_slice %arg7[%dma_wait3A_315, %dma_wait3A_316] : memref<1024x32xf32, #tpu.memory_space<vmem>> -> memref<128x32xf32, #tpu.memory_space<vmem>>
    %dma_wait3A_318 = arith.constant 0 : i32
    %dma_wait3A_319 = tpu.memref_slice %arg5[%dma_wait3A_314, %dma_wait3A_318] : memref<64x128xi32, #tpu.memory_space<vmem>> -> memref<1x128xi32, #tpu.memory_space<vmem>>
    %dma_wait3A_320 = tpu.memref_squeeze %dma_wait3A_319 : memref<1x128xi32, #tpu.memory_space<vmem>> -> memref<128xi32, #tpu.memory_space<vmem>>
    %dma_wait3A_321 = arith.constant 0 : i32
    %dma_wait3A_322 = arith.constant 0 : i32
    %dma_wait3A_323 = tpu.memref_slice %arg3[%dma_wait3A_321, %dma_wait3A_322] : memref<524288x32xf32, #tpu.memory_space<hbm>> -> memref<524288x32xf32, #tpu.memory_space<hbm>>
    tpu.wait_indirect_dma semaphore(%arg8 : memref<!tpu.dma_semaphore, #tpu.memory_space<semaphore_mem>>) src(%dma_wait3A_323 : memref<524288x32xf32, #tpu.memory_space<hbm>>) dst(%dma_wait3A_317 : memref<128x32xf32, #tpu.memory_space<vmem>>)
    %dma_wait3A_324 = arith.constant 15 : i32
    %dma_wait3A_325 = arith.constant 896 : i32
    %dma_wait3A_326 = arith.constant 0 : i32
    %dma_wait3A_327 = tpu.memref_slice %arg7[%dma_wait3A_325, %dma_wait3A_326] : memref<1024x32xf32, #tpu.memory_space<vmem>> -> memref<128x32xf32, #tpu.memory_space<vmem>>
    %dma_wait3A_328 = arith.constant 0 : i32
    %dma_wait3A_329 = tpu.memref_slice %arg5[%dma_wait3A_324, %dma_wait3A_328] : memref<64x128xi32, #tpu.memory_space<vmem>> -> memref<1x128xi32, #tpu.memory_space<vmem>>
    %dma_wait3A_330 = tpu.memref_squeeze %dma_wait3A_329 : memref<1x128xi32, #tpu.memory_space<vmem>> -> memref<128xi32, #tpu.memory_space<vmem>>
    %dma_wait3A_331 = arith.constant 0 : i32
    %dma_wait3A_332 = arith.constant 0 : i32
    %dma_wait3A_333 = tpu.memref_slice %arg3[%dma_wait3A_331, %dma_wait3A_332] : memref<524288x32xf32, #tpu.memory_space<hbm>> -> memref<524288x32xf32, #tpu.memory_space<hbm>>
    tpu.wait_indirect_dma semaphore(%arg8 : memref<!tpu.dma_semaphore, #tpu.memory_space<semaphore_mem>>) src(%dma_wait3A_333 : memref<524288x32xf32, #tpu.memory_space<hbm>>) dst(%dma_wait3A_327 : memref<128x32xf32, #tpu.memory_space<vmem>>)
    %mul3A_334 = arith.constant 2048 : i32
    %mul3A_335 = arith.muli %add3A, %mul3A_334 : i32
    %add3A_336 = arith.constant 1024 : i32
    %add3A_337 = arith.addi %mul3A_335, %add3A_336 : i32
    %dma_start3A_338 = arith.constant 0 : i32
    %dma_start3A_339 = tpu.memref_slice %arg4[%add3A_337, %dma_start3A_338] : memref<65536x128xf32, #tpu.memory_space<hbm>> -> memref<1024x32xf32, #tpu.memory_space<hbm>>
    %dma_start3A_340 = arith.constant 0 : i32
    %dma_start3A_341 = tpu.memref_slice %arg4[%add3A_337, %dma_start3A_340] : memref<65536x128xf32, #tpu.memory_space<hbm>> -> memref<1024x32xf32, #tpu.memory_space<hbm>>
    tpu.enqueue_dma source(%arg7 : memref<1024x32xf32, #tpu.memory_space<vmem>>) target(%dma_start3A_341 : memref<1024x32xf32, #tpu.memory_space<hbm>>) target_semaphore(%arg9 : memref<!tpu.dma_semaphore, #tpu.memory_space<semaphore_mem>>)
    %dma_wait3A_342 = arith.constant 0 : i32
    %dma_wait3A_343 = tpu.memref_slice %arg4[%add3A_169, %dma_wait3A_342] : memref<65536x128xf32, #tpu.memory_space<hbm>> -> memref<1024x32xf32, #tpu.memory_space<hbm>>
    %dma_wait3A_344 = arith.constant 0 : i32
    %dma_wait3A_345 = tpu.memref_slice %arg4[%add3A_169, %dma_wait3A_344] : memref<65536x128xf32, #tpu.memory_space<hbm>> -> memref<1024x32xf32, #tpu.memory_space<hbm>>
    tpu.wait_dma2 semaphore(%arg9 : memref<!tpu.dma_semaphore, #tpu.memory_space<semaphore_mem>>) src(%arg6 : memref<1024x32xf32, #tpu.memory_space<vmem>>) dst(%dma_wait3A_345 : memref<1024x32xf32, #tpu.memory_space<hbm>>)
    %dma_start3A_346 = arith.constant 16 : i32
    %dma_start3A_347 = arith.constant 0 : i32
    %dma_start3A_348 = arith.constant 0 : i32
    %dma_start3A_349 = tpu.memref_slice %arg6[%dma_start3A_347, %dma_start3A_348] : memref<1024x32xf32, #tpu.memory_space<vmem>> -> memref<128x32xf32, #tpu.memory_space<vmem>>
    %dma_start3A_350 = arith.constant 0 : i32
    %dma_start3A_351 = tpu.memref_slice %arg5[%dma_start3A_346, %dma_start3A_350] : memref<64x128xi32, #tpu.memory_space<vmem>> -> memref<1x128xi32, #tpu.memory_space<vmem>>
    %dma_start3A_352 = tpu.memref_squeeze %dma_start3A_351 : memref<1x128xi32, #tpu.memory_space<vmem>> -> memref<128xi32, #tpu.memory_space<vmem>>
    %dma_start3A_353 = arith.constant 0 : i32
    %dma_start3A_354 = arith.constant 0 : i32
    %dma_start3A_355 = tpu.memref_slice %arg3[%dma_start3A_353, %dma_start3A_354] : memref<524288x32xf32, #tpu.memory_space<hbm>> -> memref<524288x32xf32, #tpu.memory_space<hbm>>
    tpu.enqueue_indirect_dma source(%dma_start3A_355 : memref<524288x32xf32, #tpu.memory_space<hbm>>) target(%dma_start3A_349 : memref<128x32xf32, #tpu.memory_space<vmem>>) offsets(%dma_start3A_352 : memref<128xi32, #tpu.memory_space<vmem>>) semaphore(%arg8 : memref<!tpu.dma_semaphore, #tpu.memory_space<semaphore_mem>>)
    %dma_start3A_356 = arith.constant 17 : i32
    %dma_start3A_357 = arith.constant 128 : i32
    %dma_start3A_358 = arith.constant 0 : i32
    %dma_start3A_359 = tpu.memref_slice %arg6[%dma_start3A_357, %dma_start3A_358] : memref<1024x32xf32, #tpu.memory_space<vmem>> -> memref<128x32xf32, #tpu.memory_space<vmem>>
    %dma_start3A_360 = arith.constant 0 : i32
    %dma_start3A_361 = tpu.memref_slice %arg5[%dma_start3A_356, %dma_start3A_360] : memref<64x128xi32, #tpu.memory_space<vmem>> -> memref<1x128xi32, #tpu.memory_space<vmem>>
    %dma_start3A_362 = tpu.memref_squeeze %dma_start3A_361 : memref<1x128xi32, #tpu.memory_space<vmem>> -> memref<128xi32, #tpu.memory_space<vmem>>
    %dma_start3A_363 = arith.constant 0 : i32
    %dma_start3A_364 = arith.constant 0 : i32
    %dma_start3A_365 = tpu.memref_slice %arg3[%dma_start3A_363, %dma_start3A_364] : memref<524288x32xf32, #tpu.memory_space<hbm>> -> memref<524288x32xf32, #tpu.memory_space<hbm>>
    tpu.enqueue_indirect_dma source(%dma_start3A_365 : memref<524288x32xf32, #tpu.memory_space<hbm>>) target(%dma_start3A_359 : memref<128x32xf32, #tpu.memory_space<vmem>>) offsets(%dma_start3A_362 : memref<128xi32, #tpu.memory_space<vmem>>) semaphore(%arg8 : memref<!tpu.dma_semaphore, #tpu.memory_space<semaphore_mem>>)
    %dma_start3A_366 = arith.constant 18 : i32
    %dma_start3A_367 = arith.constant 256 : i32
    %dma_start3A_368 = arith.constant 0 : i32
    %dma_start3A_369 = tpu.memref_slice %arg6[%dma_start3A_367, %dma_start3A_368] : memref<1024x32xf32, #tpu.memory_space<vmem>> -> memref<128x32xf32, #tpu.memory_space<vmem>>
    %dma_start3A_370 = arith.constant 0 : i32
    %dma_start3A_371 = tpu.memref_slice %arg5[%dma_start3A_366, %dma_start3A_370] : memref<64x128xi32, #tpu.memory_space<vmem>> -> memref<1x128xi32, #tpu.memory_space<vmem>>
    %dma_start3A_372 = tpu.memref_squeeze %dma_start3A_371 : memref<1x128xi32, #tpu.memory_space<vmem>> -> memref<128xi32, #tpu.memory_space<vmem>>
    %dma_start3A_373 = arith.constant 0 : i32
    %dma_start3A_374 = arith.constant 0 : i32
    %dma_start3A_375 = tpu.memref_slice %arg3[%dma_start3A_373, %dma_start3A_374] : memref<524288x32xf32, #tpu.memory_space<hbm>> -> memref<524288x32xf32, #tpu.memory_space<hbm>>
    tpu.enqueue_indirect_dma source(%dma_start3A_375 : memref<524288x32xf32, #tpu.memory_space<hbm>>) target(%dma_start3A_369 : memref<128x32xf32, #tpu.memory_space<vmem>>) offsets(%dma_start3A_372 : memref<128xi32, #tpu.memory_space<vmem>>) semaphore(%arg8 : memref<!tpu.dma_semaphore, #tpu.memory_space<semaphore_mem>>)
    %dma_start3A_376 = arith.constant 19 : i32
    %dma_start3A_377 = arith.constant 384 : i32
    %dma_start3A_378 = arith.constant 0 : i32
    %dma_start3A_379 = tpu.memref_slice %arg6[%dma_start3A_377, %dma_start3A_378] : memref<1024x32xf32, #tpu.memory_space<vmem>> -> memref<128x32xf32, #tpu.memory_space<vmem>>
    %dma_start3A_380 = arith.constant 0 : i32
    %dma_start3A_381 = tpu.memref_slice %arg5[%dma_start3A_376, %dma_start3A_380] : memref<64x128xi32, #tpu.memory_space<vmem>> -> memref<1x128xi32, #tpu.memory_space<vmem>>
    %dma_start3A_382 = tpu.memref_squeeze %dma_start3A_381 : memref<1x128xi32, #tpu.memory_space<vmem>> -> memref<128xi32, #tpu.memory_space<vmem>>
    %dma_start3A_383 = arith.constant 0 : i32
    %dma_start3A_384 = arith.constant 0 : i32
    %dma_start3A_385 = tpu.memref_slice %arg3[%dma_start3A_383, %dma_start3A_384] : memref<524288x32xf32, #tpu.memory_space<hbm>> -> memref<524288x32xf32, #tpu.memory_space<hbm>>
    tpu.enqueue_indirect_dma source(%dma_start3A_385 : memref<524288x32xf32, #tpu.memory_space<hbm>>) target(%dma_start3A_379 : memref<128x32xf32, #tpu.memory_space<vmem>>) offsets(%dma_start3A_382 : memref<128xi32, #tpu.memory_space<vmem>>) semaphore(%arg8 : memref<!tpu.dma_semaphore, #tpu.memory_space<semaphore_mem>>)
    %dma_start3A_386 = arith.constant 20 : i32
    %dma_start3A_387 = arith.constant 512 : i32
    %dma_start3A_388 = arith.constant 0 : i32
    %dma_start3A_389 = tpu.memref_slice %arg6[%dma_start3A_387, %dma_start3A_388] : memref<1024x32xf32, #tpu.memory_space<vmem>> -> memref<128x32xf32, #tpu.memory_space<vmem>>
    %dma_start3A_390 = arith.constant 0 : i32
    %dma_start3A_391 = tpu.memref_slice %arg5[%dma_start3A_386, %dma_start3A_390] : memref<64x128xi32, #tpu.memory_space<vmem>> -> memref<1x128xi32, #tpu.memory_space<vmem>>
    %dma_start3A_392 = tpu.memref_squeeze %dma_start3A_391 : memref<1x128xi32, #tpu.memory_space<vmem>> -> memref<128xi32, #tpu.memory_space<vmem>>
    %dma_start3A_393 = arith.constant 0 : i32
    %dma_start3A_394 = arith.constant 0 : i32
    %dma_start3A_395 = tpu.memref_slice %arg3[%dma_start3A_393, %dma_start3A_394] : memref<524288x32xf32, #tpu.memory_space<hbm>> -> memref<524288x32xf32, #tpu.memory_space<hbm>>
    tpu.enqueue_indirect_dma source(%dma_start3A_395 : memref<524288x32xf32, #tpu.memory_space<hbm>>) target(%dma_start3A_389 : memref<128x32xf32, #tpu.memory_space<vmem>>) offsets(%dma_start3A_392 : memref<128xi32, #tpu.memory_space<vmem>>) semaphore(%arg8 : memref<!tpu.dma_semaphore, #tpu.memory_space<semaphore_mem>>)
    %dma_start3A_396 = arith.constant 21 : i32
    %dma_start3A_397 = arith.constant 640 : i32
    %dma_start3A_398 = arith.constant 0 : i32
    %dma_start3A_399 = tpu.memref_slice %arg6[%dma_start3A_397, %dma_start3A_398] : memref<1024x32xf32, #tpu.memory_space<vmem>> -> memref<128x32xf32, #tpu.memory_space<vmem>>
    %dma_start3A_400 = arith.constant 0 : i32
    %dma_start3A_401 = tpu.memref_slice %arg5[%dma_start3A_396, %dma_start3A_400] : memref<64x128xi32, #tpu.memory_space<vmem>> -> memref<1x128xi32, #tpu.memory_space<vmem>>
    %dma_start3A_402 = tpu.memref_squeeze %dma_start3A_401 : memref<1x128xi32, #tpu.memory_space<vmem>> -> memref<128xi32, #tpu.memory_space<vmem>>
    %dma_start3A_403 = arith.constant 0 : i32
    %dma_start3A_404 = arith.constant 0 : i32
    %dma_start3A_405 = tpu.memref_slice %arg3[%dma_start3A_403, %dma_start3A_404] : memref<524288x32xf32, #tpu.memory_space<hbm>> -> memref<524288x32xf32, #tpu.memory_space<hbm>>
    tpu.enqueue_indirect_dma source(%dma_start3A_405 : memref<524288x32xf32, #tpu.memory_space<hbm>>) target(%dma_start3A_399 : memref<128x32xf32, #tpu.memory_space<vmem>>) offsets(%dma_start3A_402 : memref<128xi32, #tpu.memory_space<vmem>>) semaphore(%arg8 : memref<!tpu.dma_semaphore, #tpu.memory_space<semaphore_mem>>)
    %dma_start3A_406 = arith.constant 22 : i32
    %dma_start3A_407 = arith.constant 768 : i32
    %dma_start3A_408 = arith.constant 0 : i32
    %dma_start3A_409 = tpu.memref_slice %arg6[%dma_start3A_407, %dma_start3A_408] : memref<1024x32xf32, #tpu.memory_space<vmem>> -> memref<128x32xf32, #tpu.memory_space<vmem>>
    %dma_start3A_410 = arith.constant 0 : i32
    %dma_start3A_411 = tpu.memref_slice %arg5[%dma_start3A_406, %dma_start3A_410] : memref<64x128xi32, #tpu.memory_space<vmem>> -> memref<1x128xi32, #tpu.memory_space<vmem>>
    %dma_start3A_412 = tpu.memref_squeeze %dma_start3A_411 : memref<1x128xi32, #tpu.memory_space<vmem>> -> memref<128xi32, #tpu.memory_space<vmem>>
    %dma_start3A_413 = arith.constant 0 : i32
    %dma_start3A_414 = arith.constant 0 : i32
    %dma_start3A_415 = tpu.memref_slice %arg3[%dma_start3A_413, %dma_start3A_414] : memref<524288x32xf32, #tpu.memory_space<hbm>> -> memref<524288x32xf32, #tpu.memory_space<hbm>>
    tpu.enqueue_indirect_dma source(%dma_start3A_415 : memref<524288x32xf32, #tpu.memory_space<hbm>>) target(%dma_start3A_409 : memref<128x32xf32, #tpu.memory_space<vmem>>) offsets(%dma_start3A_412 : memref<128xi32, #tpu.memory_space<vmem>>) semaphore(%arg8 : memref<!tpu.dma_semaphore, #tpu.memory_space<semaphore_mem>>)
    %dma_start3A_416 = arith.constant 23 : i32
    %dma_start3A_417 = arith.constant 896 : i32
    %dma_start3A_418 = arith.constant 0 : i32
    %dma_start3A_419 = tpu.memref_slice %arg6[%dma_start3A_417, %dma_start3A_418] : memref<1024x32xf32, #tpu.memory_space<vmem>> -> memref<128x32xf32, #tpu.memory_space<vmem>>
    %dma_start3A_420 = arith.constant 0 : i32
    %dma_start3A_421 = tpu.memref_slice %arg5[%dma_start3A_416, %dma_start3A_420] : memref<64x128xi32, #tpu.memory_space<vmem>> -> memref<1x128xi32, #tpu.memory_space<vmem>>
    %dma_start3A_422 = tpu.memref_squeeze %dma_start3A_421 : memref<1x128xi32, #tpu.memory_space<vmem>> -> memref<128xi32, #tpu.memory_space<vmem>>
    %dma_start3A_423 = arith.constant 0 : i32
    %dma_start3A_424 = arith.constant 0 : i32
    %dma_start3A_425 = tpu.memref_slice %arg3[%dma_start3A_423, %dma_start3A_424] : memref<524288x32xf32, #tpu.memory_space<hbm>> -> memref<524288x32xf32, #tpu.memory_space<hbm>>
    tpu.enqueue_indirect_dma source(%dma_start3A_425 : memref<524288x32xf32, #tpu.memory_space<hbm>>) target(%dma_start3A_419 : memref<128x32xf32, #tpu.memory_space<vmem>>) offsets(%dma_start3A_422 : memref<128xi32, #tpu.memory_space<vmem>>) semaphore(%arg8 : memref<!tpu.dma_semaphore, #tpu.memory_space<semaphore_mem>>)
    %dma_wait3A_426 = arith.constant 16 : i32
    %dma_wait3A_427 = arith.constant 0 : i32
    %dma_wait3A_428 = arith.constant 0 : i32
    %dma_wait3A_429 = tpu.memref_slice %arg6[%dma_wait3A_427, %dma_wait3A_428] : memref<1024x32xf32, #tpu.memory_space<vmem>> -> memref<128x32xf32, #tpu.memory_space<vmem>>
    %dma_wait3A_430 = arith.constant 0 : i32
    %dma_wait3A_431 = tpu.memref_slice %arg5[%dma_wait3A_426, %dma_wait3A_430] : memref<64x128xi32, #tpu.memory_space<vmem>> -> memref<1x128xi32, #tpu.memory_space<vmem>>
    %dma_wait3A_432 = tpu.memref_squeeze %dma_wait3A_431 : memref<1x128xi32, #tpu.memory_space<vmem>> -> memref<128xi32, #tpu.memory_space<vmem>>
    %dma_wait3A_433 = arith.constant 0 : i32
    %dma_wait3A_434 = arith.constant 0 : i32
    %dma_wait3A_435 = tpu.memref_slice %arg3[%dma_wait3A_433, %dma_wait3A_434] : memref<524288x32xf32, #tpu.memory_space<hbm>> -> memref<524288x32xf32, #tpu.memory_space<hbm>>
    tpu.wait_indirect_dma semaphore(%arg8 : memref<!tpu.dma_semaphore, #tpu.memory_space<semaphore_mem>>) src(%dma_wait3A_435 : memref<524288x32xf32, #tpu.memory_space<hbm>>) dst(%dma_wait3A_429 : memref<128x32xf32, #tpu.memory_space<vmem>>)
    %dma_wait3A_436 = arith.constant 17 : i32
    %dma_wait3A_437 = arith.constant 128 : i32
    %dma_wait3A_438 = arith.constant 0 : i32
    %dma_wait3A_439 = tpu.memref_slice %arg6[%dma_wait3A_437, %dma_wait3A_438] : memref<1024x32xf32, #tpu.memory_space<vmem>> -> memref<128x32xf32, #tpu.memory_space<vmem>>
    %dma_wait3A_440 = arith.constant 0 : i32
    %dma_wait3A_441 = tpu.memref_slice %arg5[%dma_wait3A_436, %dma_wait3A_440] : memref<64x128xi32, #tpu.memory_space<vmem>> -> memref<1x128xi32, #tpu.memory_space<vmem>>
    %dma_wait3A_442 = tpu.memref_squeeze %dma_wait3A_441 : memref<1x128xi32, #tpu.memory_space<vmem>> -> memref<128xi32, #tpu.memory_space<vmem>>
    %dma_wait3A_443 = arith.constant 0 : i32
    %dma_wait3A_444 = arith.constant 0 : i32
    %dma_wait3A_445 = tpu.memref_slice %arg3[%dma_wait3A_443, %dma_wait3A_444] : memref<524288x32xf32, #tpu.memory_space<hbm>> -> memref<524288x32xf32, #tpu.memory_space<hbm>>
    tpu.wait_indirect_dma semaphore(%arg8 : memref<!tpu.dma_semaphore, #tpu.memory_space<semaphore_mem>>) src(%dma_wait3A_445 : memref<524288x32xf32, #tpu.memory_space<hbm>>) dst(%dma_wait3A_439 : memref<128x32xf32, #tpu.memory_space<vmem>>)
    %dma_wait3A_446 = arith.constant 18 : i32
    %dma_wait3A_447 = arith.constant 256 : i32
    %dma_wait3A_448 = arith.constant 0 : i32
    %dma_wait3A_449 = tpu.memref_slice %arg6[%dma_wait3A_447, %dma_wait3A_448] : memref<1024x32xf32, #tpu.memory_space<vmem>> -> memref<128x32xf32, #tpu.memory_space<vmem>>
    %dma_wait3A_450 = arith.constant 0 : i32
    %dma_wait3A_451 = tpu.memref_slice %arg5[%dma_wait3A_446, %dma_wait3A_450] : memref<64x128xi32, #tpu.memory_space<vmem>> -> memref<1x128xi32, #tpu.memory_space<vmem>>
    %dma_wait3A_452 = tpu.memref_squeeze %dma_wait3A_451 : memref<1x128xi32, #tpu.memory_space<vmem>> -> memref<128xi32, #tpu.memory_space<vmem>>
    %dma_wait3A_453 = arith.constant 0 : i32
    %dma_wait3A_454 = arith.constant 0 : i32
    %dma_wait3A_455 = tpu.memref_slice %arg3[%dma_wait3A_453, %dma_wait3A_454] : memref<524288x32xf32, #tpu.memory_space<hbm>> -> memref<524288x32xf32, #tpu.memory_space<hbm>>
    tpu.wait_indirect_dma semaphore(%arg8 : memref<!tpu.dma_semaphore, #tpu.memory_space<semaphore_mem>>) src(%dma_wait3A_455 : memref<524288x32xf32, #tpu.memory_space<hbm>>) dst(%dma_wait3A_449 : memref<128x32xf32, #tpu.memory_space<vmem>>)
    %dma_wait3A_456 = arith.constant 19 : i32
    %dma_wait3A_457 = arith.constant 384 : i32
    %dma_wait3A_458 = arith.constant 0 : i32
    %dma_wait3A_459 = tpu.memref_slice %arg6[%dma_wait3A_457, %dma_wait3A_458] : memref<1024x32xf32, #tpu.memory_space<vmem>> -> memref<128x32xf32, #tpu.memory_space<vmem>>
    %dma_wait3A_460 = arith.constant 0 : i32
    %dma_wait3A_461 = tpu.memref_slice %arg5[%dma_wait3A_456, %dma_wait3A_460] : memref<64x128xi32, #tpu.memory_space<vmem>> -> memref<1x128xi32, #tpu.memory_space<vmem>>
    %dma_wait3A_462 = tpu.memref_squeeze %dma_wait3A_461 : memref<1x128xi32, #tpu.memory_space<vmem>> -> memref<128xi32, #tpu.memory_space<vmem>>
    %dma_wait3A_463 = arith.constant 0 : i32
    %dma_wait3A_464 = arith.constant 0 : i32
    %dma_wait3A_465 = tpu.memref_slice %arg3[%dma_wait3A_463, %dma_wait3A_464] : memref<524288x32xf32, #tpu.memory_space<hbm>> -> memref<524288x32xf32, #tpu.memory_space<hbm>>
    tpu.wait_indirect_dma semaphore(%arg8 : memref<!tpu.dma_semaphore, #tpu.memory_space<semaphore_mem>>) src(%dma_wait3A_465 : memref<524288x32xf32, #tpu.memory_space<hbm>>) dst(%dma_wait3A_459 : memref<128x32xf32, #tpu.memory_space<vmem>>)
    %dma_wait3A_466 = arith.constant 20 : i32
    %dma_wait3A_467 = arith.constant 512 : i32
    %dma_wait3A_468 = arith.constant 0 : i32
    %dma_wait3A_469 = tpu.memref_slice %arg6[%dma_wait3A_467, %dma_wait3A_468] : memref<1024x32xf32, #tpu.memory_space<vmem>> -> memref<128x32xf32, #tpu.memory_space<vmem>>
    %dma_wait3A_470 = arith.constant 0 : i32
    %dma_wait3A_471 = tpu.memref_slice %arg5[%dma_wait3A_466, %dma_wait3A_470] : memref<64x128xi32, #tpu.memory_space<vmem>> -> memref<1x128xi32, #tpu.memory_space<vmem>>
    %dma_wait3A_472 = tpu.memref_squeeze %dma_wait3A_471 : memref<1x128xi32, #tpu.memory_space<vmem>> -> memref<128xi32, #tpu.memory_space<vmem>>
    %dma_wait3A_473 = arith.constant 0 : i32
    %dma_wait3A_474 = arith.constant 0 : i32
    %dma_wait3A_475 = tpu.memref_slice %arg3[%dma_wait3A_473, %dma_wait3A_474] : memref<524288x32xf32, #tpu.memory_space<hbm>> -> memref<524288x32xf32, #tpu.memory_space<hbm>>
    tpu.wait_indirect_dma semaphore(%arg8 : memref<!tpu.dma_semaphore, #tpu.memory_space<semaphore_mem>>) src(%dma_wait3A_475 : memref<524288x32xf32, #tpu.memory_space<hbm>>) dst(%dma_wait3A_469 : memref<128x32xf32, #tpu.memory_space<vmem>>)
    %dma_wait3A_476 = arith.constant 21 : i32
    %dma_wait3A_477 = arith.constant 640 : i32
    %dma_wait3A_478 = arith.constant 0 : i32
    %dma_wait3A_479 = tpu.memref_slice %arg6[%dma_wait3A_477, %dma_wait3A_478] : memref<1024x32xf32, #tpu.memory_space<vmem>> -> memref<128x32xf32, #tpu.memory_space<vmem>>
    %dma_wait3A_480 = arith.constant 0 : i32
    %dma_wait3A_481 = tpu.memref_slice %arg5[%dma_wait3A_476, %dma_wait3A_480] : memref<64x128xi32, #tpu.memory_space<vmem>> -> memref<1x128xi32, #tpu.memory_space<vmem>>
    %dma_wait3A_482 = tpu.memref_squeeze %dma_wait3A_481 : memref<1x128xi32, #tpu.memory_space<vmem>> -> memref<128xi32, #tpu.memory_space<vmem>>
    %dma_wait3A_483 = arith.constant 0 : i32
    %dma_wait3A_484 = arith.constant 0 : i32
    %dma_wait3A_485 = tpu.memref_slice %arg3[%dma_wait3A_483, %dma_wait3A_484] : memref<524288x32xf32, #tpu.memory_space<hbm>> -> memref<524288x32xf32, #tpu.memory_space<hbm>>
    tpu.wait_indirect_dma semaphore(%arg8 : memref<!tpu.dma_semaphore, #tpu.memory_space<semaphore_mem>>) src(%dma_wait3A_485 : memref<524288x32xf32, #tpu.memory_space<hbm>>) dst(%dma_wait3A_479 : memref<128x32xf32, #tpu.memory_space<vmem>>)
    %dma_wait3A_486 = arith.constant 22 : i32
    %dma_wait3A_487 = arith.constant 768 : i32
    %dma_wait3A_488 = arith.constant 0 : i32
    %dma_wait3A_489 = tpu.memref_slice %arg6[%dma_wait3A_487, %dma_wait3A_488] : memref<1024x32xf32, #tpu.memory_space<vmem>> -> memref<128x32xf32, #tpu.memory_space<vmem>>
    %dma_wait3A_490 = arith.constant 0 : i32
    %dma_wait3A_491 = tpu.memref_slice %arg5[%dma_wait3A_486, %dma_wait3A_490] : memref<64x128xi32, #tpu.memory_space<vmem>> -> memref<1x128xi32, #tpu.memory_space<vmem>>
    %dma_wait3A_492 = tpu.memref_squeeze %dma_wait3A_491 : memref<1x128xi32, #tpu.memory_space<vmem>> -> memref<128xi32, #tpu.memory_space<vmem>>
    %dma_wait3A_493 = arith.constant 0 : i32
    %dma_wait3A_494 = arith.constant 0 : i32
    %dma_wait3A_495 = tpu.memref_slice %arg3[%dma_wait3A_493, %dma_wait3A_494] : memref<524288x32xf32, #tpu.memory_space<hbm>> -> memref<524288x32xf32, #tpu.memory_space<hbm>>
    tpu.wait_indirect_dma semaphore(%arg8 : memref<!tpu.dma_semaphore, #tpu.memory_space<semaphore_mem>>) src(%dma_wait3A_495 : memref<524288x32xf32, #tpu.memory_space<hbm>>) dst(%dma_wait3A_489 : memref<128x32xf32, #tpu.memory_space<vmem>>)
    %dma_wait3A_496 = arith.constant 23 : i32
    %dma_wait3A_497 = arith.constant 896 : i32
    %dma_wait3A_498 = arith.constant 0 : i32
    %dma_wait3A_499 = tpu.memref_slice %arg6[%dma_wait3A_497, %dma_wait3A_498] : memref<1024x32xf32, #tpu.memory_space<vmem>> -> memref<128x32xf32, #tpu.memory_space<vmem>>
    %dma_wait3A_500 = arith.constant 0 : i32
    %dma_wait3A_501 = tpu.memref_slice %arg5[%dma_wait3A_496, %dma_wait3A_500] : memref<64x128xi32, #tpu.memory_space<vmem>> -> memref<1x128xi32, #tpu.memory_space<vmem>>
    %dma_wait3A_502 = tpu.memref_squeeze %dma_wait3A_501 : memref<1x128xi32, #tpu.memory_space<vmem>> -> memref<128xi32, #tpu.memory_space<vmem>>
    %dma_wait3A_503 = arith.constant 0 : i32
    %dma_wait3A_504 = arith.constant 0 : i32
    %dma_wait3A_505 = tpu.memref_slice %arg3[%dma_wait3A_503, %dma_wait3A_504] : memref<524288x32xf32, #tpu.memory_space<hbm>> -> memref<524288x32xf32, #tpu.memory_space<hbm>>
    tpu.wait_indirect_dma semaphore(%arg8 : memref<!tpu.dma_semaphore, #tpu.memory_space<semaphore_mem>>) src(%dma_wait3A_505 : memref<524288x32xf32, #tpu.memory_space<hbm>>) dst(%dma_wait3A_499 : memref<128x32xf32, #tpu.memory_space<vmem>>)
    %mul3A_506 = arith.constant 2048 : i32
    %mul3A_507 = arith.muli %add3A, %mul3A_506 : i32
    %add3A_508 = arith.constant 0 : i32
    %add3A_509 = arith.addi %mul3A_507, %add3A_508 : i32
    %dma_start3A_510 = arith.constant 32 : i32
    %dma_start3A_511 = tpu.memref_slice %arg4[%add3A_509, %dma_start3A_510] : memref<65536x128xf32, #tpu.memory_space<hbm>> -> memref<1024x32xf32, #tpu.memory_space<hbm>>
    %dma_start3A_512 = arith.constant 32 : i32
    %dma_start3A_513 = tpu.memref_slice %arg4[%add3A_509, %dma_start3A_512] : memref<65536x128xf32, #tpu.memory_space<hbm>> -> memref<1024x32xf32, #tpu.memory_space<hbm>>
    tpu.enqueue_dma source(%arg6 : memref<1024x32xf32, #tpu.memory_space<vmem>>) target(%dma_start3A_513 : memref<1024x32xf32, #tpu.memory_space<hbm>>) target_semaphore(%arg9 : memref<!tpu.dma_semaphore, #tpu.memory_space<semaphore_mem>>)
    %dma_wait3A_514 = arith.constant 0 : i32
    %dma_wait3A_515 = tpu.memref_slice %arg4[%add3A_337, %dma_wait3A_514] : memref<65536x128xf32, #tpu.memory_space<hbm>> -> memref<1024x32xf32, #tpu.memory_space<hbm>>
    %dma_wait3A_516 = arith.constant 0 : i32
    %dma_wait3A_517 = tpu.memref_slice %arg4[%add3A_337, %dma_wait3A_516] : memref<65536x128xf32, #tpu.memory_space<hbm>> -> memref<1024x32xf32, #tpu.memory_space<hbm>>
    tpu.wait_dma2 semaphore(%arg9 : memref<!tpu.dma_semaphore, #tpu.memory_space<semaphore_mem>>) src(%arg7 : memref<1024x32xf32, #tpu.memory_space<vmem>>) dst(%dma_wait3A_517 : memref<1024x32xf32, #tpu.memory_space<hbm>>)
    %dma_start3A_518 = arith.constant 24 : i32
    %dma_start3A_519 = arith.constant 0 : i32
    %dma_start3A_520 = arith.constant 0 : i32
    %dma_start3A_521 = tpu.memref_slice %arg7[%dma_start3A_519, %dma_start3A_520] : memref<1024x32xf32, #tpu.memory_space<vmem>> -> memref<128x32xf32, #tpu.memory_space<vmem>>
    %dma_start3A_522 = arith.constant 0 : i32
    %dma_start3A_523 = tpu.memref_slice %arg5[%dma_start3A_518, %dma_start3A_522] : memref<64x128xi32, #tpu.memory_space<vmem>> -> memref<1x128xi32, #tpu.memory_space<vmem>>
    %dma_start3A_524 = tpu.memref_squeeze %dma_start3A_523 : memref<1x128xi32, #tpu.memory_space<vmem>> -> memref<128xi32, #tpu.memory_space<vmem>>
    %dma_start3A_525 = arith.constant 0 : i32
    %dma_start3A_526 = arith.constant 0 : i32
    %dma_start3A_527 = tpu.memref_slice %arg3[%dma_start3A_525, %dma_start3A_526] : memref<524288x32xf32, #tpu.memory_space<hbm>> -> memref<524288x32xf32, #tpu.memory_space<hbm>>
    tpu.enqueue_indirect_dma source(%dma_start3A_527 : memref<524288x32xf32, #tpu.memory_space<hbm>>) target(%dma_start3A_521 : memref<128x32xf32, #tpu.memory_space<vmem>>) offsets(%dma_start3A_524 : memref<128xi32, #tpu.memory_space<vmem>>) semaphore(%arg8 : memref<!tpu.dma_semaphore, #tpu.memory_space<semaphore_mem>>)
    %dma_start3A_528 = arith.constant 25 : i32
    %dma_start3A_529 = arith.constant 128 : i32
    %dma_start3A_530 = arith.constant 0 : i32
    %dma_start3A_531 = tpu.memref_slice %arg7[%dma_start3A_529, %dma_start3A_530] : memref<1024x32xf32, #tpu.memory_space<vmem>> -> memref<128x32xf32, #tpu.memory_space<vmem>>
    %dma_start3A_532 = arith.constant 0 : i32
    %dma_start3A_533 = tpu.memref_slice %arg5[%dma_start3A_528, %dma_start3A_532] : memref<64x128xi32, #tpu.memory_space<vmem>> -> memref<1x128xi32, #tpu.memory_space<vmem>>
    %dma_start3A_534 = tpu.memref_squeeze %dma_start3A_533 : memref<1x128xi32, #tpu.memory_space<vmem>> -> memref<128xi32, #tpu.memory_space<vmem>>
    %dma_start3A_535 = arith.constant 0 : i32
    %dma_start3A_536 = arith.constant 0 : i32
    %dma_start3A_537 = tpu.memref_slice %arg3[%dma_start3A_535, %dma_start3A_536] : memref<524288x32xf32, #tpu.memory_space<hbm>> -> memref<524288x32xf32, #tpu.memory_space<hbm>>
    tpu.enqueue_indirect_dma source(%dma_start3A_537 : memref<524288x32xf32, #tpu.memory_space<hbm>>) target(%dma_start3A_531 : memref<128x32xf32, #tpu.memory_space<vmem>>) offsets(%dma_start3A_534 : memref<128xi32, #tpu.memory_space<vmem>>) semaphore(%arg8 : memref<!tpu.dma_semaphore, #tpu.memory_space<semaphore_mem>>)
    %dma_start3A_538 = arith.constant 26 : i32
    %dma_start3A_539 = arith.constant 256 : i32
    %dma_start3A_540 = arith.constant 0 : i32
    %dma_start3A_541 = tpu.memref_slice %arg7[%dma_start3A_539, %dma_start3A_540] : memref<1024x32xf32, #tpu.memory_space<vmem>> -> memref<128x32xf32, #tpu.memory_space<vmem>>
    %dma_start3A_542 = arith.constant 0 : i32
    %dma_start3A_543 = tpu.memref_slice %arg5[%dma_start3A_538, %dma_start3A_542] : memref<64x128xi32, #tpu.memory_space<vmem>> -> memref<1x128xi32, #tpu.memory_space<vmem>>
    %dma_start3A_544 = tpu.memref_squeeze %dma_start3A_543 : memref<1x128xi32, #tpu.memory_space<vmem>> -> memref<128xi32, #tpu.memory_space<vmem>>
    %dma_start3A_545 = arith.constant 0 : i32
    %dma_start3A_546 = arith.constant 0 : i32
    %dma_start3A_547 = tpu.memref_slice %arg3[%dma_start3A_545, %dma_start3A_546] : memref<524288x32xf32, #tpu.memory_space<hbm>> -> memref<524288x32xf32, #tpu.memory_space<hbm>>
    tpu.enqueue_indirect_dma source(%dma_start3A_547 : memref<524288x32xf32, #tpu.memory_space<hbm>>) target(%dma_start3A_541 : memref<128x32xf32, #tpu.memory_space<vmem>>) offsets(%dma_start3A_544 : memref<128xi32, #tpu.memory_space<vmem>>) semaphore(%arg8 : memref<!tpu.dma_semaphore, #tpu.memory_space<semaphore_mem>>)
    %dma_start3A_548 = arith.constant 27 : i32
    %dma_start3A_549 = arith.constant 384 : i32
    %dma_start3A_550 = arith.constant 0 : i32
    %dma_start3A_551 = tpu.memref_slice %arg7[%dma_start3A_549, %dma_start3A_550] : memref<1024x32xf32, #tpu.memory_space<vmem>> -> memref<128x32xf32, #tpu.memory_space<vmem>>
    %dma_start3A_552 = arith.constant 0 : i32
    %dma_start3A_553 = tpu.memref_slice %arg5[%dma_start3A_548, %dma_start3A_552] : memref<64x128xi32, #tpu.memory_space<vmem>> -> memref<1x128xi32, #tpu.memory_space<vmem>>
    %dma_start3A_554 = tpu.memref_squeeze %dma_start3A_553 : memref<1x128xi32, #tpu.memory_space<vmem>> -> memref<128xi32, #tpu.memory_space<vmem>>
    %dma_start3A_555 = arith.constant 0 : i32
    %dma_start3A_556 = arith.constant 0 : i32
    %dma_start3A_557 = tpu.memref_slice %arg3[%dma_start3A_555, %dma_start3A_556] : memref<524288x32xf32, #tpu.memory_space<hbm>> -> memref<524288x32xf32, #tpu.memory_space<hbm>>
    tpu.enqueue_indirect_dma source(%dma_start3A_557 : memref<524288x32xf32, #tpu.memory_space<hbm>>) target(%dma_start3A_551 : memref<128x32xf32, #tpu.memory_space<vmem>>) offsets(%dma_start3A_554 : memref<128xi32, #tpu.memory_space<vmem>>) semaphore(%arg8 : memref<!tpu.dma_semaphore, #tpu.memory_space<semaphore_mem>>)
    %dma_start3A_558 = arith.constant 28 : i32
    %dma_start3A_559 = arith.constant 512 : i32
    %dma_start3A_560 = arith.constant 0 : i32
    %dma_start3A_561 = tpu.memref_slice %arg7[%dma_start3A_559, %dma_start3A_560] : memref<1024x32xf32, #tpu.memory_space<vmem>> -> memref<128x32xf32, #tpu.memory_space<vmem>>
    %dma_start3A_562 = arith.constant 0 : i32
    %dma_start3A_563 = tpu.memref_slice %arg5[%dma_start3A_558, %dma_start3A_562] : memref<64x128xi32, #tpu.memory_space<vmem>> -> memref<1x128xi32, #tpu.memory_space<vmem>>
    %dma_start3A_564 = tpu.memref_squeeze %dma_start3A_563 : memref<1x128xi32, #tpu.memory_space<vmem>> -> memref<128xi32, #tpu.memory_space<vmem>>
    %dma_start3A_565 = arith.constant 0 : i32
    %dma_start3A_566 = arith.constant 0 : i32
    %dma_start3A_567 = tpu.memref_slice %arg3[%dma_start3A_565, %dma_start3A_566] : memref<524288x32xf32, #tpu.memory_space<hbm>> -> memref<524288x32xf32, #tpu.memory_space<hbm>>
    tpu.enqueue_indirect_dma source(%dma_start3A_567 : memref<524288x32xf32, #tpu.memory_space<hbm>>) target(%dma_start3A_561 : memref<128x32xf32, #tpu.memory_space<vmem>>) offsets(%dma_start3A_564 : memref<128xi32, #tpu.memory_space<vmem>>) semaphore(%arg8 : memref<!tpu.dma_semaphore, #tpu.memory_space<semaphore_mem>>)
    %dma_start3A_568 = arith.constant 29 : i32
    %dma_start3A_569 = arith.constant 640 : i32
    %dma_start3A_570 = arith.constant 0 : i32
    %dma_start3A_571 = tpu.memref_slice %arg7[%dma_start3A_569, %dma_start3A_570] : memref<1024x32xf32, #tpu.memory_space<vmem>> -> memref<128x32xf32, #tpu.memory_space<vmem>>
    %dma_start3A_572 = arith.constant 0 : i32
    %dma_start3A_573 = tpu.memref_slice %arg5[%dma_start3A_568, %dma_start3A_572] : memref<64x128xi32, #tpu.memory_space<vmem>> -> memref<1x128xi32, #tpu.memory_space<vmem>>
    %dma_start3A_574 = tpu.memref_squeeze %dma_start3A_573 : memref<1x128xi32, #tpu.memory_space<vmem>> -> memref<128xi32, #tpu.memory_space<vmem>>
    %dma_start3A_575 = arith.constant 0 : i32
    %dma_start3A_576 = arith.constant 0 : i32
    %dma_start3A_577 = tpu.memref_slice %arg3[%dma_start3A_575, %dma_start3A_576] : memref<524288x32xf32, #tpu.memory_space<hbm>> -> memref<524288x32xf32, #tpu.memory_space<hbm>>
    tpu.enqueue_indirect_dma source(%dma_start3A_577 : memref<524288x32xf32, #tpu.memory_space<hbm>>) target(%dma_start3A_571 : memref<128x32xf32, #tpu.memory_space<vmem>>) offsets(%dma_start3A_574 : memref<128xi32, #tpu.memory_space<vmem>>) semaphore(%arg8 : memref<!tpu.dma_semaphore, #tpu.memory_space<semaphore_mem>>)
    %dma_start3A_578 = arith.constant 30 : i32
    %dma_start3A_579 = arith.constant 768 : i32
    %dma_start3A_580 = arith.constant 0 : i32
    %dma_start3A_581 = tpu.memref_slice %arg7[%dma_start3A_579, %dma_start3A_580] : memref<1024x32xf32, #tpu.memory_space<vmem>> -> memref<128x32xf32, #tpu.memory_space<vmem>>
    %dma_start3A_582 = arith.constant 0 : i32
    %dma_start3A_583 = tpu.memref_slice %arg5[%dma_start3A_578, %dma_start3A_582] : memref<64x128xi32, #tpu.memory_space<vmem>> -> memref<1x128xi32, #tpu.memory_space<vmem>>
    %dma_start3A_584 = tpu.memref_squeeze %dma_start3A_583 : memref<1x128xi32, #tpu.memory_space<vmem>> -> memref<128xi32, #tpu.memory_space<vmem>>
    %dma_start3A_585 = arith.constant 0 : i32
    %dma_start3A_586 = arith.constant 0 : i32
    %dma_start3A_587 = tpu.memref_slice %arg3[%dma_start3A_585, %dma_start3A_586] : memref<524288x32xf32, #tpu.memory_space<hbm>> -> memref<524288x32xf32, #tpu.memory_space<hbm>>
    tpu.enqueue_indirect_dma source(%dma_start3A_587 : memref<524288x32xf32, #tpu.memory_space<hbm>>) target(%dma_start3A_581 : memref<128x32xf32, #tpu.memory_space<vmem>>) offsets(%dma_start3A_584 : memref<128xi32, #tpu.memory_space<vmem>>) semaphore(%arg8 : memref<!tpu.dma_semaphore, #tpu.memory_space<semaphore_mem>>)
    %dma_start3A_588 = arith.constant 31 : i32
    %dma_start3A_589 = arith.constant 896 : i32
    %dma_start3A_590 = arith.constant 0 : i32
    %dma_start3A_591 = tpu.memref_slice %arg7[%dma_start3A_589, %dma_start3A_590] : memref<1024x32xf32, #tpu.memory_space<vmem>> -> memref<128x32xf32, #tpu.memory_space<vmem>>
    %dma_start3A_592 = arith.constant 0 : i32
    %dma_start3A_593 = tpu.memref_slice %arg5[%dma_start3A_588, %dma_start3A_592] : memref<64x128xi32, #tpu.memory_space<vmem>> -> memref<1x128xi32, #tpu.memory_space<vmem>>
    %dma_start3A_594 = tpu.memref_squeeze %dma_start3A_593 : memref<1x128xi32, #tpu.memory_space<vmem>> -> memref<128xi32, #tpu.memory_space<vmem>>
    %dma_start3A_595 = arith.constant 0 : i32
    %dma_start3A_596 = arith.constant 0 : i32
    %dma_start3A_597 = tpu.memref_slice %arg3[%dma_start3A_595, %dma_start3A_596] : memref<524288x32xf32, #tpu.memory_space<hbm>> -> memref<524288x32xf32, #tpu.memory_space<hbm>>
    tpu.enqueue_indirect_dma source(%dma_start3A_597 : memref<524288x32xf32, #tpu.memory_space<hbm>>) target(%dma_start3A_591 : memref<128x32xf32, #tpu.memory_space<vmem>>) offsets(%dma_start3A_594 : memref<128xi32, #tpu.memory_space<vmem>>) semaphore(%arg8 : memref<!tpu.dma_semaphore, #tpu.memory_space<semaphore_mem>>)
    %dma_wait3A_598 = arith.constant 24 : i32
    %dma_wait3A_599 = arith.constant 0 : i32
    %dma_wait3A_600 = arith.constant 0 : i32
    %dma_wait3A_601 = tpu.memref_slice %arg7[%dma_wait3A_599, %dma_wait3A_600] : memref<1024x32xf32, #tpu.memory_space<vmem>> -> memref<128x32xf32, #tpu.memory_space<vmem>>
    %dma_wait3A_602 = arith.constant 0 : i32
    %dma_wait3A_603 = tpu.memref_slice %arg5[%dma_wait3A_598, %dma_wait3A_602] : memref<64x128xi32, #tpu.memory_space<vmem>> -> memref<1x128xi32, #tpu.memory_space<vmem>>
    %dma_wait3A_604 = tpu.memref_squeeze %dma_wait3A_603 : memref<1x128xi32, #tpu.memory_space<vmem>> -> memref<128xi32, #tpu.memory_space<vmem>>
    %dma_wait3A_605 = arith.constant 0 : i32
    %dma_wait3A_606 = arith.constant 0 : i32
    %dma_wait3A_607 = tpu.memref_slice %arg3[%dma_wait3A_605, %dma_wait3A_606] : memref<524288x32xf32, #tpu.memory_space<hbm>> -> memref<524288x32xf32, #tpu.memory_space<hbm>>
    tpu.wait_indirect_dma semaphore(%arg8 : memref<!tpu.dma_semaphore, #tpu.memory_space<semaphore_mem>>) src(%dma_wait3A_607 : memref<524288x32xf32, #tpu.memory_space<hbm>>) dst(%dma_wait3A_601 : memref<128x32xf32, #tpu.memory_space<vmem>>)
    %dma_wait3A_608 = arith.constant 25 : i32
    %dma_wait3A_609 = arith.constant 128 : i32
    %dma_wait3A_610 = arith.constant 0 : i32
    %dma_wait3A_611 = tpu.memref_slice %arg7[%dma_wait3A_609, %dma_wait3A_610] : memref<1024x32xf32, #tpu.memory_space<vmem>> -> memref<128x32xf32, #tpu.memory_space<vmem>>
    %dma_wait3A_612 = arith.constant 0 : i32
    %dma_wait3A_613 = tpu.memref_slice %arg5[%dma_wait3A_608, %dma_wait3A_612] : memref<64x128xi32, #tpu.memory_space<vmem>> -> memref<1x128xi32, #tpu.memory_space<vmem>>
    %dma_wait3A_614 = tpu.memref_squeeze %dma_wait3A_613 : memref<1x128xi32, #tpu.memory_space<vmem>> -> memref<128xi32, #tpu.memory_space<vmem>>
    %dma_wait3A_615 = arith.constant 0 : i32
    %dma_wait3A_616 = arith.constant 0 : i32
    %dma_wait3A_617 = tpu.memref_slice %arg3[%dma_wait3A_615, %dma_wait3A_616] : memref<524288x32xf32, #tpu.memory_space<hbm>> -> memref<524288x32xf32, #tpu.memory_space<hbm>>
    tpu.wait_indirect_dma semaphore(%arg8 : memref<!tpu.dma_semaphore, #tpu.memory_space<semaphore_mem>>) src(%dma_wait3A_617 : memref<524288x32xf32, #tpu.memory_space<hbm>>) dst(%dma_wait3A_611 : memref<128x32xf32, #tpu.memory_space<vmem>>)
    %dma_wait3A_618 = arith.constant 26 : i32
    %dma_wait3A_619 = arith.constant 256 : i32
    %dma_wait3A_620 = arith.constant 0 : i32
    %dma_wait3A_621 = tpu.memref_slice %arg7[%dma_wait3A_619, %dma_wait3A_620] : memref<1024x32xf32, #tpu.memory_space<vmem>> -> memref<128x32xf32, #tpu.memory_space<vmem>>
    %dma_wait3A_622 = arith.constant 0 : i32
    %dma_wait3A_623 = tpu.memref_slice %arg5[%dma_wait3A_618, %dma_wait3A_622] : memref<64x128xi32, #tpu.memory_space<vmem>> -> memref<1x128xi32, #tpu.memory_space<vmem>>
    %dma_wait3A_624 = tpu.memref_squeeze %dma_wait3A_623 : memref<1x128xi32, #tpu.memory_space<vmem>> -> memref<128xi32, #tpu.memory_space<vmem>>
    %dma_wait3A_625 = arith.constant 0 : i32
    %dma_wait3A_626 = arith.constant 0 : i32
    %dma_wait3A_627 = tpu.memref_slice %arg3[%dma_wait3A_625, %dma_wait3A_626] : memref<524288x32xf32, #tpu.memory_space<hbm>> -> memref<524288x32xf32, #tpu.memory_space<hbm>>
    tpu.wait_indirect_dma semaphore(%arg8 : memref<!tpu.dma_semaphore, #tpu.memory_space<semaphore_mem>>) src(%dma_wait3A_627 : memref<524288x32xf32, #tpu.memory_space<hbm>>) dst(%dma_wait3A_621 : memref<128x32xf32, #tpu.memory_space<vmem>>)
    %dma_wait3A_628 = arith.constant 27 : i32
    %dma_wait3A_629 = arith.constant 384 : i32
    %dma_wait3A_630 = arith.constant 0 : i32
    %dma_wait3A_631 = tpu.memref_slice %arg7[%dma_wait3A_629, %dma_wait3A_630] : memref<1024x32xf32, #tpu.memory_space<vmem>> -> memref<128x32xf32, #tpu.memory_space<vmem>>
    %dma_wait3A_632 = arith.constant 0 : i32
    %dma_wait3A_633 = tpu.memref_slice %arg5[%dma_wait3A_628, %dma_wait3A_632] : memref<64x128xi32, #tpu.memory_space<vmem>> -> memref<1x128xi32, #tpu.memory_space<vmem>>
    %dma_wait3A_634 = tpu.memref_squeeze %dma_wait3A_633 : memref<1x128xi32, #tpu.memory_space<vmem>> -> memref<128xi32, #tpu.memory_space<vmem>>
    %dma_wait3A_635 = arith.constant 0 : i32
    %dma_wait3A_636 = arith.constant 0 : i32
    %dma_wait3A_637 = tpu.memref_slice %arg3[%dma_wait3A_635, %dma_wait3A_636] : memref<524288x32xf32, #tpu.memory_space<hbm>> -> memref<524288x32xf32, #tpu.memory_space<hbm>>
    tpu.wait_indirect_dma semaphore(%arg8 : memref<!tpu.dma_semaphore, #tpu.memory_space<semaphore_mem>>) src(%dma_wait3A_637 : memref<524288x32xf32, #tpu.memory_space<hbm>>) dst(%dma_wait3A_631 : memref<128x32xf32, #tpu.memory_space<vmem>>)
    %dma_wait3A_638 = arith.constant 28 : i32
    %dma_wait3A_639 = arith.constant 512 : i32
    %dma_wait3A_640 = arith.constant 0 : i32
    %dma_wait3A_641 = tpu.memref_slice %arg7[%dma_wait3A_639, %dma_wait3A_640] : memref<1024x32xf32, #tpu.memory_space<vmem>> -> memref<128x32xf32, #tpu.memory_space<vmem>>
    %dma_wait3A_642 = arith.constant 0 : i32
    %dma_wait3A_643 = tpu.memref_slice %arg5[%dma_wait3A_638, %dma_wait3A_642] : memref<64x128xi32, #tpu.memory_space<vmem>> -> memref<1x128xi32, #tpu.memory_space<vmem>>
    %dma_wait3A_644 = tpu.memref_squeeze %dma_wait3A_643 : memref<1x128xi32, #tpu.memory_space<vmem>> -> memref<128xi32, #tpu.memory_space<vmem>>
    %dma_wait3A_645 = arith.constant 0 : i32
    %dma_wait3A_646 = arith.constant 0 : i32
    %dma_wait3A_647 = tpu.memref_slice %arg3[%dma_wait3A_645, %dma_wait3A_646] : memref<524288x32xf32, #tpu.memory_space<hbm>> -> memref<524288x32xf32, #tpu.memory_space<hbm>>
    tpu.wait_indirect_dma semaphore(%arg8 : memref<!tpu.dma_semaphore, #tpu.memory_space<semaphore_mem>>) src(%dma_wait3A_647 : memref<524288x32xf32, #tpu.memory_space<hbm>>) dst(%dma_wait3A_641 : memref<128x32xf32, #tpu.memory_space<vmem>>)
    %dma_wait3A_648 = arith.constant 29 : i32
    %dma_wait3A_649 = arith.constant 640 : i32
    %dma_wait3A_650 = arith.constant 0 : i32
    %dma_wait3A_651 = tpu.memref_slice %arg7[%dma_wait3A_649, %dma_wait3A_650] : memref<1024x32xf32, #tpu.memory_space<vmem>> -> memref<128x32xf32, #tpu.memory_space<vmem>>
    %dma_wait3A_652 = arith.constant 0 : i32
    %dma_wait3A_653 = tpu.memref_slice %arg5[%dma_wait3A_648, %dma_wait3A_652] : memref<64x128xi32, #tpu.memory_space<vmem>> -> memref<1x128xi32, #tpu.memory_space<vmem>>
    %dma_wait3A_654 = tpu.memref_squeeze %dma_wait3A_653 : memref<1x128xi32, #tpu.memory_space<vmem>> -> memref<128xi32, #tpu.memory_space<vmem>>
    %dma_wait3A_655 = arith.constant 0 : i32
    %dma_wait3A_656 = arith.constant 0 : i32
    %dma_wait3A_657 = tpu.memref_slice %arg3[%dma_wait3A_655, %dma_wait3A_656] : memref<524288x32xf32, #tpu.memory_space<hbm>> -> memref<524288x32xf32, #tpu.memory_space<hbm>>
    tpu.wait_indirect_dma semaphore(%arg8 : memref<!tpu.dma_semaphore, #tpu.memory_space<semaphore_mem>>) src(%dma_wait3A_657 : memref<524288x32xf32, #tpu.memory_space<hbm>>) dst(%dma_wait3A_651 : memref<128x32xf32, #tpu.memory_space<vmem>>)
    %dma_wait3A_658 = arith.constant 30 : i32
    %dma_wait3A_659 = arith.constant 768 : i32
    %dma_wait3A_660 = arith.constant 0 : i32
    %dma_wait3A_661 = tpu.memref_slice %arg7[%dma_wait3A_659, %dma_wait3A_660] : memref<1024x32xf32, #tpu.memory_space<vmem>> -> memref<128x32xf32, #tpu.memory_space<vmem>>
    %dma_wait3A_662 = arith.constant 0 : i32
    %dma_wait3A_663 = tpu.memref_slice %arg5[%dma_wait3A_658, %dma_wait3A_662] : memref<64x128xi32, #tpu.memory_space<vmem>> -> memref<1x128xi32, #tpu.memory_space<vmem>>
    %dma_wait3A_664 = tpu.memref_squeeze %dma_wait3A_663 : memref<1x128xi32, #tpu.memory_space<vmem>> -> memref<128xi32, #tpu.memory_space<vmem>>
    %dma_wait3A_665 = arith.constant 0 : i32
    %dma_wait3A_666 = arith.constant 0 : i32
    %dma_wait3A_667 = tpu.memref_slice %arg3[%dma_wait3A_665, %dma_wait3A_666] : memref<524288x32xf32, #tpu.memory_space<hbm>> -> memref<524288x32xf32, #tpu.memory_space<hbm>>
    tpu.wait_indirect_dma semaphore(%arg8 : memref<!tpu.dma_semaphore, #tpu.memory_space<semaphore_mem>>) src(%dma_wait3A_667 : memref<524288x32xf32, #tpu.memory_space<hbm>>) dst(%dma_wait3A_661 : memref<128x32xf32, #tpu.memory_space<vmem>>)
    %dma_wait3A_668 = arith.constant 31 : i32
    %dma_wait3A_669 = arith.constant 896 : i32
    %dma_wait3A_670 = arith.constant 0 : i32
    %dma_wait3A_671 = tpu.memref_slice %arg7[%dma_wait3A_669, %dma_wait3A_670] : memref<1024x32xf32, #tpu.memory_space<vmem>> -> memref<128x32xf32, #tpu.memory_space<vmem>>
    %dma_wait3A_672 = arith.constant 0 : i32
    %dma_wait3A_673 = tpu.memref_slice %arg5[%dma_wait3A_668, %dma_wait3A_672] : memref<64x128xi32, #tpu.memory_space<vmem>> -> memref<1x128xi32, #tpu.memory_space<vmem>>
    %dma_wait3A_674 = tpu.memref_squeeze %dma_wait3A_673 : memref<1x128xi32, #tpu.memory_space<vmem>> -> memref<128xi32, #tpu.memory_space<vmem>>
    %dma_wait3A_675 = arith.constant 0 : i32
    %dma_wait3A_676 = arith.constant 0 : i32
    %dma_wait3A_677 = tpu.memref_slice %arg3[%dma_wait3A_675, %dma_wait3A_676] : memref<524288x32xf32, #tpu.memory_space<hbm>> -> memref<524288x32xf32, #tpu.memory_space<hbm>>
    tpu.wait_indirect_dma semaphore(%arg8 : memref<!tpu.dma_semaphore, #tpu.memory_space<semaphore_mem>>) src(%dma_wait3A_677 : memref<524288x32xf32, #tpu.memory_space<hbm>>) dst(%dma_wait3A_671 : memref<128x32xf32, #tpu.memory_space<vmem>>)
    %mul3A_678 = arith.constant 2048 : i32
    %mul3A_679 = arith.muli %add3A, %mul3A_678 : i32
    %add3A_680 = arith.constant 1024 : i32
    %add3A_681 = arith.addi %mul3A_679, %add3A_680 : i32
    %dma_start3A_682 = arith.constant 32 : i32
    %dma_start3A_683 = tpu.memref_slice %arg4[%add3A_681, %dma_start3A_682] : memref<65536x128xf32, #tpu.memory_space<hbm>> -> memref<1024x32xf32, #tpu.memory_space<hbm>>
    %dma_start3A_684 = arith.constant 32 : i32
    %dma_start3A_685 = tpu.memref_slice %arg4[%add3A_681, %dma_start3A_684] : memref<65536x128xf32, #tpu.memory_space<hbm>> -> memref<1024x32xf32, #tpu.memory_space<hbm>>
    tpu.enqueue_dma source(%arg7 : memref<1024x32xf32, #tpu.memory_space<vmem>>) target(%dma_start3A_685 : memref<1024x32xf32, #tpu.memory_space<hbm>>) target_semaphore(%arg9 : memref<!tpu.dma_semaphore, #tpu.memory_space<semaphore_mem>>)
    %dma_wait3A_686 = arith.constant 32 : i32
    %dma_wait3A_687 = tpu.memref_slice %arg4[%add3A_509, %dma_wait3A_686] : memref<65536x128xf32, #tpu.memory_space<hbm>> -> memref<1024x32xf32, #tpu.memory_space<hbm>>
    %dma_wait3A_688 = arith.constant 32 : i32
    %dma_wait3A_689 = tpu.memref_slice %arg4[%add3A_509, %dma_wait3A_688] : memref<65536x128xf32, #tpu.memory_space<hbm>> -> memref<1024x32xf32, #tpu.memory_space<hbm>>
    tpu.wait_dma2 semaphore(%arg9 : memref<!tpu.dma_semaphore, #tpu.memory_space<semaphore_mem>>) src(%arg6 : memref<1024x32xf32, #tpu.memory_space<vmem>>) dst(%dma_wait3A_689 : memref<1024x32xf32, #tpu.memory_space<hbm>>)
    %dma_start3A_690 = arith.constant 32 : i32
    %dma_start3A_691 = arith.constant 0 : i32
    %dma_start3A_692 = arith.constant 0 : i32
    %dma_start3A_693 = tpu.memref_slice %arg6[%dma_start3A_691, %dma_start3A_692] : memref<1024x32xf32, #tpu.memory_space<vmem>> -> memref<128x32xf32, #tpu.memory_space<vmem>>
    %dma_start3A_694 = arith.constant 0 : i32
    %dma_start3A_695 = tpu.memref_slice %arg5[%dma_start3A_690, %dma_start3A_694] : memref<64x128xi32, #tpu.memory_space<vmem>> -> memref<1x128xi32, #tpu.memory_space<vmem>>
    %dma_start3A_696 = tpu.memref_squeeze %dma_start3A_695 : memref<1x128xi32, #tpu.memory_space<vmem>> -> memref<128xi32, #tpu.memory_space<vmem>>
    %dma_start3A_697 = arith.constant 0 : i32
    %dma_start3A_698 = arith.constant 0 : i32
    %dma_start3A_699 = tpu.memref_slice %arg3[%dma_start3A_697, %dma_start3A_698] : memref<524288x32xf32, #tpu.memory_space<hbm>> -> memref<524288x32xf32, #tpu.memory_space<hbm>>
    tpu.enqueue_indirect_dma source(%dma_start3A_699 : memref<524288x32xf32, #tpu.memory_space<hbm>>) target(%dma_start3A_693 : memref<128x32xf32, #tpu.memory_space<vmem>>) offsets(%dma_start3A_696 : memref<128xi32, #tpu.memory_space<vmem>>) semaphore(%arg8 : memref<!tpu.dma_semaphore, #tpu.memory_space<semaphore_mem>>)
    %dma_start3A_700 = arith.constant 33 : i32
    %dma_start3A_701 = arith.constant 128 : i32
    %dma_start3A_702 = arith.constant 0 : i32
    %dma_start3A_703 = tpu.memref_slice %arg6[%dma_start3A_701, %dma_start3A_702] : memref<1024x32xf32, #tpu.memory_space<vmem>> -> memref<128x32xf32, #tpu.memory_space<vmem>>
    %dma_start3A_704 = arith.constant 0 : i32
    %dma_start3A_705 = tpu.memref_slice %arg5[%dma_start3A_700, %dma_start3A_704] : memref<64x128xi32, #tpu.memory_space<vmem>> -> memref<1x128xi32, #tpu.memory_space<vmem>>
    %dma_start3A_706 = tpu.memref_squeeze %dma_start3A_705 : memref<1x128xi32, #tpu.memory_space<vmem>> -> memref<128xi32, #tpu.memory_space<vmem>>
    %dma_start3A_707 = arith.constant 0 : i32
    %dma_start3A_708 = arith.constant 0 : i32
    %dma_start3A_709 = tpu.memref_slice %arg3[%dma_start3A_707, %dma_start3A_708] : memref<524288x32xf32, #tpu.memory_space<hbm>> -> memref<524288x32xf32, #tpu.memory_space<hbm>>
    tpu.enqueue_indirect_dma source(%dma_start3A_709 : memref<524288x32xf32, #tpu.memory_space<hbm>>) target(%dma_start3A_703 : memref<128x32xf32, #tpu.memory_space<vmem>>) offsets(%dma_start3A_706 : memref<128xi32, #tpu.memory_space<vmem>>) semaphore(%arg8 : memref<!tpu.dma_semaphore, #tpu.memory_space<semaphore_mem>>)
    %dma_start3A_710 = arith.constant 34 : i32
    %dma_start3A_711 = arith.constant 256 : i32
    %dma_start3A_712 = arith.constant 0 : i32
    %dma_start3A_713 = tpu.memref_slice %arg6[%dma_start3A_711, %dma_start3A_712] : memref<1024x32xf32, #tpu.memory_space<vmem>> -> memref<128x32xf32, #tpu.memory_space<vmem>>
    %dma_start3A_714 = arith.constant 0 : i32
    %dma_start3A_715 = tpu.memref_slice %arg5[%dma_start3A_710, %dma_start3A_714] : memref<64x128xi32, #tpu.memory_space<vmem>> -> memref<1x128xi32, #tpu.memory_space<vmem>>
    %dma_start3A_716 = tpu.memref_squeeze %dma_start3A_715 : memref<1x128xi32, #tpu.memory_space<vmem>> -> memref<128xi32, #tpu.memory_space<vmem>>
    %dma_start3A_717 = arith.constant 0 : i32
    %dma_start3A_718 = arith.constant 0 : i32
    %dma_start3A_719 = tpu.memref_slice %arg3[%dma_start3A_717, %dma_start3A_718] : memref<524288x32xf32, #tpu.memory_space<hbm>> -> memref<524288x32xf32, #tpu.memory_space<hbm>>
    tpu.enqueue_indirect_dma source(%dma_start3A_719 : memref<524288x32xf32, #tpu.memory_space<hbm>>) target(%dma_start3A_713 : memref<128x32xf32, #tpu.memory_space<vmem>>) offsets(%dma_start3A_716 : memref<128xi32, #tpu.memory_space<vmem>>) semaphore(%arg8 : memref<!tpu.dma_semaphore, #tpu.memory_space<semaphore_mem>>)
    %dma_start3A_720 = arith.constant 35 : i32
    %dma_start3A_721 = arith.constant 384 : i32
    %dma_start3A_722 = arith.constant 0 : i32
    %dma_start3A_723 = tpu.memref_slice %arg6[%dma_start3A_721, %dma_start3A_722] : memref<1024x32xf32, #tpu.memory_space<vmem>> -> memref<128x32xf32, #tpu.memory_space<vmem>>
    %dma_start3A_724 = arith.constant 0 : i32
    %dma_start3A_725 = tpu.memref_slice %arg5[%dma_start3A_720, %dma_start3A_724] : memref<64x128xi32, #tpu.memory_space<vmem>> -> memref<1x128xi32, #tpu.memory_space<vmem>>
    %dma_start3A_726 = tpu.memref_squeeze %dma_start3A_725 : memref<1x128xi32, #tpu.memory_space<vmem>> -> memref<128xi32, #tpu.memory_space<vmem>>
    %dma_start3A_727 = arith.constant 0 : i32
    %dma_start3A_728 = arith.constant 0 : i32
    %dma_start3A_729 = tpu.memref_slice %arg3[%dma_start3A_727, %dma_start3A_728] : memref<524288x32xf32, #tpu.memory_space<hbm>> -> memref<524288x32xf32, #tpu.memory_space<hbm>>
    tpu.enqueue_indirect_dma source(%dma_start3A_729 : memref<524288x32xf32, #tpu.memory_space<hbm>>) target(%dma_start3A_723 : memref<128x32xf32, #tpu.memory_space<vmem>>) offsets(%dma_start3A_726 : memref<128xi32, #tpu.memory_space<vmem>>) semaphore(%arg8 : memref<!tpu.dma_semaphore, #tpu.memory_space<semaphore_mem>>)
    %dma_start3A_730 = arith.constant 36 : i32
    %dma_start3A_731 = arith.constant 512 : i32
    %dma_start3A_732 = arith.constant 0 : i32
    %dma_start3A_733 = tpu.memref_slice %arg6[%dma_start3A_731, %dma_start3A_732] : memref<1024x32xf32, #tpu.memory_space<vmem>> -> memref<128x32xf32, #tpu.memory_space<vmem>>
    %dma_start3A_734 = arith.constant 0 : i32
    %dma_start3A_735 = tpu.memref_slice %arg5[%dma_start3A_730, %dma_start3A_734] : memref<64x128xi32, #tpu.memory_space<vmem>> -> memref<1x128xi32, #tpu.memory_space<vmem>>
    %dma_start3A_736 = tpu.memref_squeeze %dma_start3A_735 : memref<1x128xi32, #tpu.memory_space<vmem>> -> memref<128xi32, #tpu.memory_space<vmem>>
    %dma_start3A_737 = arith.constant 0 : i32
    %dma_start3A_738 = arith.constant 0 : i32
    %dma_start3A_739 = tpu.memref_slice %arg3[%dma_start3A_737, %dma_start3A_738] : memref<524288x32xf32, #tpu.memory_space<hbm>> -> memref<524288x32xf32, #tpu.memory_space<hbm>>
    tpu.enqueue_indirect_dma source(%dma_start3A_739 : memref<524288x32xf32, #tpu.memory_space<hbm>>) target(%dma_start3A_733 : memref<128x32xf32, #tpu.memory_space<vmem>>) offsets(%dma_start3A_736 : memref<128xi32, #tpu.memory_space<vmem>>) semaphore(%arg8 : memref<!tpu.dma_semaphore, #tpu.memory_space<semaphore_mem>>)
    %dma_start3A_740 = arith.constant 37 : i32
    %dma_start3A_741 = arith.constant 640 : i32
    %dma_start3A_742 = arith.constant 0 : i32
    %dma_start3A_743 = tpu.memref_slice %arg6[%dma_start3A_741, %dma_start3A_742] : memref<1024x32xf32, #tpu.memory_space<vmem>> -> memref<128x32xf32, #tpu.memory_space<vmem>>
    %dma_start3A_744 = arith.constant 0 : i32
    %dma_start3A_745 = tpu.memref_slice %arg5[%dma_start3A_740, %dma_start3A_744] : memref<64x128xi32, #tpu.memory_space<vmem>> -> memref<1x128xi32, #tpu.memory_space<vmem>>
    %dma_start3A_746 = tpu.memref_squeeze %dma_start3A_745 : memref<1x128xi32, #tpu.memory_space<vmem>> -> memref<128xi32, #tpu.memory_space<vmem>>
    %dma_start3A_747 = arith.constant 0 : i32
    %dma_start3A_748 = arith.constant 0 : i32
    %dma_start3A_749 = tpu.memref_slice %arg3[%dma_start3A_747, %dma_start3A_748] : memref<524288x32xf32, #tpu.memory_space<hbm>> -> memref<524288x32xf32, #tpu.memory_space<hbm>>
    tpu.enqueue_indirect_dma source(%dma_start3A_749 : memref<524288x32xf32, #tpu.memory_space<hbm>>) target(%dma_start3A_743 : memref<128x32xf32, #tpu.memory_space<vmem>>) offsets(%dma_start3A_746 : memref<128xi32, #tpu.memory_space<vmem>>) semaphore(%arg8 : memref<!tpu.dma_semaphore, #tpu.memory_space<semaphore_mem>>)
    %dma_start3A_750 = arith.constant 38 : i32
    %dma_start3A_751 = arith.constant 768 : i32
    %dma_start3A_752 = arith.constant 0 : i32
    %dma_start3A_753 = tpu.memref_slice %arg6[%dma_start3A_751, %dma_start3A_752] : memref<1024x32xf32, #tpu.memory_space<vmem>> -> memref<128x32xf32, #tpu.memory_space<vmem>>
    %dma_start3A_754 = arith.constant 0 : i32
    %dma_start3A_755 = tpu.memref_slice %arg5[%dma_start3A_750, %dma_start3A_754] : memref<64x128xi32, #tpu.memory_space<vmem>> -> memref<1x128xi32, #tpu.memory_space<vmem>>
    %dma_start3A_756 = tpu.memref_squeeze %dma_start3A_755 : memref<1x128xi32, #tpu.memory_space<vmem>> -> memref<128xi32, #tpu.memory_space<vmem>>
    %dma_start3A_757 = arith.constant 0 : i32
    %dma_start3A_758 = arith.constant 0 : i32
    %dma_start3A_759 = tpu.memref_slice %arg3[%dma_start3A_757, %dma_start3A_758] : memref<524288x32xf32, #tpu.memory_space<hbm>> -> memref<524288x32xf32, #tpu.memory_space<hbm>>
    tpu.enqueue_indirect_dma source(%dma_start3A_759 : memref<524288x32xf32, #tpu.memory_space<hbm>>) target(%dma_start3A_753 : memref<128x32xf32, #tpu.memory_space<vmem>>) offsets(%dma_start3A_756 : memref<128xi32, #tpu.memory_space<vmem>>) semaphore(%arg8 : memref<!tpu.dma_semaphore, #tpu.memory_space<semaphore_mem>>)
    %dma_start3A_760 = arith.constant 39 : i32
    %dma_start3A_761 = arith.constant 896 : i32
    %dma_start3A_762 = arith.constant 0 : i32
    %dma_start3A_763 = tpu.memref_slice %arg6[%dma_start3A_761, %dma_start3A_762] : memref<1024x32xf32, #tpu.memory_space<vmem>> -> memref<128x32xf32, #tpu.memory_space<vmem>>
    %dma_start3A_764 = arith.constant 0 : i32
    %dma_start3A_765 = tpu.memref_slice %arg5[%dma_start3A_760, %dma_start3A_764] : memref<64x128xi32, #tpu.memory_space<vmem>> -> memref<1x128xi32, #tpu.memory_space<vmem>>
    %dma_start3A_766 = tpu.memref_squeeze %dma_start3A_765 : memref<1x128xi32, #tpu.memory_space<vmem>> -> memref<128xi32, #tpu.memory_space<vmem>>
    %dma_start3A_767 = arith.constant 0 : i32
    %dma_start3A_768 = arith.constant 0 : i32
    %dma_start3A_769 = tpu.memref_slice %arg3[%dma_start3A_767, %dma_start3A_768] : memref<524288x32xf32, #tpu.memory_space<hbm>> -> memref<524288x32xf32, #tpu.memory_space<hbm>>
    tpu.enqueue_indirect_dma source(%dma_start3A_769 : memref<524288x32xf32, #tpu.memory_space<hbm>>) target(%dma_start3A_763 : memref<128x32xf32, #tpu.memory_space<vmem>>) offsets(%dma_start3A_766 : memref<128xi32, #tpu.memory_space<vmem>>) semaphore(%arg8 : memref<!tpu.dma_semaphore, #tpu.memory_space<semaphore_mem>>)
    %dma_wait3A_770 = arith.constant 32 : i32
    %dma_wait3A_771 = arith.constant 0 : i32
    %dma_wait3A_772 = arith.constant 0 : i32
    %dma_wait3A_773 = tpu.memref_slice %arg6[%dma_wait3A_771, %dma_wait3A_772] : memref<1024x32xf32, #tpu.memory_space<vmem>> -> memref<128x32xf32, #tpu.memory_space<vmem>>
    %dma_wait3A_774 = arith.constant 0 : i32
    %dma_wait3A_775 = tpu.memref_slice %arg5[%dma_wait3A_770, %dma_wait3A_774] : memref<64x128xi32, #tpu.memory_space<vmem>> -> memref<1x128xi32, #tpu.memory_space<vmem>>
    %dma_wait3A_776 = tpu.memref_squeeze %dma_wait3A_775 : memref<1x128xi32, #tpu.memory_space<vmem>> -> memref<128xi32, #tpu.memory_space<vmem>>
    %dma_wait3A_777 = arith.constant 0 : i32
    %dma_wait3A_778 = arith.constant 0 : i32
    %dma_wait3A_779 = tpu.memref_slice %arg3[%dma_wait3A_777, %dma_wait3A_778] : memref<524288x32xf32, #tpu.memory_space<hbm>> -> memref<524288x32xf32, #tpu.memory_space<hbm>>
    tpu.wait_indirect_dma semaphore(%arg8 : memref<!tpu.dma_semaphore, #tpu.memory_space<semaphore_mem>>) src(%dma_wait3A_779 : memref<524288x32xf32, #tpu.memory_space<hbm>>) dst(%dma_wait3A_773 : memref<128x32xf32, #tpu.memory_space<vmem>>)
    %dma_wait3A_780 = arith.constant 33 : i32
    %dma_wait3A_781 = arith.constant 128 : i32
    %dma_wait3A_782 = arith.constant 0 : i32
    %dma_wait3A_783 = tpu.memref_slice %arg6[%dma_wait3A_781, %dma_wait3A_782] : memref<1024x32xf32, #tpu.memory_space<vmem>> -> memref<128x32xf32, #tpu.memory_space<vmem>>
    %dma_wait3A_784 = arith.constant 0 : i32
    %dma_wait3A_785 = tpu.memref_slice %arg5[%dma_wait3A_780, %dma_wait3A_784] : memref<64x128xi32, #tpu.memory_space<vmem>> -> memref<1x128xi32, #tpu.memory_space<vmem>>
    %dma_wait3A_786 = tpu.memref_squeeze %dma_wait3A_785 : memref<1x128xi32, #tpu.memory_space<vmem>> -> memref<128xi32, #tpu.memory_space<vmem>>
    %dma_wait3A_787 = arith.constant 0 : i32
    %dma_wait3A_788 = arith.constant 0 : i32
    %dma_wait3A_789 = tpu.memref_slice %arg3[%dma_wait3A_787, %dma_wait3A_788] : memref<524288x32xf32, #tpu.memory_space<hbm>> -> memref<524288x32xf32, #tpu.memory_space<hbm>>
    tpu.wait_indirect_dma semaphore(%arg8 : memref<!tpu.dma_semaphore, #tpu.memory_space<semaphore_mem>>) src(%dma_wait3A_789 : memref<524288x32xf32, #tpu.memory_space<hbm>>) dst(%dma_wait3A_783 : memref<128x32xf32, #tpu.memory_space<vmem>>)
    %dma_wait3A_790 = arith.constant 34 : i32
    %dma_wait3A_791 = arith.constant 256 : i32
    %dma_wait3A_792 = arith.constant 0 : i32
    %dma_wait3A_793 = tpu.memref_slice %arg6[%dma_wait3A_791, %dma_wait3A_792] : memref<1024x32xf32, #tpu.memory_space<vmem>> -> memref<128x32xf32, #tpu.memory_space<vmem>>
    %dma_wait3A_794 = arith.constant 0 : i32
    %dma_wait3A_795 = tpu.memref_slice %arg5[%dma_wait3A_790, %dma_wait3A_794] : memref<64x128xi32, #tpu.memory_space<vmem>> -> memref<1x128xi32, #tpu.memory_space<vmem>>
    %dma_wait3A_796 = tpu.memref_squeeze %dma_wait3A_795 : memref<1x128xi32, #tpu.memory_space<vmem>> -> memref<128xi32, #tpu.memory_space<vmem>>
    %dma_wait3A_797 = arith.constant 0 : i32
    %dma_wait3A_798 = arith.constant 0 : i32
    %dma_wait3A_799 = tpu.memref_slice %arg3[%dma_wait3A_797, %dma_wait3A_798] : memref<524288x32xf32, #tpu.memory_space<hbm>> -> memref<524288x32xf32, #tpu.memory_space<hbm>>
    tpu.wait_indirect_dma semaphore(%arg8 : memref<!tpu.dma_semaphore, #tpu.memory_space<semaphore_mem>>) src(%dma_wait3A_799 : memref<524288x32xf32, #tpu.memory_space<hbm>>) dst(%dma_wait3A_793 : memref<128x32xf32, #tpu.memory_space<vmem>>)
    %dma_wait3A_800 = arith.constant 35 : i32
    %dma_wait3A_801 = arith.constant 384 : i32
    %dma_wait3A_802 = arith.constant 0 : i32
    %dma_wait3A_803 = tpu.memref_slice %arg6[%dma_wait3A_801, %dma_wait3A_802] : memref<1024x32xf32, #tpu.memory_space<vmem>> -> memref<128x32xf32, #tpu.memory_space<vmem>>
    %dma_wait3A_804 = arith.constant 0 : i32
    %dma_wait3A_805 = tpu.memref_slice %arg5[%dma_wait3A_800, %dma_wait3A_804] : memref<64x128xi32, #tpu.memory_space<vmem>> -> memref<1x128xi32, #tpu.memory_space<vmem>>
    %dma_wait3A_806 = tpu.memref_squeeze %dma_wait3A_805 : memref<1x128xi32, #tpu.memory_space<vmem>> -> memref<128xi32, #tpu.memory_space<vmem>>
    %dma_wait3A_807 = arith.constant 0 : i32
    %dma_wait3A_808 = arith.constant 0 : i32
    %dma_wait3A_809 = tpu.memref_slice %arg3[%dma_wait3A_807, %dma_wait3A_808] : memref<524288x32xf32, #tpu.memory_space<hbm>> -> memref<524288x32xf32, #tpu.memory_space<hbm>>
    tpu.wait_indirect_dma semaphore(%arg8 : memref<!tpu.dma_semaphore, #tpu.memory_space<semaphore_mem>>) src(%dma_wait3A_809 : memref<524288x32xf32, #tpu.memory_space<hbm>>) dst(%dma_wait3A_803 : memref<128x32xf32, #tpu.memory_space<vmem>>)
    %dma_wait3A_810 = arith.constant 36 : i32
    %dma_wait3A_811 = arith.constant 512 : i32
    %dma_wait3A_812 = arith.constant 0 : i32
    %dma_wait3A_813 = tpu.memref_slice %arg6[%dma_wait3A_811, %dma_wait3A_812] : memref<1024x32xf32, #tpu.memory_space<vmem>> -> memref<128x32xf32, #tpu.memory_space<vmem>>
    %dma_wait3A_814 = arith.constant 0 : i32
    %dma_wait3A_815 = tpu.memref_slice %arg5[%dma_wait3A_810, %dma_wait3A_814] : memref<64x128xi32, #tpu.memory_space<vmem>> -> memref<1x128xi32, #tpu.memory_space<vmem>>
    %dma_wait3A_816 = tpu.memref_squeeze %dma_wait3A_815 : memref<1x128xi32, #tpu.memory_space<vmem>> -> memref<128xi32, #tpu.memory_space<vmem>>
    %dma_wait3A_817 = arith.constant 0 : i32
    %dma_wait3A_818 = arith.constant 0 : i32
    %dma_wait3A_819 = tpu.memref_slice %arg3[%dma_wait3A_817, %dma_wait3A_818] : memref<524288x32xf32, #tpu.memory_space<hbm>> -> memref<524288x32xf32, #tpu.memory_space<hbm>>
    tpu.wait_indirect_dma semaphore(%arg8 : memref<!tpu.dma_semaphore, #tpu.memory_space<semaphore_mem>>) src(%dma_wait3A_819 : memref<524288x32xf32, #tpu.memory_space<hbm>>) dst(%dma_wait3A_813 : memref<128x32xf32, #tpu.memory_space<vmem>>)
    %dma_wait3A_820 = arith.constant 37 : i32
    %dma_wait3A_821 = arith.constant 640 : i32
    %dma_wait3A_822 = arith.constant 0 : i32
    %dma_wait3A_823 = tpu.memref_slice %arg6[%dma_wait3A_821, %dma_wait3A_822] : memref<1024x32xf32, #tpu.memory_space<vmem>> -> memref<128x32xf32, #tpu.memory_space<vmem>>
    %dma_wait3A_824 = arith.constant 0 : i32
    %dma_wait3A_825 = tpu.memref_slice %arg5[%dma_wait3A_820, %dma_wait3A_824] : memref<64x128xi32, #tpu.memory_space<vmem>> -> memref<1x128xi32, #tpu.memory_space<vmem>>
    %dma_wait3A_826 = tpu.memref_squeeze %dma_wait3A_825 : memref<1x128xi32, #tpu.memory_space<vmem>> -> memref<128xi32, #tpu.memory_space<vmem>>
    %dma_wait3A_827 = arith.constant 0 : i32
    %dma_wait3A_828 = arith.constant 0 : i32
    %dma_wait3A_829 = tpu.memref_slice %arg3[%dma_wait3A_827, %dma_wait3A_828] : memref<524288x32xf32, #tpu.memory_space<hbm>> -> memref<524288x32xf32, #tpu.memory_space<hbm>>
    tpu.wait_indirect_dma semaphore(%arg8 : memref<!tpu.dma_semaphore, #tpu.memory_space<semaphore_mem>>) src(%dma_wait3A_829 : memref<524288x32xf32, #tpu.memory_space<hbm>>) dst(%dma_wait3A_823 : memref<128x32xf32, #tpu.memory_space<vmem>>)
    %dma_wait3A_830 = arith.constant 38 : i32
    %dma_wait3A_831 = arith.constant 768 : i32
    %dma_wait3A_832 = arith.constant 0 : i32
    %dma_wait3A_833 = tpu.memref_slice %arg6[%dma_wait3A_831, %dma_wait3A_832] : memref<1024x32xf32, #tpu.memory_space<vmem>> -> memref<128x32xf32, #tpu.memory_space<vmem>>
    %dma_wait3A_834 = arith.constant 0 : i32
    %dma_wait3A_835 = tpu.memref_slice %arg5[%dma_wait3A_830, %dma_wait3A_834] : memref<64x128xi32, #tpu.memory_space<vmem>> -> memref<1x128xi32, #tpu.memory_space<vmem>>
    %dma_wait3A_836 = tpu.memref_squeeze %dma_wait3A_835 : memref<1x128xi32, #tpu.memory_space<vmem>> -> memref<128xi32, #tpu.memory_space<vmem>>
    %dma_wait3A_837 = arith.constant 0 : i32
    %dma_wait3A_838 = arith.constant 0 : i32
    %dma_wait3A_839 = tpu.memref_slice %arg3[%dma_wait3A_837, %dma_wait3A_838] : memref<524288x32xf32, #tpu.memory_space<hbm>> -> memref<524288x32xf32, #tpu.memory_space<hbm>>
    tpu.wait_indirect_dma semaphore(%arg8 : memref<!tpu.dma_semaphore, #tpu.memory_space<semaphore_mem>>) src(%dma_wait3A_839 : memref<524288x32xf32, #tpu.memory_space<hbm>>) dst(%dma_wait3A_833 : memref<128x32xf32, #tpu.memory_space<vmem>>)
    %dma_wait3A_840 = arith.constant 39 : i32
    %dma_wait3A_841 = arith.constant 896 : i32
    %dma_wait3A_842 = arith.constant 0 : i32
    %dma_wait3A_843 = tpu.memref_slice %arg6[%dma_wait3A_841, %dma_wait3A_842] : memref<1024x32xf32, #tpu.memory_space<vmem>> -> memref<128x32xf32, #tpu.memory_space<vmem>>
    %dma_wait3A_844 = arith.constant 0 : i32
    %dma_wait3A_845 = tpu.memref_slice %arg5[%dma_wait3A_840, %dma_wait3A_844] : memref<64x128xi32, #tpu.memory_space<vmem>> -> memref<1x128xi32, #tpu.memory_space<vmem>>
    %dma_wait3A_846 = tpu.memref_squeeze %dma_wait3A_845 : memref<1x128xi32, #tpu.memory_space<vmem>> -> memref<128xi32, #tpu.memory_space<vmem>>
    %dma_wait3A_847 = arith.constant 0 : i32
    %dma_wait3A_848 = arith.constant 0 : i32
    %dma_wait3A_849 = tpu.memref_slice %arg3[%dma_wait3A_847, %dma_wait3A_848] : memref<524288x32xf32, #tpu.memory_space<hbm>> -> memref<524288x32xf32, #tpu.memory_space<hbm>>
    tpu.wait_indirect_dma semaphore(%arg8 : memref<!tpu.dma_semaphore, #tpu.memory_space<semaphore_mem>>) src(%dma_wait3A_849 : memref<524288x32xf32, #tpu.memory_space<hbm>>) dst(%dma_wait3A_843 : memref<128x32xf32, #tpu.memory_space<vmem>>)
    %mul3A_850 = arith.constant 2048 : i32
    %mul3A_851 = arith.muli %add3A, %mul3A_850 : i32
    %add3A_852 = arith.constant 0 : i32
    %add3A_853 = arith.addi %mul3A_851, %add3A_852 : i32
    %dma_start3A_854 = arith.constant 64 : i32
    %dma_start3A_855 = tpu.memref_slice %arg4[%add3A_853, %dma_start3A_854] : memref<65536x128xf32, #tpu.memory_space<hbm>> -> memref<1024x32xf32, #tpu.memory_space<hbm>>
    %dma_start3A_856 = arith.constant 64 : i32
    %dma_start3A_857 = tpu.memref_slice %arg4[%add3A_853, %dma_start3A_856] : memref<65536x128xf32, #tpu.memory_space<hbm>> -> memref<1024x32xf32, #tpu.memory_space<hbm>>
    tpu.enqueue_dma source(%arg6 : memref<1024x32xf32, #tpu.memory_space<vmem>>) target(%dma_start3A_857 : memref<1024x32xf32, #tpu.memory_space<hbm>>) target_semaphore(%arg9 : memref<!tpu.dma_semaphore, #tpu.memory_space<semaphore_mem>>)
    %dma_wait3A_858 = arith.constant 32 : i32
    %dma_wait3A_859 = tpu.memref_slice %arg4[%add3A_681, %dma_wait3A_858] : memref<65536x128xf32, #tpu.memory_space<hbm>> -> memref<1024x32xf32, #tpu.memory_space<hbm>>
    %dma_wait3A_860 = arith.constant 32 : i32
    %dma_wait3A_861 = tpu.memref_slice %arg4[%add3A_681, %dma_wait3A_860] : memref<65536x128xf32, #tpu.memory_space<hbm>> -> memref<1024x32xf32, #tpu.memory_space<hbm>>
    tpu.wait_dma2 semaphore(%arg9 : memref<!tpu.dma_semaphore, #tpu.memory_space<semaphore_mem>>) src(%arg7 : memref<1024x32xf32, #tpu.memory_space<vmem>>) dst(%dma_wait3A_861 : memref<1024x32xf32, #tpu.memory_space<hbm>>)
    %dma_start3A_862 = arith.constant 40 : i32
    %dma_start3A_863 = arith.constant 0 : i32
    %dma_start3A_864 = arith.constant 0 : i32
    %dma_start3A_865 = tpu.memref_slice %arg7[%dma_start3A_863, %dma_start3A_864] : memref<1024x32xf32, #tpu.memory_space<vmem>> -> memref<128x32xf32, #tpu.memory_space<vmem>>
    %dma_start3A_866 = arith.constant 0 : i32
    %dma_start3A_867 = tpu.memref_slice %arg5[%dma_start3A_862, %dma_start3A_866] : memref<64x128xi32, #tpu.memory_space<vmem>> -> memref<1x128xi32, #tpu.memory_space<vmem>>
    %dma_start3A_868 = tpu.memref_squeeze %dma_start3A_867 : memref<1x128xi32, #tpu.memory_space<vmem>> -> memref<128xi32, #tpu.memory_space<vmem>>
    %dma_start3A_869 = arith.constant 0 : i32
    %dma_start3A_870 = arith.constant 0 : i32
    %dma_start3A_871 = tpu.memref_slice %arg3[%dma_start3A_869, %dma_start3A_870] : memref<524288x32xf32, #tpu.memory_space<hbm>> -> memref<524288x32xf32, #tpu.memory_space<hbm>>
    tpu.enqueue_indirect_dma source(%dma_start3A_871 : memref<524288x32xf32, #tpu.memory_space<hbm>>) target(%dma_start3A_865 : memref<128x32xf32, #tpu.memory_space<vmem>>) offsets(%dma_start3A_868 : memref<128xi32, #tpu.memory_space<vmem>>) semaphore(%arg8 : memref<!tpu.dma_semaphore, #tpu.memory_space<semaphore_mem>>)
    %dma_start3A_872 = arith.constant 41 : i32
    %dma_start3A_873 = arith.constant 128 : i32
    %dma_start3A_874 = arith.constant 0 : i32
    %dma_start3A_875 = tpu.memref_slice %arg7[%dma_start3A_873, %dma_start3A_874] : memref<1024x32xf32, #tpu.memory_space<vmem>> -> memref<128x32xf32, #tpu.memory_space<vmem>>
    %dma_start3A_876 = arith.constant 0 : i32
    %dma_start3A_877 = tpu.memref_slice %arg5[%dma_start3A_872, %dma_start3A_876] : memref<64x128xi32, #tpu.memory_space<vmem>> -> memref<1x128xi32, #tpu.memory_space<vmem>>
    %dma_start3A_878 = tpu.memref_squeeze %dma_start3A_877 : memref<1x128xi32, #tpu.memory_space<vmem>> -> memref<128xi32, #tpu.memory_space<vmem>>
    %dma_start3A_879 = arith.constant 0 : i32
    %dma_start3A_880 = arith.constant 0 : i32
    %dma_start3A_881 = tpu.memref_slice %arg3[%dma_start3A_879, %dma_start3A_880] : memref<524288x32xf32, #tpu.memory_space<hbm>> -> memref<524288x32xf32, #tpu.memory_space<hbm>>
    tpu.enqueue_indirect_dma source(%dma_start3A_881 : memref<524288x32xf32, #tpu.memory_space<hbm>>) target(%dma_start3A_875 : memref<128x32xf32, #tpu.memory_space<vmem>>) offsets(%dma_start3A_878 : memref<128xi32, #tpu.memory_space<vmem>>) semaphore(%arg8 : memref<!tpu.dma_semaphore, #tpu.memory_space<semaphore_mem>>)
    %dma_start3A_882 = arith.constant 42 : i32
    %dma_start3A_883 = arith.constant 256 : i32
    %dma_start3A_884 = arith.constant 0 : i32
    %dma_start3A_885 = tpu.memref_slice %arg7[%dma_start3A_883, %dma_start3A_884] : memref<1024x32xf32, #tpu.memory_space<vmem>> -> memref<128x32xf32, #tpu.memory_space<vmem>>
    %dma_start3A_886 = arith.constant 0 : i32
    %dma_start3A_887 = tpu.memref_slice %arg5[%dma_start3A_882, %dma_start3A_886] : memref<64x128xi32, #tpu.memory_space<vmem>> -> memref<1x128xi32, #tpu.memory_space<vmem>>
    %dma_start3A_888 = tpu.memref_squeeze %dma_start3A_887 : memref<1x128xi32, #tpu.memory_space<vmem>> -> memref<128xi32, #tpu.memory_space<vmem>>
    %dma_start3A_889 = arith.constant 0 : i32
    %dma_start3A_890 = arith.constant 0 : i32
    %dma_start3A_891 = tpu.memref_slice %arg3[%dma_start3A_889, %dma_start3A_890] : memref<524288x32xf32, #tpu.memory_space<hbm>> -> memref<524288x32xf32, #tpu.memory_space<hbm>>
    tpu.enqueue_indirect_dma source(%dma_start3A_891 : memref<524288x32xf32, #tpu.memory_space<hbm>>) target(%dma_start3A_885 : memref<128x32xf32, #tpu.memory_space<vmem>>) offsets(%dma_start3A_888 : memref<128xi32, #tpu.memory_space<vmem>>) semaphore(%arg8 : memref<!tpu.dma_semaphore, #tpu.memory_space<semaphore_mem>>)
    %dma_start3A_892 = arith.constant 43 : i32
    %dma_start3A_893 = arith.constant 384 : i32
    %dma_start3A_894 = arith.constant 0 : i32
    %dma_start3A_895 = tpu.memref_slice %arg7[%dma_start3A_893, %dma_start3A_894] : memref<1024x32xf32, #tpu.memory_space<vmem>> -> memref<128x32xf32, #tpu.memory_space<vmem>>
    %dma_start3A_896 = arith.constant 0 : i32
    %dma_start3A_897 = tpu.memref_slice %arg5[%dma_start3A_892, %dma_start3A_896] : memref<64x128xi32, #tpu.memory_space<vmem>> -> memref<1x128xi32, #tpu.memory_space<vmem>>
    %dma_start3A_898 = tpu.memref_squeeze %dma_start3A_897 : memref<1x128xi32, #tpu.memory_space<vmem>> -> memref<128xi32, #tpu.memory_space<vmem>>
    %dma_start3A_899 = arith.constant 0 : i32
    %dma_start3A_900 = arith.constant 0 : i32
    %dma_start3A_901 = tpu.memref_slice %arg3[%dma_start3A_899, %dma_start3A_900] : memref<524288x32xf32, #tpu.memory_space<hbm>> -> memref<524288x32xf32, #tpu.memory_space<hbm>>
    tpu.enqueue_indirect_dma source(%dma_start3A_901 : memref<524288x32xf32, #tpu.memory_space<hbm>>) target(%dma_start3A_895 : memref<128x32xf32, #tpu.memory_space<vmem>>) offsets(%dma_start3A_898 : memref<128xi32, #tpu.memory_space<vmem>>) semaphore(%arg8 : memref<!tpu.dma_semaphore, #tpu.memory_space<semaphore_mem>>)
    %dma_start3A_902 = arith.constant 44 : i32
    %dma_start3A_903 = arith.constant 512 : i32
    %dma_start3A_904 = arith.constant 0 : i32
    %dma_start3A_905 = tpu.memref_slice %arg7[%dma_start3A_903, %dma_start3A_904] : memref<1024x32xf32, #tpu.memory_space<vmem>> -> memref<128x32xf32, #tpu.memory_space<vmem>>
    %dma_start3A_906 = arith.constant 0 : i32
    %dma_start3A_907 = tpu.memref_slice %arg5[%dma_start3A_902, %dma_start3A_906] : memref<64x128xi32, #tpu.memory_space<vmem>> -> memref<1x128xi32, #tpu.memory_space<vmem>>
    %dma_start3A_908 = tpu.memref_squeeze %dma_start3A_907 : memref<1x128xi32, #tpu.memory_space<vmem>> -> memref<128xi32, #tpu.memory_space<vmem>>
    %dma_start3A_909 = arith.constant 0 : i32
    %dma_start3A_910 = arith.constant 0 : i32
    %dma_start3A_911 = tpu.memref_slice %arg3[%dma_start3A_909, %dma_start3A_910] : memref<524288x32xf32, #tpu.memory_space<hbm>> -> memref<524288x32xf32, #tpu.memory_space<hbm>>
    tpu.enqueue_indirect_dma source(%dma_start3A_911 : memref<524288x32xf32, #tpu.memory_space<hbm>>) target(%dma_start3A_905 : memref<128x32xf32, #tpu.memory_space<vmem>>) offsets(%dma_start3A_908 : memref<128xi32, #tpu.memory_space<vmem>>) semaphore(%arg8 : memref<!tpu.dma_semaphore, #tpu.memory_space<semaphore_mem>>)
    %dma_start3A_912 = arith.constant 45 : i32
    %dma_start3A_913 = arith.constant 640 : i32
    %dma_start3A_914 = arith.constant 0 : i32
    %dma_start3A_915 = tpu.memref_slice %arg7[%dma_start3A_913, %dma_start3A_914] : memref<1024x32xf32, #tpu.memory_space<vmem>> -> memref<128x32xf32, #tpu.memory_space<vmem>>
    %dma_start3A_916 = arith.constant 0 : i32
    %dma_start3A_917 = tpu.memref_slice %arg5[%dma_start3A_912, %dma_start3A_916] : memref<64x128xi32, #tpu.memory_space<vmem>> -> memref<1x128xi32, #tpu.memory_space<vmem>>
    %dma_start3A_918 = tpu.memref_squeeze %dma_start3A_917 : memref<1x128xi32, #tpu.memory_space<vmem>> -> memref<128xi32, #tpu.memory_space<vmem>>
    %dma_start3A_919 = arith.constant 0 : i32
    %dma_start3A_920 = arith.constant 0 : i32
    %dma_start3A_921 = tpu.memref_slice %arg3[%dma_start3A_919, %dma_start3A_920] : memref<524288x32xf32, #tpu.memory_space<hbm>> -> memref<524288x32xf32, #tpu.memory_space<hbm>>
    tpu.enqueue_indirect_dma source(%dma_start3A_921 : memref<524288x32xf32, #tpu.memory_space<hbm>>) target(%dma_start3A_915 : memref<128x32xf32, #tpu.memory_space<vmem>>) offsets(%dma_start3A_918 : memref<128xi32, #tpu.memory_space<vmem>>) semaphore(%arg8 : memref<!tpu.dma_semaphore, #tpu.memory_space<semaphore_mem>>)
    %dma_start3A_922 = arith.constant 46 : i32
    %dma_start3A_923 = arith.constant 768 : i32
    %dma_start3A_924 = arith.constant 0 : i32
    %dma_start3A_925 = tpu.memref_slice %arg7[%dma_start3A_923, %dma_start3A_924] : memref<1024x32xf32, #tpu.memory_space<vmem>> -> memref<128x32xf32, #tpu.memory_space<vmem>>
    %dma_start3A_926 = arith.constant 0 : i32
    %dma_start3A_927 = tpu.memref_slice %arg5[%dma_start3A_922, %dma_start3A_926] : memref<64x128xi32, #tpu.memory_space<vmem>> -> memref<1x128xi32, #tpu.memory_space<vmem>>
    %dma_start3A_928 = tpu.memref_squeeze %dma_start3A_927 : memref<1x128xi32, #tpu.memory_space<vmem>> -> memref<128xi32, #tpu.memory_space<vmem>>
    %dma_start3A_929 = arith.constant 0 : i32
    %dma_start3A_930 = arith.constant 0 : i32
    %dma_start3A_931 = tpu.memref_slice %arg3[%dma_start3A_929, %dma_start3A_930] : memref<524288x32xf32, #tpu.memory_space<hbm>> -> memref<524288x32xf32, #tpu.memory_space<hbm>>
    tpu.enqueue_indirect_dma source(%dma_start3A_931 : memref<524288x32xf32, #tpu.memory_space<hbm>>) target(%dma_start3A_925 : memref<128x32xf32, #tpu.memory_space<vmem>>) offsets(%dma_start3A_928 : memref<128xi32, #tpu.memory_space<vmem>>) semaphore(%arg8 : memref<!tpu.dma_semaphore, #tpu.memory_space<semaphore_mem>>)
    %dma_start3A_932 = arith.constant 47 : i32
    %dma_start3A_933 = arith.constant 896 : i32
    %dma_start3A_934 = arith.constant 0 : i32
    %dma_start3A_935 = tpu.memref_slice %arg7[%dma_start3A_933, %dma_start3A_934] : memref<1024x32xf32, #tpu.memory_space<vmem>> -> memref<128x32xf32, #tpu.memory_space<vmem>>
    %dma_start3A_936 = arith.constant 0 : i32
    %dma_start3A_937 = tpu.memref_slice %arg5[%dma_start3A_932, %dma_start3A_936] : memref<64x128xi32, #tpu.memory_space<vmem>> -> memref<1x128xi32, #tpu.memory_space<vmem>>
    %dma_start3A_938 = tpu.memref_squeeze %dma_start3A_937 : memref<1x128xi32, #tpu.memory_space<vmem>> -> memref<128xi32, #tpu.memory_space<vmem>>
    %dma_start3A_939 = arith.constant 0 : i32
    %dma_start3A_940 = arith.constant 0 : i32
    %dma_start3A_941 = tpu.memref_slice %arg3[%dma_start3A_939, %dma_start3A_940] : memref<524288x32xf32, #tpu.memory_space<hbm>> -> memref<524288x32xf32, #tpu.memory_space<hbm>>
    tpu.enqueue_indirect_dma source(%dma_start3A_941 : memref<524288x32xf32, #tpu.memory_space<hbm>>) target(%dma_start3A_935 : memref<128x32xf32, #tpu.memory_space<vmem>>) offsets(%dma_start3A_938 : memref<128xi32, #tpu.memory_space<vmem>>) semaphore(%arg8 : memref<!tpu.dma_semaphore, #tpu.memory_space<semaphore_mem>>)
    %dma_wait3A_942 = arith.constant 40 : i32
    %dma_wait3A_943 = arith.constant 0 : i32
    %dma_wait3A_944 = arith.constant 0 : i32
    %dma_wait3A_945 = tpu.memref_slice %arg7[%dma_wait3A_943, %dma_wait3A_944] : memref<1024x32xf32, #tpu.memory_space<vmem>> -> memref<128x32xf32, #tpu.memory_space<vmem>>
    %dma_wait3A_946 = arith.constant 0 : i32
    %dma_wait3A_947 = tpu.memref_slice %arg5[%dma_wait3A_942, %dma_wait3A_946] : memref<64x128xi32, #tpu.memory_space<vmem>> -> memref<1x128xi32, #tpu.memory_space<vmem>>
    %dma_wait3A_948 = tpu.memref_squeeze %dma_wait3A_947 : memref<1x128xi32, #tpu.memory_space<vmem>> -> memref<128xi32, #tpu.memory_space<vmem>>
    %dma_wait3A_949 = arith.constant 0 : i32
    %dma_wait3A_950 = arith.constant 0 : i32
    %dma_wait3A_951 = tpu.memref_slice %arg3[%dma_wait3A_949, %dma_wait3A_950] : memref<524288x32xf32, #tpu.memory_space<hbm>> -> memref<524288x32xf32, #tpu.memory_space<hbm>>
    tpu.wait_indirect_dma semaphore(%arg8 : memref<!tpu.dma_semaphore, #tpu.memory_space<semaphore_mem>>) src(%dma_wait3A_951 : memref<524288x32xf32, #tpu.memory_space<hbm>>) dst(%dma_wait3A_945 : memref<128x32xf32, #tpu.memory_space<vmem>>)
    %dma_wait3A_952 = arith.constant 41 : i32
    %dma_wait3A_953 = arith.constant 128 : i32
    %dma_wait3A_954 = arith.constant 0 : i32
    %dma_wait3A_955 = tpu.memref_slice %arg7[%dma_wait3A_953, %dma_wait3A_954] : memref<1024x32xf32, #tpu.memory_space<vmem>> -> memref<128x32xf32, #tpu.memory_space<vmem>>
    %dma_wait3A_956 = arith.constant 0 : i32
    %dma_wait3A_957 = tpu.memref_slice %arg5[%dma_wait3A_952, %dma_wait3A_956] : memref<64x128xi32, #tpu.memory_space<vmem>> -> memref<1x128xi32, #tpu.memory_space<vmem>>
    %dma_wait3A_958 = tpu.memref_squeeze %dma_wait3A_957 : memref<1x128xi32, #tpu.memory_space<vmem>> -> memref<128xi32, #tpu.memory_space<vmem>>
    %dma_wait3A_959 = arith.constant 0 : i32
    %dma_wait3A_960 = arith.constant 0 : i32
    %dma_wait3A_961 = tpu.memref_slice %arg3[%dma_wait3A_959, %dma_wait3A_960] : memref<524288x32xf32, #tpu.memory_space<hbm>> -> memref<524288x32xf32, #tpu.memory_space<hbm>>
    tpu.wait_indirect_dma semaphore(%arg8 : memref<!tpu.dma_semaphore, #tpu.memory_space<semaphore_mem>>) src(%dma_wait3A_961 : memref<524288x32xf32, #tpu.memory_space<hbm>>) dst(%dma_wait3A_955 : memref<128x32xf32, #tpu.memory_space<vmem>>)
    %dma_wait3A_962 = arith.constant 42 : i32
    %dma_wait3A_963 = arith.constant 256 : i32
    %dma_wait3A_964 = arith.constant 0 : i32
    %dma_wait3A_965 = tpu.memref_slice %arg7[%dma_wait3A_963, %dma_wait3A_964] : memref<1024x32xf32, #tpu.memory_space<vmem>> -> memref<128x32xf32, #tpu.memory_space<vmem>>
    %dma_wait3A_966 = arith.constant 0 : i32
    %dma_wait3A_967 = tpu.memref_slice %arg5[%dma_wait3A_962, %dma_wait3A_966] : memref<64x128xi32, #tpu.memory_space<vmem>> -> memref<1x128xi32, #tpu.memory_space<vmem>>
    %dma_wait3A_968 = tpu.memref_squeeze %dma_wait3A_967 : memref<1x128xi32, #tpu.memory_space<vmem>> -> memref<128xi32, #tpu.memory_space<vmem>>
    %dma_wait3A_969 = arith.constant 0 : i32
    %dma_wait3A_970 = arith.constant 0 : i32
    %dma_wait3A_971 = tpu.memref_slice %arg3[%dma_wait3A_969, %dma_wait3A_970] : memref<524288x32xf32, #tpu.memory_space<hbm>> -> memref<524288x32xf32, #tpu.memory_space<hbm>>
    tpu.wait_indirect_dma semaphore(%arg8 : memref<!tpu.dma_semaphore, #tpu.memory_space<semaphore_mem>>) src(%dma_wait3A_971 : memref<524288x32xf32, #tpu.memory_space<hbm>>) dst(%dma_wait3A_965 : memref<128x32xf32, #tpu.memory_space<vmem>>)
    %dma_wait3A_972 = arith.constant 43 : i32
    %dma_wait3A_973 = arith.constant 384 : i32
    %dma_wait3A_974 = arith.constant 0 : i32
    %dma_wait3A_975 = tpu.memref_slice %arg7[%dma_wait3A_973, %dma_wait3A_974] : memref<1024x32xf32, #tpu.memory_space<vmem>> -> memref<128x32xf32, #tpu.memory_space<vmem>>
    %dma_wait3A_976 = arith.constant 0 : i32
    %dma_wait3A_977 = tpu.memref_slice %arg5[%dma_wait3A_972, %dma_wait3A_976] : memref<64x128xi32, #tpu.memory_space<vmem>> -> memref<1x128xi32, #tpu.memory_space<vmem>>
    %dma_wait3A_978 = tpu.memref_squeeze %dma_wait3A_977 : memref<1x128xi32, #tpu.memory_space<vmem>> -> memref<128xi32, #tpu.memory_space<vmem>>
    %dma_wait3A_979 = arith.constant 0 : i32
    %dma_wait3A_980 = arith.constant 0 : i32
    %dma_wait3A_981 = tpu.memref_slice %arg3[%dma_wait3A_979, %dma_wait3A_980] : memref<524288x32xf32, #tpu.memory_space<hbm>> -> memref<524288x32xf32, #tpu.memory_space<hbm>>
    tpu.wait_indirect_dma semaphore(%arg8 : memref<!tpu.dma_semaphore, #tpu.memory_space<semaphore_mem>>) src(%dma_wait3A_981 : memref<524288x32xf32, #tpu.memory_space<hbm>>) dst(%dma_wait3A_975 : memref<128x32xf32, #tpu.memory_space<vmem>>)
    %dma_wait3A_982 = arith.constant 44 : i32
    %dma_wait3A_983 = arith.constant 512 : i32
    %dma_wait3A_984 = arith.constant 0 : i32
    %dma_wait3A_985 = tpu.memref_slice %arg7[%dma_wait3A_983, %dma_wait3A_984] : memref<1024x32xf32, #tpu.memory_space<vmem>> -> memref<128x32xf32, #tpu.memory_space<vmem>>
    %dma_wait3A_986 = arith.constant 0 : i32
    %dma_wait3A_987 = tpu.memref_slice %arg5[%dma_wait3A_982, %dma_wait3A_986] : memref<64x128xi32, #tpu.memory_space<vmem>> -> memref<1x128xi32, #tpu.memory_space<vmem>>
    %dma_wait3A_988 = tpu.memref_squeeze %dma_wait3A_987 : memref<1x128xi32, #tpu.memory_space<vmem>> -> memref<128xi32, #tpu.memory_space<vmem>>
    %dma_wait3A_989 = arith.constant 0 : i32
    %dma_wait3A_990 = arith.constant 0 : i32
    %dma_wait3A_991 = tpu.memref_slice %arg3[%dma_wait3A_989, %dma_wait3A_990] : memref<524288x32xf32, #tpu.memory_space<hbm>> -> memref<524288x32xf32, #tpu.memory_space<hbm>>
    tpu.wait_indirect_dma semaphore(%arg8 : memref<!tpu.dma_semaphore, #tpu.memory_space<semaphore_mem>>) src(%dma_wait3A_991 : memref<524288x32xf32, #tpu.memory_space<hbm>>) dst(%dma_wait3A_985 : memref<128x32xf32, #tpu.memory_space<vmem>>)
    %dma_wait3A_992 = arith.constant 45 : i32
    %dma_wait3A_993 = arith.constant 640 : i32
    %dma_wait3A_994 = arith.constant 0 : i32
    %dma_wait3A_995 = tpu.memref_slice %arg7[%dma_wait3A_993, %dma_wait3A_994] : memref<1024x32xf32, #tpu.memory_space<vmem>> -> memref<128x32xf32, #tpu.memory_space<vmem>>
    %dma_wait3A_996 = arith.constant 0 : i32
    %dma_wait3A_997 = tpu.memref_slice %arg5[%dma_wait3A_992, %dma_wait3A_996] : memref<64x128xi32, #tpu.memory_space<vmem>> -> memref<1x128xi32, #tpu.memory_space<vmem>>
    %dma_wait3A_998 = tpu.memref_squeeze %dma_wait3A_997 : memref<1x128xi32, #tpu.memory_space<vmem>> -> memref<128xi32, #tpu.memory_space<vmem>>
    %dma_wait3A_999 = arith.constant 0 : i32
    %dma_wait3A_1000 = arith.constant 0 : i32
    %dma_wait3A_1001 = tpu.memref_slice %arg3[%dma_wait3A_999, %dma_wait3A_1000] : memref<524288x32xf32, #tpu.memory_space<hbm>> -> memref<524288x32xf32, #tpu.memory_space<hbm>>
    tpu.wait_indirect_dma semaphore(%arg8 : memref<!tpu.dma_semaphore, #tpu.memory_space<semaphore_mem>>) src(%dma_wait3A_1001 : memref<524288x32xf32, #tpu.memory_space<hbm>>) dst(%dma_wait3A_995 : memref<128x32xf32, #tpu.memory_space<vmem>>)
    %dma_wait3A_1002 = arith.constant 46 : i32
    %dma_wait3A_1003 = arith.constant 768 : i32
    %dma_wait3A_1004 = arith.constant 0 : i32
    %dma_wait3A_1005 = tpu.memref_slice %arg7[%dma_wait3A_1003, %dma_wait3A_1004] : memref<1024x32xf32, #tpu.memory_space<vmem>> -> memref<128x32xf32, #tpu.memory_space<vmem>>
    %dma_wait3A_1006 = arith.constant 0 : i32
    %dma_wait3A_1007 = tpu.memref_slice %arg5[%dma_wait3A_1002, %dma_wait3A_1006] : memref<64x128xi32, #tpu.memory_space<vmem>> -> memref<1x128xi32, #tpu.memory_space<vmem>>
    %dma_wait3A_1008 = tpu.memref_squeeze %dma_wait3A_1007 : memref<1x128xi32, #tpu.memory_space<vmem>> -> memref<128xi32, #tpu.memory_space<vmem>>
    %dma_wait3A_1009 = arith.constant 0 : i32
    %dma_wait3A_1010 = arith.constant 0 : i32
    %dma_wait3A_1011 = tpu.memref_slice %arg3[%dma_wait3A_1009, %dma_wait3A_1010] : memref<524288x32xf32, #tpu.memory_space<hbm>> -> memref<524288x32xf32, #tpu.memory_space<hbm>>
    tpu.wait_indirect_dma semaphore(%arg8 : memref<!tpu.dma_semaphore, #tpu.memory_space<semaphore_mem>>) src(%dma_wait3A_1011 : memref<524288x32xf32, #tpu.memory_space<hbm>>) dst(%dma_wait3A_1005 : memref<128x32xf32, #tpu.memory_space<vmem>>)
    %dma_wait3A_1012 = arith.constant 47 : i32
    %dma_wait3A_1013 = arith.constant 896 : i32
    %dma_wait3A_1014 = arith.constant 0 : i32
    %dma_wait3A_1015 = tpu.memref_slice %arg7[%dma_wait3A_1013, %dma_wait3A_1014] : memref<1024x32xf32, #tpu.memory_space<vmem>> -> memref<128x32xf32, #tpu.memory_space<vmem>>
    %dma_wait3A_1016 = arith.constant 0 : i32
    %dma_wait3A_1017 = tpu.memref_slice %arg5[%dma_wait3A_1012, %dma_wait3A_1016] : memref<64x128xi32, #tpu.memory_space<vmem>> -> memref<1x128xi32, #tpu.memory_space<vmem>>
    %dma_wait3A_1018 = tpu.memref_squeeze %dma_wait3A_1017 : memref<1x128xi32, #tpu.memory_space<vmem>> -> memref<128xi32, #tpu.memory_space<vmem>>
    %dma_wait3A_1019 = arith.constant 0 : i32
    %dma_wait3A_1020 = arith.constant 0 : i32
    %dma_wait3A_1021 = tpu.memref_slice %arg3[%dma_wait3A_1019, %dma_wait3A_1020] : memref<524288x32xf32, #tpu.memory_space<hbm>> -> memref<524288x32xf32, #tpu.memory_space<hbm>>
    tpu.wait_indirect_dma semaphore(%arg8 : memref<!tpu.dma_semaphore, #tpu.memory_space<semaphore_mem>>) src(%dma_wait3A_1021 : memref<524288x32xf32, #tpu.memory_space<hbm>>) dst(%dma_wait3A_1015 : memref<128x32xf32, #tpu.memory_space<vmem>>)
    %mul3A_1022 = arith.constant 2048 : i32
    %mul3A_1023 = arith.muli %add3A, %mul3A_1022 : i32
    %add3A_1024 = arith.constant 1024 : i32
    %add3A_1025 = arith.addi %mul3A_1023, %add3A_1024 : i32
    %dma_start3A_1026 = arith.constant 64 : i32
    %dma_start3A_1027 = tpu.memref_slice %arg4[%add3A_1025, %dma_start3A_1026] : memref<65536x128xf32, #tpu.memory_space<hbm>> -> memref<1024x32xf32, #tpu.memory_space<hbm>>
    %dma_start3A_1028 = arith.constant 64 : i32
    %dma_start3A_1029 = tpu.memref_slice %arg4[%add3A_1025, %dma_start3A_1028] : memref<65536x128xf32, #tpu.memory_space<hbm>> -> memref<1024x32xf32, #tpu.memory_space<hbm>>
    tpu.enqueue_dma source(%arg7 : memref<1024x32xf32, #tpu.memory_space<vmem>>) target(%dma_start3A_1029 : memref<1024x32xf32, #tpu.memory_space<hbm>>) target_semaphore(%arg9 : memref<!tpu.dma_semaphore, #tpu.memory_space<semaphore_mem>>)
    %dma_wait3A_1030 = arith.constant 64 : i32
    %dma_wait3A_1031 = tpu.memref_slice %arg4[%add3A_853, %dma_wait3A_1030] : memref<65536x128xf32, #tpu.memory_space<hbm>> -> memref<1024x32xf32, #tpu.memory_space<hbm>>
    %dma_wait3A_1032 = arith.constant 64 : i32
    %dma_wait3A_1033 = tpu.memref_slice %arg4[%add3A_853, %dma_wait3A_1032] : memref<65536x128xf32, #tpu.memory_space<hbm>> -> memref<1024x32xf32, #tpu.memory_space<hbm>>
    tpu.wait_dma2 semaphore(%arg9 : memref<!tpu.dma_semaphore, #tpu.memory_space<semaphore_mem>>) src(%arg6 : memref<1024x32xf32, #tpu.memory_space<vmem>>) dst(%dma_wait3A_1033 : memref<1024x32xf32, #tpu.memory_space<hbm>>)
    %dma_start3A_1034 = arith.constant 48 : i32
    %dma_start3A_1035 = arith.constant 0 : i32
    %dma_start3A_1036 = arith.constant 0 : i32
    %dma_start3A_1037 = tpu.memref_slice %arg6[%dma_start3A_1035, %dma_start3A_1036] : memref<1024x32xf32, #tpu.memory_space<vmem>> -> memref<128x32xf32, #tpu.memory_space<vmem>>
    %dma_start3A_1038 = arith.constant 0 : i32
    %dma_start3A_1039 = tpu.memref_slice %arg5[%dma_start3A_1034, %dma_start3A_1038] : memref<64x128xi32, #tpu.memory_space<vmem>> -> memref<1x128xi32, #tpu.memory_space<vmem>>
    %dma_start3A_1040 = tpu.memref_squeeze %dma_start3A_1039 : memref<1x128xi32, #tpu.memory_space<vmem>> -> memref<128xi32, #tpu.memory_space<vmem>>
    %dma_start3A_1041 = arith.constant 0 : i32
    %dma_start3A_1042 = arith.constant 0 : i32
    %dma_start3A_1043 = tpu.memref_slice %arg3[%dma_start3A_1041, %dma_start3A_1042] : memref<524288x32xf32, #tpu.memory_space<hbm>> -> memref<524288x32xf32, #tpu.memory_space<hbm>>
    tpu.enqueue_indirect_dma source(%dma_start3A_1043 : memref<524288x32xf32, #tpu.memory_space<hbm>>) target(%dma_start3A_1037 : memref<128x32xf32, #tpu.memory_space<vmem>>) offsets(%dma_start3A_1040 : memref<128xi32, #tpu.memory_space<vmem>>) semaphore(%arg8 : memref<!tpu.dma_semaphore, #tpu.memory_space<semaphore_mem>>)
    %dma_start3A_1044 = arith.constant 49 : i32
    %dma_start3A_1045 = arith.constant 128 : i32
    %dma_start3A_1046 = arith.constant 0 : i32
    %dma_start3A_1047 = tpu.memref_slice %arg6[%dma_start3A_1045, %dma_start3A_1046] : memref<1024x32xf32, #tpu.memory_space<vmem>> -> memref<128x32xf32, #tpu.memory_space<vmem>>
    %dma_start3A_1048 = arith.constant 0 : i32
    %dma_start3A_1049 = tpu.memref_slice %arg5[%dma_start3A_1044, %dma_start3A_1048] : memref<64x128xi32, #tpu.memory_space<vmem>> -> memref<1x128xi32, #tpu.memory_space<vmem>>
    %dma_start3A_1050 = tpu.memref_squeeze %dma_start3A_1049 : memref<1x128xi32, #tpu.memory_space<vmem>> -> memref<128xi32, #tpu.memory_space<vmem>>
    %dma_start3A_1051 = arith.constant 0 : i32
    %dma_start3A_1052 = arith.constant 0 : i32
    %dma_start3A_1053 = tpu.memref_slice %arg3[%dma_start3A_1051, %dma_start3A_1052] : memref<524288x32xf32, #tpu.memory_space<hbm>> -> memref<524288x32xf32, #tpu.memory_space<hbm>>
    tpu.enqueue_indirect_dma source(%dma_start3A_1053 : memref<524288x32xf32, #tpu.memory_space<hbm>>) target(%dma_start3A_1047 : memref<128x32xf32, #tpu.memory_space<vmem>>) offsets(%dma_start3A_1050 : memref<128xi32, #tpu.memory_space<vmem>>) semaphore(%arg8 : memref<!tpu.dma_semaphore, #tpu.memory_space<semaphore_mem>>)
    %dma_start3A_1054 = arith.constant 50 : i32
    %dma_start3A_1055 = arith.constant 256 : i32
    %dma_start3A_1056 = arith.constant 0 : i32
    %dma_start3A_1057 = tpu.memref_slice %arg6[%dma_start3A_1055, %dma_start3A_1056] : memref<1024x32xf32, #tpu.memory_space<vmem>> -> memref<128x32xf32, #tpu.memory_space<vmem>>
    %dma_start3A_1058 = arith.constant 0 : i32
    %dma_start3A_1059 = tpu.memref_slice %arg5[%dma_start3A_1054, %dma_start3A_1058] : memref<64x128xi32, #tpu.memory_space<vmem>> -> memref<1x128xi32, #tpu.memory_space<vmem>>
    %dma_start3A_1060 = tpu.memref_squeeze %dma_start3A_1059 : memref<1x128xi32, #tpu.memory_space<vmem>> -> memref<128xi32, #tpu.memory_space<vmem>>
    %dma_start3A_1061 = arith.constant 0 : i32
    %dma_start3A_1062 = arith.constant 0 : i32
    %dma_start3A_1063 = tpu.memref_slice %arg3[%dma_start3A_1061, %dma_start3A_1062] : memref<524288x32xf32, #tpu.memory_space<hbm>> -> memref<524288x32xf32, #tpu.memory_space<hbm>>
    tpu.enqueue_indirect_dma source(%dma_start3A_1063 : memref<524288x32xf32, #tpu.memory_space<hbm>>) target(%dma_start3A_1057 : memref<128x32xf32, #tpu.memory_space<vmem>>) offsets(%dma_start3A_1060 : memref<128xi32, #tpu.memory_space<vmem>>) semaphore(%arg8 : memref<!tpu.dma_semaphore, #tpu.memory_space<semaphore_mem>>)
    %dma_start3A_1064 = arith.constant 51 : i32
    %dma_start3A_1065 = arith.constant 384 : i32
    %dma_start3A_1066 = arith.constant 0 : i32
    %dma_start3A_1067 = tpu.memref_slice %arg6[%dma_start3A_1065, %dma_start3A_1066] : memref<1024x32xf32, #tpu.memory_space<vmem>> -> memref<128x32xf32, #tpu.memory_space<vmem>>
    %dma_start3A_1068 = arith.constant 0 : i32
    %dma_start3A_1069 = tpu.memref_slice %arg5[%dma_start3A_1064, %dma_start3A_1068] : memref<64x128xi32, #tpu.memory_space<vmem>> -> memref<1x128xi32, #tpu.memory_space<vmem>>
    %dma_start3A_1070 = tpu.memref_squeeze %dma_start3A_1069 : memref<1x128xi32, #tpu.memory_space<vmem>> -> memref<128xi32, #tpu.memory_space<vmem>>
    %dma_start3A_1071 = arith.constant 0 : i32
    %dma_start3A_1072 = arith.constant 0 : i32
    %dma_start3A_1073 = tpu.memref_slice %arg3[%dma_start3A_1071, %dma_start3A_1072] : memref<524288x32xf32, #tpu.memory_space<hbm>> -> memref<524288x32xf32, #tpu.memory_space<hbm>>
    tpu.enqueue_indirect_dma source(%dma_start3A_1073 : memref<524288x32xf32, #tpu.memory_space<hbm>>) target(%dma_start3A_1067 : memref<128x32xf32, #tpu.memory_space<vmem>>) offsets(%dma_start3A_1070 : memref<128xi32, #tpu.memory_space<vmem>>) semaphore(%arg8 : memref<!tpu.dma_semaphore, #tpu.memory_space<semaphore_mem>>)
    %dma_start3A_1074 = arith.constant 52 : i32
    %dma_start3A_1075 = arith.constant 512 : i32
    %dma_start3A_1076 = arith.constant 0 : i32
    %dma_start3A_1077 = tpu.memref_slice %arg6[%dma_start3A_1075, %dma_start3A_1076] : memref<1024x32xf32, #tpu.memory_space<vmem>> -> memref<128x32xf32, #tpu.memory_space<vmem>>
    %dma_start3A_1078 = arith.constant 0 : i32
    %dma_start3A_1079 = tpu.memref_slice %arg5[%dma_start3A_1074, %dma_start3A_1078] : memref<64x128xi32, #tpu.memory_space<vmem>> -> memref<1x128xi32, #tpu.memory_space<vmem>>
    %dma_start3A_1080 = tpu.memref_squeeze %dma_start3A_1079 : memref<1x128xi32, #tpu.memory_space<vmem>> -> memref<128xi32, #tpu.memory_space<vmem>>
    %dma_start3A_1081 = arith.constant 0 : i32
    %dma_start3A_1082 = arith.constant 0 : i32
    %dma_start3A_1083 = tpu.memref_slice %arg3[%dma_start3A_1081, %dma_start3A_1082] : memref<524288x32xf32, #tpu.memory_space<hbm>> -> memref<524288x32xf32, #tpu.memory_space<hbm>>
    tpu.enqueue_indirect_dma source(%dma_start3A_1083 : memref<524288x32xf32, #tpu.memory_space<hbm>>) target(%dma_start3A_1077 : memref<128x32xf32, #tpu.memory_space<vmem>>) offsets(%dma_start3A_1080 : memref<128xi32, #tpu.memory_space<vmem>>) semaphore(%arg8 : memref<!tpu.dma_semaphore, #tpu.memory_space<semaphore_mem>>)
    %dma_start3A_1084 = arith.constant 53 : i32
    %dma_start3A_1085 = arith.constant 640 : i32
    %dma_start3A_1086 = arith.constant 0 : i32
    %dma_start3A_1087 = tpu.memref_slice %arg6[%dma_start3A_1085, %dma_start3A_1086] : memref<1024x32xf32, #tpu.memory_space<vmem>> -> memref<128x32xf32, #tpu.memory_space<vmem>>
    %dma_start3A_1088 = arith.constant 0 : i32
    %dma_start3A_1089 = tpu.memref_slice %arg5[%dma_start3A_1084, %dma_start3A_1088] : memref<64x128xi32, #tpu.memory_space<vmem>> -> memref<1x128xi32, #tpu.memory_space<vmem>>
    %dma_start3A_1090 = tpu.memref_squeeze %dma_start3A_1089 : memref<1x128xi32, #tpu.memory_space<vmem>> -> memref<128xi32, #tpu.memory_space<vmem>>
    %dma_start3A_1091 = arith.constant 0 : i32
    %dma_start3A_1092 = arith.constant 0 : i32
    %dma_start3A_1093 = tpu.memref_slice %arg3[%dma_start3A_1091, %dma_start3A_1092] : memref<524288x32xf32, #tpu.memory_space<hbm>> -> memref<524288x32xf32, #tpu.memory_space<hbm>>
    tpu.enqueue_indirect_dma source(%dma_start3A_1093 : memref<524288x32xf32, #tpu.memory_space<hbm>>) target(%dma_start3A_1087 : memref<128x32xf32, #tpu.memory_space<vmem>>) offsets(%dma_start3A_1090 : memref<128xi32, #tpu.memory_space<vmem>>) semaphore(%arg8 : memref<!tpu.dma_semaphore, #tpu.memory_space<semaphore_mem>>)
    %dma_start3A_1094 = arith.constant 54 : i32
    %dma_start3A_1095 = arith.constant 768 : i32
    %dma_start3A_1096 = arith.constant 0 : i32
    %dma_start3A_1097 = tpu.memref_slice %arg6[%dma_start3A_1095, %dma_start3A_1096] : memref<1024x32xf32, #tpu.memory_space<vmem>> -> memref<128x32xf32, #tpu.memory_space<vmem>>
    %dma_start3A_1098 = arith.constant 0 : i32
    %dma_start3A_1099 = tpu.memref_slice %arg5[%dma_start3A_1094, %dma_start3A_1098] : memref<64x128xi32, #tpu.memory_space<vmem>> -> memref<1x128xi32, #tpu.memory_space<vmem>>
    %dma_start3A_1100 = tpu.memref_squeeze %dma_start3A_1099 : memref<1x128xi32, #tpu.memory_space<vmem>> -> memref<128xi32, #tpu.memory_space<vmem>>
    %dma_start3A_1101 = arith.constant 0 : i32
    %dma_start3A_1102 = arith.constant 0 : i32
    %dma_start3A_1103 = tpu.memref_slice %arg3[%dma_start3A_1101, %dma_start3A_1102] : memref<524288x32xf32, #tpu.memory_space<hbm>> -> memref<524288x32xf32, #tpu.memory_space<hbm>>
    tpu.enqueue_indirect_dma source(%dma_start3A_1103 : memref<524288x32xf32, #tpu.memory_space<hbm>>) target(%dma_start3A_1097 : memref<128x32xf32, #tpu.memory_space<vmem>>) offsets(%dma_start3A_1100 : memref<128xi32, #tpu.memory_space<vmem>>) semaphore(%arg8 : memref<!tpu.dma_semaphore, #tpu.memory_space<semaphore_mem>>)
    %dma_start3A_1104 = arith.constant 55 : i32
    %dma_start3A_1105 = arith.constant 896 : i32
    %dma_start3A_1106 = arith.constant 0 : i32
    %dma_start3A_1107 = tpu.memref_slice %arg6[%dma_start3A_1105, %dma_start3A_1106] : memref<1024x32xf32, #tpu.memory_space<vmem>> -> memref<128x32xf32, #tpu.memory_space<vmem>>
    %dma_start3A_1108 = arith.constant 0 : i32
    %dma_start3A_1109 = tpu.memref_slice %arg5[%dma_start3A_1104, %dma_start3A_1108] : memref<64x128xi32, #tpu.memory_space<vmem>> -> memref<1x128xi32, #tpu.memory_space<vmem>>
    %dma_start3A_1110 = tpu.memref_squeeze %dma_start3A_1109 : memref<1x128xi32, #tpu.memory_space<vmem>> -> memref<128xi32, #tpu.memory_space<vmem>>
    %dma_start3A_1111 = arith.constant 0 : i32
    %dma_start3A_1112 = arith.constant 0 : i32
    %dma_start3A_1113 = tpu.memref_slice %arg3[%dma_start3A_1111, %dma_start3A_1112] : memref<524288x32xf32, #tpu.memory_space<hbm>> -> memref<524288x32xf32, #tpu.memory_space<hbm>>
    tpu.enqueue_indirect_dma source(%dma_start3A_1113 : memref<524288x32xf32, #tpu.memory_space<hbm>>) target(%dma_start3A_1107 : memref<128x32xf32, #tpu.memory_space<vmem>>) offsets(%dma_start3A_1110 : memref<128xi32, #tpu.memory_space<vmem>>) semaphore(%arg8 : memref<!tpu.dma_semaphore, #tpu.memory_space<semaphore_mem>>)
    %dma_wait3A_1114 = arith.constant 48 : i32
    %dma_wait3A_1115 = arith.constant 0 : i32
    %dma_wait3A_1116 = arith.constant 0 : i32
    %dma_wait3A_1117 = tpu.memref_slice %arg6[%dma_wait3A_1115, %dma_wait3A_1116] : memref<1024x32xf32, #tpu.memory_space<vmem>> -> memref<128x32xf32, #tpu.memory_space<vmem>>
    %dma_wait3A_1118 = arith.constant 0 : i32
    %dma_wait3A_1119 = tpu.memref_slice %arg5[%dma_wait3A_1114, %dma_wait3A_1118] : memref<64x128xi32, #tpu.memory_space<vmem>> -> memref<1x128xi32, #tpu.memory_space<vmem>>
    %dma_wait3A_1120 = tpu.memref_squeeze %dma_wait3A_1119 : memref<1x128xi32, #tpu.memory_space<vmem>> -> memref<128xi32, #tpu.memory_space<vmem>>
    %dma_wait3A_1121 = arith.constant 0 : i32
    %dma_wait3A_1122 = arith.constant 0 : i32
    %dma_wait3A_1123 = tpu.memref_slice %arg3[%dma_wait3A_1121, %dma_wait3A_1122] : memref<524288x32xf32, #tpu.memory_space<hbm>> -> memref<524288x32xf32, #tpu.memory_space<hbm>>
    tpu.wait_indirect_dma semaphore(%arg8 : memref<!tpu.dma_semaphore, #tpu.memory_space<semaphore_mem>>) src(%dma_wait3A_1123 : memref<524288x32xf32, #tpu.memory_space<hbm>>) dst(%dma_wait3A_1117 : memref<128x32xf32, #tpu.memory_space<vmem>>)
    %dma_wait3A_1124 = arith.constant 49 : i32
    %dma_wait3A_1125 = arith.constant 128 : i32
    %dma_wait3A_1126 = arith.constant 0 : i32
    %dma_wait3A_1127 = tpu.memref_slice %arg6[%dma_wait3A_1125, %dma_wait3A_1126] : memref<1024x32xf32, #tpu.memory_space<vmem>> -> memref<128x32xf32, #tpu.memory_space<vmem>>
    %dma_wait3A_1128 = arith.constant 0 : i32
    %dma_wait3A_1129 = tpu.memref_slice %arg5[%dma_wait3A_1124, %dma_wait3A_1128] : memref<64x128xi32, #tpu.memory_space<vmem>> -> memref<1x128xi32, #tpu.memory_space<vmem>>
    %dma_wait3A_1130 = tpu.memref_squeeze %dma_wait3A_1129 : memref<1x128xi32, #tpu.memory_space<vmem>> -> memref<128xi32, #tpu.memory_space<vmem>>
    %dma_wait3A_1131 = arith.constant 0 : i32
    %dma_wait3A_1132 = arith.constant 0 : i32
    %dma_wait3A_1133 = tpu.memref_slice %arg3[%dma_wait3A_1131, %dma_wait3A_1132] : memref<524288x32xf32, #tpu.memory_space<hbm>> -> memref<524288x32xf32, #tpu.memory_space<hbm>>
    tpu.wait_indirect_dma semaphore(%arg8 : memref<!tpu.dma_semaphore, #tpu.memory_space<semaphore_mem>>) src(%dma_wait3A_1133 : memref<524288x32xf32, #tpu.memory_space<hbm>>) dst(%dma_wait3A_1127 : memref<128x32xf32, #tpu.memory_space<vmem>>)
    %dma_wait3A_1134 = arith.constant 50 : i32
    %dma_wait3A_1135 = arith.constant 256 : i32
    %dma_wait3A_1136 = arith.constant 0 : i32
    %dma_wait3A_1137 = tpu.memref_slice %arg6[%dma_wait3A_1135, %dma_wait3A_1136] : memref<1024x32xf32, #tpu.memory_space<vmem>> -> memref<128x32xf32, #tpu.memory_space<vmem>>
    %dma_wait3A_1138 = arith.constant 0 : i32
    %dma_wait3A_1139 = tpu.memref_slice %arg5[%dma_wait3A_1134, %dma_wait3A_1138] : memref<64x128xi32, #tpu.memory_space<vmem>> -> memref<1x128xi32, #tpu.memory_space<vmem>>
    %dma_wait3A_1140 = tpu.memref_squeeze %dma_wait3A_1139 : memref<1x128xi32, #tpu.memory_space<vmem>> -> memref<128xi32, #tpu.memory_space<vmem>>
    %dma_wait3A_1141 = arith.constant 0 : i32
    %dma_wait3A_1142 = arith.constant 0 : i32
    %dma_wait3A_1143 = tpu.memref_slice %arg3[%dma_wait3A_1141, %dma_wait3A_1142] : memref<524288x32xf32, #tpu.memory_space<hbm>> -> memref<524288x32xf32, #tpu.memory_space<hbm>>
    tpu.wait_indirect_dma semaphore(%arg8 : memref<!tpu.dma_semaphore, #tpu.memory_space<semaphore_mem>>) src(%dma_wait3A_1143 : memref<524288x32xf32, #tpu.memory_space<hbm>>) dst(%dma_wait3A_1137 : memref<128x32xf32, #tpu.memory_space<vmem>>)
    %dma_wait3A_1144 = arith.constant 51 : i32
    %dma_wait3A_1145 = arith.constant 384 : i32
    %dma_wait3A_1146 = arith.constant 0 : i32
    %dma_wait3A_1147 = tpu.memref_slice %arg6[%dma_wait3A_1145, %dma_wait3A_1146] : memref<1024x32xf32, #tpu.memory_space<vmem>> -> memref<128x32xf32, #tpu.memory_space<vmem>>
    %dma_wait3A_1148 = arith.constant 0 : i32
    %dma_wait3A_1149 = tpu.memref_slice %arg5[%dma_wait3A_1144, %dma_wait3A_1148] : memref<64x128xi32, #tpu.memory_space<vmem>> -> memref<1x128xi32, #tpu.memory_space<vmem>>
    %dma_wait3A_1150 = tpu.memref_squeeze %dma_wait3A_1149 : memref<1x128xi32, #tpu.memory_space<vmem>> -> memref<128xi32, #tpu.memory_space<vmem>>
    %dma_wait3A_1151 = arith.constant 0 : i32
    %dma_wait3A_1152 = arith.constant 0 : i32
    %dma_wait3A_1153 = tpu.memref_slice %arg3[%dma_wait3A_1151, %dma_wait3A_1152] : memref<524288x32xf32, #tpu.memory_space<hbm>> -> memref<524288x32xf32, #tpu.memory_space<hbm>>
    tpu.wait_indirect_dma semaphore(%arg8 : memref<!tpu.dma_semaphore, #tpu.memory_space<semaphore_mem>>) src(%dma_wait3A_1153 : memref<524288x32xf32, #tpu.memory_space<hbm>>) dst(%dma_wait3A_1147 : memref<128x32xf32, #tpu.memory_space<vmem>>)
    %dma_wait3A_1154 = arith.constant 52 : i32
    %dma_wait3A_1155 = arith.constant 512 : i32
    %dma_wait3A_1156 = arith.constant 0 : i32
    %dma_wait3A_1157 = tpu.memref_slice %arg6[%dma_wait3A_1155, %dma_wait3A_1156] : memref<1024x32xf32, #tpu.memory_space<vmem>> -> memref<128x32xf32, #tpu.memory_space<vmem>>
    %dma_wait3A_1158 = arith.constant 0 : i32
    %dma_wait3A_1159 = tpu.memref_slice %arg5[%dma_wait3A_1154, %dma_wait3A_1158] : memref<64x128xi32, #tpu.memory_space<vmem>> -> memref<1x128xi32, #tpu.memory_space<vmem>>
    %dma_wait3A_1160 = tpu.memref_squeeze %dma_wait3A_1159 : memref<1x128xi32, #tpu.memory_space<vmem>> -> memref<128xi32, #tpu.memory_space<vmem>>
    %dma_wait3A_1161 = arith.constant 0 : i32
    %dma_wait3A_1162 = arith.constant 0 : i32
    %dma_wait3A_1163 = tpu.memref_slice %arg3[%dma_wait3A_1161, %dma_wait3A_1162] : memref<524288x32xf32, #tpu.memory_space<hbm>> -> memref<524288x32xf32, #tpu.memory_space<hbm>>
    tpu.wait_indirect_dma semaphore(%arg8 : memref<!tpu.dma_semaphore, #tpu.memory_space<semaphore_mem>>) src(%dma_wait3A_1163 : memref<524288x32xf32, #tpu.memory_space<hbm>>) dst(%dma_wait3A_1157 : memref<128x32xf32, #tpu.memory_space<vmem>>)
    %dma_wait3A_1164 = arith.constant 53 : i32
    %dma_wait3A_1165 = arith.constant 640 : i32
    %dma_wait3A_1166 = arith.constant 0 : i32
    %dma_wait3A_1167 = tpu.memref_slice %arg6[%dma_wait3A_1165, %dma_wait3A_1166] : memref<1024x32xf32, #tpu.memory_space<vmem>> -> memref<128x32xf32, #tpu.memory_space<vmem>>
    %dma_wait3A_1168 = arith.constant 0 : i32
    %dma_wait3A_1169 = tpu.memref_slice %arg5[%dma_wait3A_1164, %dma_wait3A_1168] : memref<64x128xi32, #tpu.memory_space<vmem>> -> memref<1x128xi32, #tpu.memory_space<vmem>>
    %dma_wait3A_1170 = tpu.memref_squeeze %dma_wait3A_1169 : memref<1x128xi32, #tpu.memory_space<vmem>> -> memref<128xi32, #tpu.memory_space<vmem>>
    %dma_wait3A_1171 = arith.constant 0 : i32
    %dma_wait3A_1172 = arith.constant 0 : i32
    %dma_wait3A_1173 = tpu.memref_slice %arg3[%dma_wait3A_1171, %dma_wait3A_1172] : memref<524288x32xf32, #tpu.memory_space<hbm>> -> memref<524288x32xf32, #tpu.memory_space<hbm>>
    tpu.wait_indirect_dma semaphore(%arg8 : memref<!tpu.dma_semaphore, #tpu.memory_space<semaphore_mem>>) src(%dma_wait3A_1173 : memref<524288x32xf32, #tpu.memory_space<hbm>>) dst(%dma_wait3A_1167 : memref<128x32xf32, #tpu.memory_space<vmem>>)
    %dma_wait3A_1174 = arith.constant 54 : i32
    %dma_wait3A_1175 = arith.constant 768 : i32
    %dma_wait3A_1176 = arith.constant 0 : i32
    %dma_wait3A_1177 = tpu.memref_slice %arg6[%dma_wait3A_1175, %dma_wait3A_1176] : memref<1024x32xf32, #tpu.memory_space<vmem>> -> memref<128x32xf32, #tpu.memory_space<vmem>>
    %dma_wait3A_1178 = arith.constant 0 : i32
    %dma_wait3A_1179 = tpu.memref_slice %arg5[%dma_wait3A_1174, %dma_wait3A_1178] : memref<64x128xi32, #tpu.memory_space<vmem>> -> memref<1x128xi32, #tpu.memory_space<vmem>>
    %dma_wait3A_1180 = tpu.memref_squeeze %dma_wait3A_1179 : memref<1x128xi32, #tpu.memory_space<vmem>> -> memref<128xi32, #tpu.memory_space<vmem>>
    %dma_wait3A_1181 = arith.constant 0 : i32
    %dma_wait3A_1182 = arith.constant 0 : i32
    %dma_wait3A_1183 = tpu.memref_slice %arg3[%dma_wait3A_1181, %dma_wait3A_1182] : memref<524288x32xf32, #tpu.memory_space<hbm>> -> memref<524288x32xf32, #tpu.memory_space<hbm>>
    tpu.wait_indirect_dma semaphore(%arg8 : memref<!tpu.dma_semaphore, #tpu.memory_space<semaphore_mem>>) src(%dma_wait3A_1183 : memref<524288x32xf32, #tpu.memory_space<hbm>>) dst(%dma_wait3A_1177 : memref<128x32xf32, #tpu.memory_space<vmem>>)
    %dma_wait3A_1184 = arith.constant 55 : i32
    %dma_wait3A_1185 = arith.constant 896 : i32
    %dma_wait3A_1186 = arith.constant 0 : i32
    %dma_wait3A_1187 = tpu.memref_slice %arg6[%dma_wait3A_1185, %dma_wait3A_1186] : memref<1024x32xf32, #tpu.memory_space<vmem>> -> memref<128x32xf32, #tpu.memory_space<vmem>>
    %dma_wait3A_1188 = arith.constant 0 : i32
    %dma_wait3A_1189 = tpu.memref_slice %arg5[%dma_wait3A_1184, %dma_wait3A_1188] : memref<64x128xi32, #tpu.memory_space<vmem>> -> memref<1x128xi32, #tpu.memory_space<vmem>>
    %dma_wait3A_1190 = tpu.memref_squeeze %dma_wait3A_1189 : memref<1x128xi32, #tpu.memory_space<vmem>> -> memref<128xi32, #tpu.memory_space<vmem>>
    %dma_wait3A_1191 = arith.constant 0 : i32
    %dma_wait3A_1192 = arith.constant 0 : i32
    %dma_wait3A_1193 = tpu.memref_slice %arg3[%dma_wait3A_1191, %dma_wait3A_1192] : memref<524288x32xf32, #tpu.memory_space<hbm>> -> memref<524288x32xf32, #tpu.memory_space<hbm>>
    tpu.wait_indirect_dma semaphore(%arg8 : memref<!tpu.dma_semaphore, #tpu.memory_space<semaphore_mem>>) src(%dma_wait3A_1193 : memref<524288x32xf32, #tpu.memory_space<hbm>>) dst(%dma_wait3A_1187 : memref<128x32xf32, #tpu.memory_space<vmem>>)
    %mul3A_1194 = arith.constant 2048 : i32
    %mul3A_1195 = arith.muli %add3A, %mul3A_1194 : i32
    %add3A_1196 = arith.constant 0 : i32
    %add3A_1197 = arith.addi %mul3A_1195, %add3A_1196 : i32
    %dma_start3A_1198 = arith.constant 96 : i32
    %dma_start3A_1199 = tpu.memref_slice %arg4[%add3A_1197, %dma_start3A_1198] : memref<65536x128xf32, #tpu.memory_space<hbm>> -> memref<1024x32xf32, #tpu.memory_space<hbm>>
    %dma_start3A_1200 = arith.constant 96 : i32
    %dma_start3A_1201 = tpu.memref_slice %arg4[%add3A_1197, %dma_start3A_1200] : memref<65536x128xf32, #tpu.memory_space<hbm>> -> memref<1024x32xf32, #tpu.memory_space<hbm>>
    tpu.enqueue_dma source(%arg6 : memref<1024x32xf32, #tpu.memory_space<vmem>>) target(%dma_start3A_1201 : memref<1024x32xf32, #tpu.memory_space<hbm>>) target_semaphore(%arg9 : memref<!tpu.dma_semaphore, #tpu.memory_space<semaphore_mem>>)
    %dma_wait3A_1202 = arith.constant 64 : i32
    %dma_wait3A_1203 = tpu.memref_slice %arg4[%add3A_1025, %dma_wait3A_1202] : memref<65536x128xf32, #tpu.memory_space<hbm>> -> memref<1024x32xf32, #tpu.memory_space<hbm>>
    %dma_wait3A_1204 = arith.constant 64 : i32
    %dma_wait3A_1205 = tpu.memref_slice %arg4[%add3A_1025, %dma_wait3A_1204] : memref<65536x128xf32, #tpu.memory_space<hbm>> -> memref<1024x32xf32, #tpu.memory_space<hbm>>
    tpu.wait_dma2 semaphore(%arg9 : memref<!tpu.dma_semaphore, #tpu.memory_space<semaphore_mem>>) src(%arg7 : memref<1024x32xf32, #tpu.memory_space<vmem>>) dst(%dma_wait3A_1205 : memref<1024x32xf32, #tpu.memory_space<hbm>>)
    %dma_start3A_1206 = arith.constant 56 : i32
    %dma_start3A_1207 = arith.constant 0 : i32
    %dma_start3A_1208 = arith.constant 0 : i32
    %dma_start3A_1209 = tpu.memref_slice %arg7[%dma_start3A_1207, %dma_start3A_1208] : memref<1024x32xf32, #tpu.memory_space<vmem>> -> memref<128x32xf32, #tpu.memory_space<vmem>>
    %dma_start3A_1210 = arith.constant 0 : i32
    %dma_start3A_1211 = tpu.memref_slice %arg5[%dma_start3A_1206, %dma_start3A_1210] : memref<64x128xi32, #tpu.memory_space<vmem>> -> memref<1x128xi32, #tpu.memory_space<vmem>>
    %dma_start3A_1212 = tpu.memref_squeeze %dma_start3A_1211 : memref<1x128xi32, #tpu.memory_space<vmem>> -> memref<128xi32, #tpu.memory_space<vmem>>
    %dma_start3A_1213 = arith.constant 0 : i32
    %dma_start3A_1214 = arith.constant 0 : i32
    %dma_start3A_1215 = tpu.memref_slice %arg3[%dma_start3A_1213, %dma_start3A_1214] : memref<524288x32xf32, #tpu.memory_space<hbm>> -> memref<524288x32xf32, #tpu.memory_space<hbm>>
    tpu.enqueue_indirect_dma source(%dma_start3A_1215 : memref<524288x32xf32, #tpu.memory_space<hbm>>) target(%dma_start3A_1209 : memref<128x32xf32, #tpu.memory_space<vmem>>) offsets(%dma_start3A_1212 : memref<128xi32, #tpu.memory_space<vmem>>) semaphore(%arg8 : memref<!tpu.dma_semaphore, #tpu.memory_space<semaphore_mem>>)
    %dma_start3A_1216 = arith.constant 57 : i32
    %dma_start3A_1217 = arith.constant 128 : i32
    %dma_start3A_1218 = arith.constant 0 : i32
    %dma_start3A_1219 = tpu.memref_slice %arg7[%dma_start3A_1217, %dma_start3A_1218] : memref<1024x32xf32, #tpu.memory_space<vmem>> -> memref<128x32xf32, #tpu.memory_space<vmem>>
    %dma_start3A_1220 = arith.constant 0 : i32
    %dma_start3A_1221 = tpu.memref_slice %arg5[%dma_start3A_1216, %dma_start3A_1220] : memref<64x128xi32, #tpu.memory_space<vmem>> -> memref<1x128xi32, #tpu.memory_space<vmem>>
    %dma_start3A_1222 = tpu.memref_squeeze %dma_start3A_1221 : memref<1x128xi32, #tpu.memory_space<vmem>> -> memref<128xi32, #tpu.memory_space<vmem>>
    %dma_start3A_1223 = arith.constant 0 : i32
    %dma_start3A_1224 = arith.constant 0 : i32
    %dma_start3A_1225 = tpu.memref_slice %arg3[%dma_start3A_1223, %dma_start3A_1224] : memref<524288x32xf32, #tpu.memory_space<hbm>> -> memref<524288x32xf32, #tpu.memory_space<hbm>>
    tpu.enqueue_indirect_dma source(%dma_start3A_1225 : memref<524288x32xf32, #tpu.memory_space<hbm>>) target(%dma_start3A_1219 : memref<128x32xf32, #tpu.memory_space<vmem>>) offsets(%dma_start3A_1222 : memref<128xi32, #tpu.memory_space<vmem>>) semaphore(%arg8 : memref<!tpu.dma_semaphore, #tpu.memory_space<semaphore_mem>>)
    %dma_start3A_1226 = arith.constant 58 : i32
    %dma_start3A_1227 = arith.constant 256 : i32
    %dma_start3A_1228 = arith.constant 0 : i32
    %dma_start3A_1229 = tpu.memref_slice %arg7[%dma_start3A_1227, %dma_start3A_1228] : memref<1024x32xf32, #tpu.memory_space<vmem>> -> memref<128x32xf32, #tpu.memory_space<vmem>>
    %dma_start3A_1230 = arith.constant 0 : i32
    %dma_start3A_1231 = tpu.memref_slice %arg5[%dma_start3A_1226, %dma_start3A_1230] : memref<64x128xi32, #tpu.memory_space<vmem>> -> memref<1x128xi32, #tpu.memory_space<vmem>>
    %dma_start3A_1232 = tpu.memref_squeeze %dma_start3A_1231 : memref<1x128xi32, #tpu.memory_space<vmem>> -> memref<128xi32, #tpu.memory_space<vmem>>
    %dma_start3A_1233 = arith.constant 0 : i32
    %dma_start3A_1234 = arith.constant 0 : i32
    %dma_start3A_1235 = tpu.memref_slice %arg3[%dma_start3A_1233, %dma_start3A_1234] : memref<524288x32xf32, #tpu.memory_space<hbm>> -> memref<524288x32xf32, #tpu.memory_space<hbm>>
    tpu.enqueue_indirect_dma source(%dma_start3A_1235 : memref<524288x32xf32, #tpu.memory_space<hbm>>) target(%dma_start3A_1229 : memref<128x32xf32, #tpu.memory_space<vmem>>) offsets(%dma_start3A_1232 : memref<128xi32, #tpu.memory_space<vmem>>) semaphore(%arg8 : memref<!tpu.dma_semaphore, #tpu.memory_space<semaphore_mem>>)
    %dma_start3A_1236 = arith.constant 59 : i32
    %dma_start3A_1237 = arith.constant 384 : i32
    %dma_start3A_1238 = arith.constant 0 : i32
    %dma_start3A_1239 = tpu.memref_slice %arg7[%dma_start3A_1237, %dma_start3A_1238] : memref<1024x32xf32, #tpu.memory_space<vmem>> -> memref<128x32xf32, #tpu.memory_space<vmem>>
    %dma_start3A_1240 = arith.constant 0 : i32
    %dma_start3A_1241 = tpu.memref_slice %arg5[%dma_start3A_1236, %dma_start3A_1240] : memref<64x128xi32, #tpu.memory_space<vmem>> -> memref<1x128xi32, #tpu.memory_space<vmem>>
    %dma_start3A_1242 = tpu.memref_squeeze %dma_start3A_1241 : memref<1x128xi32, #tpu.memory_space<vmem>> -> memref<128xi32, #tpu.memory_space<vmem>>
    %dma_start3A_1243 = arith.constant 0 : i32
    %dma_start3A_1244 = arith.constant 0 : i32
    %dma_start3A_1245 = tpu.memref_slice %arg3[%dma_start3A_1243, %dma_start3A_1244] : memref<524288x32xf32, #tpu.memory_space<hbm>> -> memref<524288x32xf32, #tpu.memory_space<hbm>>
    tpu.enqueue_indirect_dma source(%dma_start3A_1245 : memref<524288x32xf32, #tpu.memory_space<hbm>>) target(%dma_start3A_1239 : memref<128x32xf32, #tpu.memory_space<vmem>>) offsets(%dma_start3A_1242 : memref<128xi32, #tpu.memory_space<vmem>>) semaphore(%arg8 : memref<!tpu.dma_semaphore, #tpu.memory_space<semaphore_mem>>)
    %dma_start3A_1246 = arith.constant 60 : i32
    %dma_start3A_1247 = arith.constant 512 : i32
    %dma_start3A_1248 = arith.constant 0 : i32
    %dma_start3A_1249 = tpu.memref_slice %arg7[%dma_start3A_1247, %dma_start3A_1248] : memref<1024x32xf32, #tpu.memory_space<vmem>> -> memref<128x32xf32, #tpu.memory_space<vmem>>
    %dma_start3A_1250 = arith.constant 0 : i32
    %dma_start3A_1251 = tpu.memref_slice %arg5[%dma_start3A_1246, %dma_start3A_1250] : memref<64x128xi32, #tpu.memory_space<vmem>> -> memref<1x128xi32, #tpu.memory_space<vmem>>
    %dma_start3A_1252 = tpu.memref_squeeze %dma_start3A_1251 : memref<1x128xi32, #tpu.memory_space<vmem>> -> memref<128xi32, #tpu.memory_space<vmem>>
    %dma_start3A_1253 = arith.constant 0 : i32
    %dma_start3A_1254 = arith.constant 0 : i32
    %dma_start3A_1255 = tpu.memref_slice %arg3[%dma_start3A_1253, %dma_start3A_1254] : memref<524288x32xf32, #tpu.memory_space<hbm>> -> memref<524288x32xf32, #tpu.memory_space<hbm>>
    tpu.enqueue_indirect_dma source(%dma_start3A_1255 : memref<524288x32xf32, #tpu.memory_space<hbm>>) target(%dma_start3A_1249 : memref<128x32xf32, #tpu.memory_space<vmem>>) offsets(%dma_start3A_1252 : memref<128xi32, #tpu.memory_space<vmem>>) semaphore(%arg8 : memref<!tpu.dma_semaphore, #tpu.memory_space<semaphore_mem>>)
    %dma_start3A_1256 = arith.constant 61 : i32
    %dma_start3A_1257 = arith.constant 640 : i32
    %dma_start3A_1258 = arith.constant 0 : i32
    %dma_start3A_1259 = tpu.memref_slice %arg7[%dma_start3A_1257, %dma_start3A_1258] : memref<1024x32xf32, #tpu.memory_space<vmem>> -> memref<128x32xf32, #tpu.memory_space<vmem>>
    %dma_start3A_1260 = arith.constant 0 : i32
    %dma_start3A_1261 = tpu.memref_slice %arg5[%dma_start3A_1256, %dma_start3A_1260] : memref<64x128xi32, #tpu.memory_space<vmem>> -> memref<1x128xi32, #tpu.memory_space<vmem>>
    %dma_start3A_1262 = tpu.memref_squeeze %dma_start3A_1261 : memref<1x128xi32, #tpu.memory_space<vmem>> -> memref<128xi32, #tpu.memory_space<vmem>>
    %dma_start3A_1263 = arith.constant 0 : i32
    %dma_start3A_1264 = arith.constant 0 : i32
    %dma_start3A_1265 = tpu.memref_slice %arg3[%dma_start3A_1263, %dma_start3A_1264] : memref<524288x32xf32, #tpu.memory_space<hbm>> -> memref<524288x32xf32, #tpu.memory_space<hbm>>
    tpu.enqueue_indirect_dma source(%dma_start3A_1265 : memref<524288x32xf32, #tpu.memory_space<hbm>>) target(%dma_start3A_1259 : memref<128x32xf32, #tpu.memory_space<vmem>>) offsets(%dma_start3A_1262 : memref<128xi32, #tpu.memory_space<vmem>>) semaphore(%arg8 : memref<!tpu.dma_semaphore, #tpu.memory_space<semaphore_mem>>)
    %dma_start3A_1266 = arith.constant 62 : i32
    %dma_start3A_1267 = arith.constant 768 : i32
    %dma_start3A_1268 = arith.constant 0 : i32
    %dma_start3A_1269 = tpu.memref_slice %arg7[%dma_start3A_1267, %dma_start3A_1268] : memref<1024x32xf32, #tpu.memory_space<vmem>> -> memref<128x32xf32, #tpu.memory_space<vmem>>
    %dma_start3A_1270 = arith.constant 0 : i32
    %dma_start3A_1271 = tpu.memref_slice %arg5[%dma_start3A_1266, %dma_start3A_1270] : memref<64x128xi32, #tpu.memory_space<vmem>> -> memref<1x128xi32, #tpu.memory_space<vmem>>
    %dma_start3A_1272 = tpu.memref_squeeze %dma_start3A_1271 : memref<1x128xi32, #tpu.memory_space<vmem>> -> memref<128xi32, #tpu.memory_space<vmem>>
    %dma_start3A_1273 = arith.constant 0 : i32
    %dma_start3A_1274 = arith.constant 0 : i32
    %dma_start3A_1275 = tpu.memref_slice %arg3[%dma_start3A_1273, %dma_start3A_1274] : memref<524288x32xf32, #tpu.memory_space<hbm>> -> memref<524288x32xf32, #tpu.memory_space<hbm>>
    tpu.enqueue_indirect_dma source(%dma_start3A_1275 : memref<524288x32xf32, #tpu.memory_space<hbm>>) target(%dma_start3A_1269 : memref<128x32xf32, #tpu.memory_space<vmem>>) offsets(%dma_start3A_1272 : memref<128xi32, #tpu.memory_space<vmem>>) semaphore(%arg8 : memref<!tpu.dma_semaphore, #tpu.memory_space<semaphore_mem>>)
    %dma_start3A_1276 = arith.constant 63 : i32
    %dma_start3A_1277 = arith.constant 896 : i32
    %dma_start3A_1278 = arith.constant 0 : i32
    %dma_start3A_1279 = tpu.memref_slice %arg7[%dma_start3A_1277, %dma_start3A_1278] : memref<1024x32xf32, #tpu.memory_space<vmem>> -> memref<128x32xf32, #tpu.memory_space<vmem>>
    %dma_start3A_1280 = arith.constant 0 : i32
    %dma_start3A_1281 = tpu.memref_slice %arg5[%dma_start3A_1276, %dma_start3A_1280] : memref<64x128xi32, #tpu.memory_space<vmem>> -> memref<1x128xi32, #tpu.memory_space<vmem>>
    %dma_start3A_1282 = tpu.memref_squeeze %dma_start3A_1281 : memref<1x128xi32, #tpu.memory_space<vmem>> -> memref<128xi32, #tpu.memory_space<vmem>>
    %dma_start3A_1283 = arith.constant 0 : i32
    %dma_start3A_1284 = arith.constant 0 : i32
    %dma_start3A_1285 = tpu.memref_slice %arg3[%dma_start3A_1283, %dma_start3A_1284] : memref<524288x32xf32, #tpu.memory_space<hbm>> -> memref<524288x32xf32, #tpu.memory_space<hbm>>
    tpu.enqueue_indirect_dma source(%dma_start3A_1285 : memref<524288x32xf32, #tpu.memory_space<hbm>>) target(%dma_start3A_1279 : memref<128x32xf32, #tpu.memory_space<vmem>>) offsets(%dma_start3A_1282 : memref<128xi32, #tpu.memory_space<vmem>>) semaphore(%arg8 : memref<!tpu.dma_semaphore, #tpu.memory_space<semaphore_mem>>)
    %dma_wait3A_1286 = arith.constant 56 : i32
    %dma_wait3A_1287 = arith.constant 0 : i32
    %dma_wait3A_1288 = arith.constant 0 : i32
    %dma_wait3A_1289 = tpu.memref_slice %arg7[%dma_wait3A_1287, %dma_wait3A_1288] : memref<1024x32xf32, #tpu.memory_space<vmem>> -> memref<128x32xf32, #tpu.memory_space<vmem>>
    %dma_wait3A_1290 = arith.constant 0 : i32
    %dma_wait3A_1291 = tpu.memref_slice %arg5[%dma_wait3A_1286, %dma_wait3A_1290] : memref<64x128xi32, #tpu.memory_space<vmem>> -> memref<1x128xi32, #tpu.memory_space<vmem>>
    %dma_wait3A_1292 = tpu.memref_squeeze %dma_wait3A_1291 : memref<1x128xi32, #tpu.memory_space<vmem>> -> memref<128xi32, #tpu.memory_space<vmem>>
    %dma_wait3A_1293 = arith.constant 0 : i32
    %dma_wait3A_1294 = arith.constant 0 : i32
    %dma_wait3A_1295 = tpu.memref_slice %arg3[%dma_wait3A_1293, %dma_wait3A_1294] : memref<524288x32xf32, #tpu.memory_space<hbm>> -> memref<524288x32xf32, #tpu.memory_space<hbm>>
    tpu.wait_indirect_dma semaphore(%arg8 : memref<!tpu.dma_semaphore, #tpu.memory_space<semaphore_mem>>) src(%dma_wait3A_1295 : memref<524288x32xf32, #tpu.memory_space<hbm>>) dst(%dma_wait3A_1289 : memref<128x32xf32, #tpu.memory_space<vmem>>)
    %dma_wait3A_1296 = arith.constant 57 : i32
    %dma_wait3A_1297 = arith.constant 128 : i32
    %dma_wait3A_1298 = arith.constant 0 : i32
    %dma_wait3A_1299 = tpu.memref_slice %arg7[%dma_wait3A_1297, %dma_wait3A_1298] : memref<1024x32xf32, #tpu.memory_space<vmem>> -> memref<128x32xf32, #tpu.memory_space<vmem>>
    %dma_wait3A_1300 = arith.constant 0 : i32
    %dma_wait3A_1301 = tpu.memref_slice %arg5[%dma_wait3A_1296, %dma_wait3A_1300] : memref<64x128xi32, #tpu.memory_space<vmem>> -> memref<1x128xi32, #tpu.memory_space<vmem>>
    %dma_wait3A_1302 = tpu.memref_squeeze %dma_wait3A_1301 : memref<1x128xi32, #tpu.memory_space<vmem>> -> memref<128xi32, #tpu.memory_space<vmem>>
    %dma_wait3A_1303 = arith.constant 0 : i32
    %dma_wait3A_1304 = arith.constant 0 : i32
    %dma_wait3A_1305 = tpu.memref_slice %arg3[%dma_wait3A_1303, %dma_wait3A_1304] : memref<524288x32xf32, #tpu.memory_space<hbm>> -> memref<524288x32xf32, #tpu.memory_space<hbm>>
    tpu.wait_indirect_dma semaphore(%arg8 : memref<!tpu.dma_semaphore, #tpu.memory_space<semaphore_mem>>) src(%dma_wait3A_1305 : memref<524288x32xf32, #tpu.memory_space<hbm>>) dst(%dma_wait3A_1299 : memref<128x32xf32, #tpu.memory_space<vmem>>)
    %dma_wait3A_1306 = arith.constant 58 : i32
    %dma_wait3A_1307 = arith.constant 256 : i32
    %dma_wait3A_1308 = arith.constant 0 : i32
    %dma_wait3A_1309 = tpu.memref_slice %arg7[%dma_wait3A_1307, %dma_wait3A_1308] : memref<1024x32xf32, #tpu.memory_space<vmem>> -> memref<128x32xf32, #tpu.memory_space<vmem>>
    %dma_wait3A_1310 = arith.constant 0 : i32
    %dma_wait3A_1311 = tpu.memref_slice %arg5[%dma_wait3A_1306, %dma_wait3A_1310] : memref<64x128xi32, #tpu.memory_space<vmem>> -> memref<1x128xi32, #tpu.memory_space<vmem>>
    %dma_wait3A_1312 = tpu.memref_squeeze %dma_wait3A_1311 : memref<1x128xi32, #tpu.memory_space<vmem>> -> memref<128xi32, #tpu.memory_space<vmem>>
    %dma_wait3A_1313 = arith.constant 0 : i32
    %dma_wait3A_1314 = arith.constant 0 : i32
    %dma_wait3A_1315 = tpu.memref_slice %arg3[%dma_wait3A_1313, %dma_wait3A_1314] : memref<524288x32xf32, #tpu.memory_space<hbm>> -> memref<524288x32xf32, #tpu.memory_space<hbm>>
    tpu.wait_indirect_dma semaphore(%arg8 : memref<!tpu.dma_semaphore, #tpu.memory_space<semaphore_mem>>) src(%dma_wait3A_1315 : memref<524288x32xf32, #tpu.memory_space<hbm>>) dst(%dma_wait3A_1309 : memref<128x32xf32, #tpu.memory_space<vmem>>)
    %dma_wait3A_1316 = arith.constant 59 : i32
    %dma_wait3A_1317 = arith.constant 384 : i32
    %dma_wait3A_1318 = arith.constant 0 : i32
    %dma_wait3A_1319 = tpu.memref_slice %arg7[%dma_wait3A_1317, %dma_wait3A_1318] : memref<1024x32xf32, #tpu.memory_space<vmem>> -> memref<128x32xf32, #tpu.memory_space<vmem>>
    %dma_wait3A_1320 = arith.constant 0 : i32
    %dma_wait3A_1321 = tpu.memref_slice %arg5[%dma_wait3A_1316, %dma_wait3A_1320] : memref<64x128xi32, #tpu.memory_space<vmem>> -> memref<1x128xi32, #tpu.memory_space<vmem>>
    %dma_wait3A_1322 = tpu.memref_squeeze %dma_wait3A_1321 : memref<1x128xi32, #tpu.memory_space<vmem>> -> memref<128xi32, #tpu.memory_space<vmem>>
    %dma_wait3A_1323 = arith.constant 0 : i32
    %dma_wait3A_1324 = arith.constant 0 : i32
    %dma_wait3A_1325 = tpu.memref_slice %arg3[%dma_wait3A_1323, %dma_wait3A_1324] : memref<524288x32xf32, #tpu.memory_space<hbm>> -> memref<524288x32xf32, #tpu.memory_space<hbm>>
    tpu.wait_indirect_dma semaphore(%arg8 : memref<!tpu.dma_semaphore, #tpu.memory_space<semaphore_mem>>) src(%dma_wait3A_1325 : memref<524288x32xf32, #tpu.memory_space<hbm>>) dst(%dma_wait3A_1319 : memref<128x32xf32, #tpu.memory_space<vmem>>)
    %dma_wait3A_1326 = arith.constant 60 : i32
    %dma_wait3A_1327 = arith.constant 512 : i32
    %dma_wait3A_1328 = arith.constant 0 : i32
    %dma_wait3A_1329 = tpu.memref_slice %arg7[%dma_wait3A_1327, %dma_wait3A_1328] : memref<1024x32xf32, #tpu.memory_space<vmem>> -> memref<128x32xf32, #tpu.memory_space<vmem>>
    %dma_wait3A_1330 = arith.constant 0 : i32
    %dma_wait3A_1331 = tpu.memref_slice %arg5[%dma_wait3A_1326, %dma_wait3A_1330] : memref<64x128xi32, #tpu.memory_space<vmem>> -> memref<1x128xi32, #tpu.memory_space<vmem>>
    %dma_wait3A_1332 = tpu.memref_squeeze %dma_wait3A_1331 : memref<1x128xi32, #tpu.memory_space<vmem>> -> memref<128xi32, #tpu.memory_space<vmem>>
    %dma_wait3A_1333 = arith.constant 0 : i32
    %dma_wait3A_1334 = arith.constant 0 : i32
    %dma_wait3A_1335 = tpu.memref_slice %arg3[%dma_wait3A_1333, %dma_wait3A_1334] : memref<524288x32xf32, #tpu.memory_space<hbm>> -> memref<524288x32xf32, #tpu.memory_space<hbm>>
    tpu.wait_indirect_dma semaphore(%arg8 : memref<!tpu.dma_semaphore, #tpu.memory_space<semaphore_mem>>) src(%dma_wait3A_1335 : memref<524288x32xf32, #tpu.memory_space<hbm>>) dst(%dma_wait3A_1329 : memref<128x32xf32, #tpu.memory_space<vmem>>)
    %dma_wait3A_1336 = arith.constant 61 : i32
    %dma_wait3A_1337 = arith.constant 640 : i32
    %dma_wait3A_1338 = arith.constant 0 : i32
    %dma_wait3A_1339 = tpu.memref_slice %arg7[%dma_wait3A_1337, %dma_wait3A_1338] : memref<1024x32xf32, #tpu.memory_space<vmem>> -> memref<128x32xf32, #tpu.memory_space<vmem>>
    %dma_wait3A_1340 = arith.constant 0 : i32
    %dma_wait3A_1341 = tpu.memref_slice %arg5[%dma_wait3A_1336, %dma_wait3A_1340] : memref<64x128xi32, #tpu.memory_space<vmem>> -> memref<1x128xi32, #tpu.memory_space<vmem>>
    %dma_wait3A_1342 = tpu.memref_squeeze %dma_wait3A_1341 : memref<1x128xi32, #tpu.memory_space<vmem>> -> memref<128xi32, #tpu.memory_space<vmem>>
    %dma_wait3A_1343 = arith.constant 0 : i32
    %dma_wait3A_1344 = arith.constant 0 : i32
    %dma_wait3A_1345 = tpu.memref_slice %arg3[%dma_wait3A_1343, %dma_wait3A_1344] : memref<524288x32xf32, #tpu.memory_space<hbm>> -> memref<524288x32xf32, #tpu.memory_space<hbm>>
    tpu.wait_indirect_dma semaphore(%arg8 : memref<!tpu.dma_semaphore, #tpu.memory_space<semaphore_mem>>) src(%dma_wait3A_1345 : memref<524288x32xf32, #tpu.memory_space<hbm>>) dst(%dma_wait3A_1339 : memref<128x32xf32, #tpu.memory_space<vmem>>)
    %dma_wait3A_1346 = arith.constant 62 : i32
    %dma_wait3A_1347 = arith.constant 768 : i32
    %dma_wait3A_1348 = arith.constant 0 : i32
    %dma_wait3A_1349 = tpu.memref_slice %arg7[%dma_wait3A_1347, %dma_wait3A_1348] : memref<1024x32xf32, #tpu.memory_space<vmem>> -> memref<128x32xf32, #tpu.memory_space<vmem>>
    %dma_wait3A_1350 = arith.constant 0 : i32
    %dma_wait3A_1351 = tpu.memref_slice %arg5[%dma_wait3A_1346, %dma_wait3A_1350] : memref<64x128xi32, #tpu.memory_space<vmem>> -> memref<1x128xi32, #tpu.memory_space<vmem>>
    %dma_wait3A_1352 = tpu.memref_squeeze %dma_wait3A_1351 : memref<1x128xi32, #tpu.memory_space<vmem>> -> memref<128xi32, #tpu.memory_space<vmem>>
    %dma_wait3A_1353 = arith.constant 0 : i32
    %dma_wait3A_1354 = arith.constant 0 : i32
    %dma_wait3A_1355 = tpu.memref_slice %arg3[%dma_wait3A_1353, %dma_wait3A_1354] : memref<524288x32xf32, #tpu.memory_space<hbm>> -> memref<524288x32xf32, #tpu.memory_space<hbm>>
    tpu.wait_indirect_dma semaphore(%arg8 : memref<!tpu.dma_semaphore, #tpu.memory_space<semaphore_mem>>) src(%dma_wait3A_1355 : memref<524288x32xf32, #tpu.memory_space<hbm>>) dst(%dma_wait3A_1349 : memref<128x32xf32, #tpu.memory_space<vmem>>)
    %dma_wait3A_1356 = arith.constant 63 : i32
    %dma_wait3A_1357 = arith.constant 896 : i32
    %dma_wait3A_1358 = arith.constant 0 : i32
    %dma_wait3A_1359 = tpu.memref_slice %arg7[%dma_wait3A_1357, %dma_wait3A_1358] : memref<1024x32xf32, #tpu.memory_space<vmem>> -> memref<128x32xf32, #tpu.memory_space<vmem>>
    %dma_wait3A_1360 = arith.constant 0 : i32
    %dma_wait3A_1361 = tpu.memref_slice %arg5[%dma_wait3A_1356, %dma_wait3A_1360] : memref<64x128xi32, #tpu.memory_space<vmem>> -> memref<1x128xi32, #tpu.memory_space<vmem>>
    %dma_wait3A_1362 = tpu.memref_squeeze %dma_wait3A_1361 : memref<1x128xi32, #tpu.memory_space<vmem>> -> memref<128xi32, #tpu.memory_space<vmem>>
    %dma_wait3A_1363 = arith.constant 0 : i32
    %dma_wait3A_1364 = arith.constant 0 : i32
    %dma_wait3A_1365 = tpu.memref_slice %arg3[%dma_wait3A_1363, %dma_wait3A_1364] : memref<524288x32xf32, #tpu.memory_space<hbm>> -> memref<524288x32xf32, #tpu.memory_space<hbm>>
    tpu.wait_indirect_dma semaphore(%arg8 : memref<!tpu.dma_semaphore, #tpu.memory_space<semaphore_mem>>) src(%dma_wait3A_1365 : memref<524288x32xf32, #tpu.memory_space<hbm>>) dst(%dma_wait3A_1359 : memref<128x32xf32, #tpu.memory_space<vmem>>)
    %mul3A_1366 = arith.constant 2048 : i32
    %mul3A_1367 = arith.muli %add3A, %mul3A_1366 : i32
    %add3A_1368 = arith.constant 1024 : i32
    %add3A_1369 = arith.addi %mul3A_1367, %add3A_1368 : i32
    %dma_start3A_1370 = arith.constant 96 : i32
    %dma_start3A_1371 = tpu.memref_slice %arg4[%add3A_1369, %dma_start3A_1370] : memref<65536x128xf32, #tpu.memory_space<hbm>> -> memref<1024x32xf32, #tpu.memory_space<hbm>>
    %dma_start3A_1372 = arith.constant 96 : i32
    %dma_start3A_1373 = tpu.memref_slice %arg4[%add3A_1369, %dma_start3A_1372] : memref<65536x128xf32, #tpu.memory_space<hbm>> -> memref<1024x32xf32, #tpu.memory_space<hbm>>
    tpu.enqueue_dma source(%arg7 : memref<1024x32xf32, #tpu.memory_space<vmem>>) target(%dma_start3A_1373 : memref<1024x32xf32, #tpu.memory_space<hbm>>) target_semaphore(%arg9 : memref<!tpu.dma_semaphore, #tpu.memory_space<semaphore_mem>>)
    %dma_wait3A_1374 = arith.constant 96 : i32
    %dma_wait3A_1375 = tpu.memref_slice %arg4[%add3A_1197, %dma_wait3A_1374] : memref<65536x128xf32, #tpu.memory_space<hbm>> -> memref<1024x32xf32, #tpu.memory_space<hbm>>
    %dma_wait3A_1376 = arith.constant 96 : i32
    %dma_wait3A_1377 = tpu.memref_slice %arg4[%add3A_1197, %dma_wait3A_1376] : memref<65536x128xf32, #tpu.memory_space<hbm>> -> memref<1024x32xf32, #tpu.memory_space<hbm>>
    tpu.wait_dma2 semaphore(%arg9 : memref<!tpu.dma_semaphore, #tpu.memory_space<semaphore_mem>>) src(%arg6 : memref<1024x32xf32, #tpu.memory_space<vmem>>) dst(%dma_wait3A_1377 : memref<1024x32xf32, #tpu.memory_space<hbm>>)
    %dma_wait3A_1378 = arith.constant 96 : i32
    %dma_wait3A_1379 = tpu.memref_slice %arg4[%add3A_1369, %dma_wait3A_1378] : memref<65536x128xf32, #tpu.memory_space<hbm>> -> memref<1024x32xf32, #tpu.memory_space<hbm>>
    %dma_wait3A_1380 = arith.constant 96 : i32
    %dma_wait3A_1381 = tpu.memref_slice %arg4[%add3A_1369, %dma_wait3A_1380] : memref<65536x128xf32, #tpu.memory_space<hbm>> -> memref<1024x32xf32, #tpu.memory_space<hbm>>
    tpu.wait_dma2 semaphore(%arg9 : memref<!tpu.dma_semaphore, #tpu.memory_space<semaphore_mem>>) src(%arg7 : memref<1024x32xf32, #tpu.memory_space<vmem>>) dst(%dma_wait3A_1381 : memref<1024x32xf32, #tpu.memory_space<hbm>>)
    return
  }
}

module attributes {stable_mosaic.version = 14 : i64} {
  func.func @_project_body(%arg0: i32, %arg1: memref<32x8192xf32, #tpu.memory_space<vmem>>, %arg2: memref<32x32xf32, #tpu.memory_space<vmem>>, %arg3: memref<256x32xf32, #tpu.memory_space<vmem>>, %arg4: memref<2048x128xf32, #tpu.memory_space<vmem>>) attributes {dimension_semantics = [#tpu.dimension_semantics<arbitrary>], iteration_bounds = array<i64: 64>, scalar_prefetch = 0 : i64, scratch_operands = 0 : i64, tpu.core_type = #tpu.core_type<tc>, window_params = [{transform_indices = @transform_0, window_bounds = array<i64: 32, 8192>}, {pipeline_mode = #tpu.pipeline_mode<synchronous>, transform_indices = @transform_1, window_bounds = array<i64: 32, 32>}, {pipeline_mode = #tpu.pipeline_mode<synchronous>, transform_indices = @transform_2, window_bounds = array<i64: 256, 32>}, {transform_indices = @transform_3, window_bounds = array<i64: 2048, 128>}]} {
    %get3A = arith.constant 0 : index
    %get3A_0 = arith.constant 0 : index
    %get3A_1 = vector.load %arg1[%get3A, %get3A_0] : memref<32x8192xf32, #tpu.memory_space<vmem>>, vector<32x8192xf32>
    %get3A_2 = arith.constant 0 : index
    %get3A_3 = arith.constant 0 : index
    %get3A_4 = vector.load %arg2[%get3A_2, %get3A_3] : memref<32x32xf32, #tpu.memory_space<vmem>>, vector<32x32xf32>
    %dot_general3A = arith.constant dense<0.000000e+00> : vector<32x8192xf32>
    %dot_general3A_5 = tpu.matmul %get3A_4, %get3A_1, %dot_general3A {dimension_numbers = #tpu.dot_dimension_numbers<[1], [0], [0], [1], [0, 0, 1, 1], [], []>, transpose_lhs_hint = false} : vector<32x32xf32>, vector<32x8192xf32>, vector<32x8192xf32> -> vector<32x8192xf32>
    %mul3A = arith.constant 4 : i32
    %mul3A_6 = arith.muli %mul3A, %arg0 : i32
    %get3A_7 = arith.index_cast %mul3A_6 : i32 to index
    %get3A_8 = arith.constant 0 : index
    %get3A_9 = vector.load %arg3[%get3A_7, %get3A_8] : memref<256x32xf32, #tpu.memory_space<vmem>>, vector<4x32xf32>
    %slice3A = vector.extract_strided_slice %dot_general3A_5 {offsets = [0, 0], sizes = [32, 2048], strides = [1, 1]} : vector<32x8192xf32> to vector<32x2048xf32>
    %slice3A_10 = vector.extract_strided_slice %dot_general3A_5 {offsets = [0, 2048], sizes = [32, 2048], strides = [1, 1]} : vector<32x8192xf32> to vector<32x2048xf32>
    %slice3A_11 = vector.extract_strided_slice %dot_general3A_5 {offsets = [0, 4096], sizes = [32, 2048], strides = [1, 1]} : vector<32x8192xf32> to vector<32x2048xf32>
    %slice3A_12 = vector.extract_strided_slice %dot_general3A_5 {offsets = [0, 6144], sizes = [32, 2048], strides = [1, 1]} : vector<32x8192xf32> to vector<32x2048xf32>
    %concatenate3A = tpu.concatenate %slice3A, %slice3A_10, %slice3A_11, %slice3A_12 in 0 : vector<32x2048xf32>, vector<32x2048xf32>, vector<32x2048xf32>, vector<32x2048xf32> -> vector<128x2048xf32>
    %slice3A_13 = vector.extract_strided_slice %get3A_9 {offsets = [0, 0], sizes = [1, 32], strides = [1, 1]} : vector<4x32xf32> to vector<1x32xf32>
    %slice3A_14 = vector.extract_strided_slice %get3A_9 {offsets = [1, 0], sizes = [1, 32], strides = [1, 1]} : vector<4x32xf32> to vector<1x32xf32>
    %slice3A_15 = vector.extract_strided_slice %get3A_9 {offsets = [2, 0], sizes = [1, 32], strides = [1, 1]} : vector<4x32xf32> to vector<1x32xf32>
    %slice3A_16 = vector.extract_strided_slice %get3A_9 {offsets = [3, 0], sizes = [1, 32], strides = [1, 1]} : vector<4x32xf32> to vector<1x32xf32>
    %concatenate3A_17 = tpu.concatenate %slice3A_13, %slice3A_14, %slice3A_15, %slice3A_16 in 1 : vector<1x32xf32>, vector<1x32xf32>, vector<1x32xf32>, vector<1x32xf32> -> vector<1x128xf32>
    %transpose3A = tpu.transpose %concatenate3A, [1, 0] : vector<128x2048xf32> -> vector<2048x128xf32>
    %add3A = vector.broadcast %concatenate3A_17 : vector<1x128xf32> to vector<2048x128xf32>
    %add3A_18 = arith.addf %transpose3A, %add3A : vector<2048x128xf32>
    %swap3A = arith.constant 0 : index
    %swap3A_19 = arith.constant 0 : index
    %swap3A_20 = vector.load %arg4[%swap3A, %swap3A_19] : memref<2048x128xf32, #tpu.memory_space<vmem>>, vector<2048x128xf32>
    tpu.vector_store %arg4[%swap3A, %swap3A_19], %add3A_18 {strides = array<i32>} : memref<2048x128xf32, #tpu.memory_space<vmem>>, vector<2048x128xf32>,
    return
  }
  func.func @transform_0(%arg0: i32) -> (i32, i32) {
    %c0_i32 = arith.constant 0 : i32
    %c0_i32_0 = arith.constant 0 : i32
    return %c0_i32, %arg0 : i32, i32
  }
  func.func @transform_1(%arg0: i32) -> (i32, i32) {
    %c0_i32 = arith.constant 0 : i32
    %c0_i32_0 = arith.constant 0 : i32
    %c0_i32_1 = arith.constant 0 : i32
    return %c0_i32, %c0_i32_0 : i32, i32
  }
  func.func @transform_2(%arg0: i32) -> (i32, i32) {
    %c0_i32 = arith.constant 0 : i32
    %c0_i32_0 = arith.constant 0 : i32
    %c0_i32_1 = arith.constant 0 : i32
    return %c0_i32, %c0_i32_0 : i32, i32
  }
  func.func @transform_3(%arg0: i32) -> (i32, i32) {
    %c0_i32 = arith.constant 0 : i32
    %c0_i32_0 = arith.constant 0 : i32
    return %arg0, %c0_i32 : i32, i32
  }
}

module attributes {stable_mosaic.version = 14 : i64} {
  func.func @_finish_body(%arg0: i32, %arg1: memref<2048x128xf32, #tpu.memory_space<vmem>>, %arg2: memref<32x32x256xf32, #tpu.memory_space<vmem>>) attributes {dimension_semantics = [#tpu.dimension_semantics<arbitrary>], iteration_bounds = array<i64: 32>, scalar_prefetch = 0 : i64, scratch_operands = 0 : i64, tpu.core_type = #tpu.core_type<tc>, window_params = [{transform_indices = @transform_0, window_bounds = array<i64: 2048, 128>}, {transform_indices = @transform_1, window_bounds = array<i64: 32, 32, 256>}]} {
    %get3A = arith.constant 0 : index
    %get3A_0 = arith.constant 0 : index
    %get3A_1 = vector.load %arg1[%get3A, %get3A_0] : memref<2048x128xf32, #tpu.memory_space<vmem>>, vector<2048x128xf32>
    %transpose3A = tpu.transpose %get3A_1, [1, 0] : vector<2048x128xf32> -> vector<128x2048xf32>
    %slice3A = vector.extract_strided_slice %transpose3A {offsets = [0, 0], sizes = [32, 256], strides = [1, 1]} : vector<128x2048xf32> to vector<32x256xf32>
    %swap3A = arith.constant 0 : index
    %swap3A_2 = arith.constant 0 : index
    %swap3A_3 = arith.constant 0 : index
    %swap3A_4 = vector.load %arg2[%swap3A, %swap3A_2, %swap3A_3] : memref<32x32x256xf32, #tpu.memory_space<vmem>>, vector<1x32x256xf32>
    %swap3A_5 = vector.shape_cast %swap3A_4 : vector<1x32x256xf32> to vector<32x256xf32>
    %swap3A_6 = vector.shape_cast %slice3A : vector<32x256xf32> to vector<1x32x256xf32>
    tpu.vector_store %arg2[%swap3A, %swap3A_2, %swap3A_3], %swap3A_6 {strides = array<i32>} : memref<32x32x256xf32, #tpu.memory_space<vmem>>, vector<1x32x256xf32>,
    %slice3A_7 = vector.extract_strided_slice %transpose3A {offsets = [0, 256], sizes = [32, 256], strides = [1, 1]} : vector<128x2048xf32> to vector<32x256xf32>
    %swap3A_8 = arith.constant 1 : index
    %swap3A_9 = arith.constant 0 : index
    %swap3A_10 = arith.constant 0 : index
    %swap3A_11 = vector.load %arg2[%swap3A_8, %swap3A_9, %swap3A_10] : memref<32x32x256xf32, #tpu.memory_space<vmem>>, vector<1x32x256xf32>
    %swap3A_12 = vector.shape_cast %swap3A_11 : vector<1x32x256xf32> to vector<32x256xf32>
    %swap3A_13 = vector.shape_cast %slice3A_7 : vector<32x256xf32> to vector<1x32x256xf32>
    tpu.vector_store %arg2[%swap3A_8, %swap3A_9, %swap3A_10], %swap3A_13 {strides = array<i32>} : memref<32x32x256xf32, #tpu.memory_space<vmem>>, vector<1x32x256xf32>,
    %slice3A_14 = vector.extract_strided_slice %transpose3A {offsets = [0, 512], sizes = [32, 256], strides = [1, 1]} : vector<128x2048xf32> to vector<32x256xf32>
    %swap3A_15 = arith.constant 2 : index
    %swap3A_16 = arith.constant 0 : index
    %swap3A_17 = arith.constant 0 : index
    %swap3A_18 = vector.load %arg2[%swap3A_15, %swap3A_16, %swap3A_17] : memref<32x32x256xf32, #tpu.memory_space<vmem>>, vector<1x32x256xf32>
    %swap3A_19 = vector.shape_cast %swap3A_18 : vector<1x32x256xf32> to vector<32x256xf32>
    %swap3A_20 = vector.shape_cast %slice3A_14 : vector<32x256xf32> to vector<1x32x256xf32>
    tpu.vector_store %arg2[%swap3A_15, %swap3A_16, %swap3A_17], %swap3A_20 {strides = array<i32>} : memref<32x32x256xf32, #tpu.memory_space<vmem>>, vector<1x32x256xf32>,
    %slice3A_21 = vector.extract_strided_slice %transpose3A {offsets = [0, 768], sizes = [32, 256], strides = [1, 1]} : vector<128x2048xf32> to vector<32x256xf32>
    %swap3A_22 = arith.constant 3 : index
    %swap3A_23 = arith.constant 0 : index
    %swap3A_24 = arith.constant 0 : index
    %swap3A_25 = vector.load %arg2[%swap3A_22, %swap3A_23, %swap3A_24] : memref<32x32x256xf32, #tpu.memory_space<vmem>>, vector<1x32x256xf32>
    %swap3A_26 = vector.shape_cast %swap3A_25 : vector<1x32x256xf32> to vector<32x256xf32>
    %swap3A_27 = vector.shape_cast %slice3A_21 : vector<32x256xf32> to vector<1x32x256xf32>
    tpu.vector_store %arg2[%swap3A_22, %swap3A_23, %swap3A_24], %swap3A_27 {strides = array<i32>} : memref<32x32x256xf32, #tpu.memory_space<vmem>>, vector<1x32x256xf32>,
    %slice3A_28 = vector.extract_strided_slice %transpose3A {offsets = [0, 1024], sizes = [32, 256], strides = [1, 1]} : vector<128x2048xf32> to vector<32x256xf32>
    %swap3A_29 = arith.constant 4 : index
    %swap3A_30 = arith.constant 0 : index
    %swap3A_31 = arith.constant 0 : index
    %swap3A_32 = vector.load %arg2[%swap3A_29, %swap3A_30, %swap3A_31] : memref<32x32x256xf32, #tpu.memory_space<vmem>>, vector<1x32x256xf32>
    %swap3A_33 = vector.shape_cast %swap3A_32 : vector<1x32x256xf32> to vector<32x256xf32>
    %swap3A_34 = vector.shape_cast %slice3A_28 : vector<32x256xf32> to vector<1x32x256xf32>
    tpu.vector_store %arg2[%swap3A_29, %swap3A_30, %swap3A_31], %swap3A_34 {strides = array<i32>} : memref<32x32x256xf32, #tpu.memory_space<vmem>>, vector<1x32x256xf32>,
    %slice3A_35 = vector.extract_strided_slice %transpose3A {offsets = [0, 1280], sizes = [32, 256], strides = [1, 1]} : vector<128x2048xf32> to vector<32x256xf32>
    %swap3A_36 = arith.constant 5 : index
    %swap3A_37 = arith.constant 0 : index
    %swap3A_38 = arith.constant 0 : index
    %swap3A_39 = vector.load %arg2[%swap3A_36, %swap3A_37, %swap3A_38] : memref<32x32x256xf32, #tpu.memory_space<vmem>>, vector<1x32x256xf32>
    %swap3A_40 = vector.shape_cast %swap3A_39 : vector<1x32x256xf32> to vector<32x256xf32>
    %swap3A_41 = vector.shape_cast %slice3A_35 : vector<32x256xf32> to vector<1x32x256xf32>
    tpu.vector_store %arg2[%swap3A_36, %swap3A_37, %swap3A_38], %swap3A_41 {strides = array<i32>} : memref<32x32x256xf32, #tpu.memory_space<vmem>>, vector<1x32x256xf32>,
    %slice3A_42 = vector.extract_strided_slice %transpose3A {offsets = [0, 1536], sizes = [32, 256], strides = [1, 1]} : vector<128x2048xf32> to vector<32x256xf32>
    %swap3A_43 = arith.constant 6 : index
    %swap3A_44 = arith.constant 0 : index
    %swap3A_45 = arith.constant 0 : index
    %swap3A_46 = vector.load %arg2[%swap3A_43, %swap3A_44, %swap3A_45] : memref<32x32x256xf32, #tpu.memory_space<vmem>>, vector<1x32x256xf32>
    %swap3A_47 = vector.shape_cast %swap3A_46 : vector<1x32x256xf32> to vector<32x256xf32>
    %swap3A_48 = vector.shape_cast %slice3A_42 : vector<32x256xf32> to vector<1x32x256xf32>
    tpu.vector_store %arg2[%swap3A_43, %swap3A_44, %swap3A_45], %swap3A_48 {strides = array<i32>} : memref<32x32x256xf32, #tpu.memory_space<vmem>>, vector<1x32x256xf32>,
    %slice3A_49 = vector.extract_strided_slice %transpose3A {offsets = [0, 1792], sizes = [32, 256], strides = [1, 1]} : vector<128x2048xf32> to vector<32x256xf32>
    %swap3A_50 = arith.constant 7 : index
    %swap3A_51 = arith.constant 0 : index
    %swap3A_52 = arith.constant 0 : index
    %swap3A_53 = vector.load %arg2[%swap3A_50, %swap3A_51, %swap3A_52] : memref<32x32x256xf32, #tpu.memory_space<vmem>>, vector<1x32x256xf32>
    %swap3A_54 = vector.shape_cast %swap3A_53 : vector<1x32x256xf32> to vector<32x256xf32>
    %swap3A_55 = vector.shape_cast %slice3A_49 : vector<32x256xf32> to vector<1x32x256xf32>
    tpu.vector_store %arg2[%swap3A_50, %swap3A_51, %swap3A_52], %swap3A_55 {strides = array<i32>} : memref<32x32x256xf32, #tpu.memory_space<vmem>>, vector<1x32x256xf32>,
    %slice3A_56 = vector.extract_strided_slice %transpose3A {offsets = [32, 0], sizes = [32, 256], strides = [1, 1]} : vector<128x2048xf32> to vector<32x256xf32>
    %swap3A_57 = arith.constant 8 : index
    %swap3A_58 = arith.constant 0 : index
    %swap3A_59 = arith.constant 0 : index
    %swap3A_60 = vector.load %arg2[%swap3A_57, %swap3A_58, %swap3A_59] : memref<32x32x256xf32, #tpu.memory_space<vmem>>, vector<1x32x256xf32>
    %swap3A_61 = vector.shape_cast %swap3A_60 : vector<1x32x256xf32> to vector<32x256xf32>
    %swap3A_62 = vector.shape_cast %slice3A_56 : vector<32x256xf32> to vector<1x32x256xf32>
    tpu.vector_store %arg2[%swap3A_57, %swap3A_58, %swap3A_59], %swap3A_62 {strides = array<i32>} : memref<32x32x256xf32, #tpu.memory_space<vmem>>, vector<1x32x256xf32>,
    %slice3A_63 = vector.extract_strided_slice %transpose3A {offsets = [32, 256], sizes = [32, 256], strides = [1, 1]} : vector<128x2048xf32> to vector<32x256xf32>
    %swap3A_64 = arith.constant 9 : index
    %swap3A_65 = arith.constant 0 : index
    %swap3A_66 = arith.constant 0 : index
    %swap3A_67 = vector.load %arg2[%swap3A_64, %swap3A_65, %swap3A_66] : memref<32x32x256xf32, #tpu.memory_space<vmem>>, vector<1x32x256xf32>
    %swap3A_68 = vector.shape_cast %swap3A_67 : vector<1x32x256xf32> to vector<32x256xf32>
    %swap3A_69 = vector.shape_cast %slice3A_63 : vector<32x256xf32> to vector<1x32x256xf32>
    tpu.vector_store %arg2[%swap3A_64, %swap3A_65, %swap3A_66], %swap3A_69 {strides = array<i32>} : memref<32x32x256xf32, #tpu.memory_space<vmem>>, vector<1x32x256xf32>,
    %slice3A_70 = vector.extract_strided_slice %transpose3A {offsets = [32, 512], sizes = [32, 256], strides = [1, 1]} : vector<128x2048xf32> to vector<32x256xf32>
    %swap3A_71 = arith.constant 10 : index
    %swap3A_72 = arith.constant 0 : index
    %swap3A_73 = arith.constant 0 : index
    %swap3A_74 = vector.load %arg2[%swap3A_71, %swap3A_72, %swap3A_73] : memref<32x32x256xf32, #tpu.memory_space<vmem>>, vector<1x32x256xf32>
    %swap3A_75 = vector.shape_cast %swap3A_74 : vector<1x32x256xf32> to vector<32x256xf32>
    %swap3A_76 = vector.shape_cast %slice3A_70 : vector<32x256xf32> to vector<1x32x256xf32>
    tpu.vector_store %arg2[%swap3A_71, %swap3A_72, %swap3A_73], %swap3A_76 {strides = array<i32>} : memref<32x32x256xf32, #tpu.memory_space<vmem>>, vector<1x32x256xf32>,
    %slice3A_77 = vector.extract_strided_slice %transpose3A {offsets = [32, 768], sizes = [32, 256], strides = [1, 1]} : vector<128x2048xf32> to vector<32x256xf32>
    %swap3A_78 = arith.constant 11 : index
    %swap3A_79 = arith.constant 0 : index
    %swap3A_80 = arith.constant 0 : index
    %swap3A_81 = vector.load %arg2[%swap3A_78, %swap3A_79, %swap3A_80] : memref<32x32x256xf32, #tpu.memory_space<vmem>>, vector<1x32x256xf32>
    %swap3A_82 = vector.shape_cast %swap3A_81 : vector<1x32x256xf32> to vector<32x256xf32>
    %swap3A_83 = vector.shape_cast %slice3A_77 : vector<32x256xf32> to vector<1x32x256xf32>
    tpu.vector_store %arg2[%swap3A_78, %swap3A_79, %swap3A_80], %swap3A_83 {strides = array<i32>} : memref<32x32x256xf32, #tpu.memory_space<vmem>>, vector<1x32x256xf32>,
    %slice3A_84 = vector.extract_strided_slice %transpose3A {offsets = [32, 1024], sizes = [32, 256], strides = [1, 1]} : vector<128x2048xf32> to vector<32x256xf32>
    %swap3A_85 = arith.constant 12 : index
    %swap3A_86 = arith.constant 0 : index
    %swap3A_87 = arith.constant 0 : index
    %swap3A_88 = vector.load %arg2[%swap3A_85, %swap3A_86, %swap3A_87] : memref<32x32x256xf32, #tpu.memory_space<vmem>>, vector<1x32x256xf32>
    %swap3A_89 = vector.shape_cast %swap3A_88 : vector<1x32x256xf32> to vector<32x256xf32>
    %swap3A_90 = vector.shape_cast %slice3A_84 : vector<32x256xf32> to vector<1x32x256xf32>
    tpu.vector_store %arg2[%swap3A_85, %swap3A_86, %swap3A_87], %swap3A_90 {strides = array<i32>} : memref<32x32x256xf32, #tpu.memory_space<vmem>>, vector<1x32x256xf32>,
    %slice3A_91 = vector.extract_strided_slice %transpose3A {offsets = [32, 1280], sizes = [32, 256], strides = [1, 1]} : vector<128x2048xf32> to vector<32x256xf32>
    %swap3A_92 = arith.constant 13 : index
    %swap3A_93 = arith.constant 0 : index
    %swap3A_94 = arith.constant 0 : index
    %swap3A_95 = vector.load %arg2[%swap3A_92, %swap3A_93, %swap3A_94] : memref<32x32x256xf32, #tpu.memory_space<vmem>>, vector<1x32x256xf32>
    %swap3A_96 = vector.shape_cast %swap3A_95 : vector<1x32x256xf32> to vector<32x256xf32>
    %swap3A_97 = vector.shape_cast %slice3A_91 : vector<32x256xf32> to vector<1x32x256xf32>
    tpu.vector_store %arg2[%swap3A_92, %swap3A_93, %swap3A_94], %swap3A_97 {strides = array<i32>} : memref<32x32x256xf32, #tpu.memory_space<vmem>>, vector<1x32x256xf32>,
    %slice3A_98 = vector.extract_strided_slice %transpose3A {offsets = [32, 1536], sizes = [32, 256], strides = [1, 1]} : vector<128x2048xf32> to vector<32x256xf32>
    %swap3A_99 = arith.constant 14 : index
    %swap3A_100 = arith.constant 0 : index
    %swap3A_101 = arith.constant 0 : index
    %swap3A_102 = vector.load %arg2[%swap3A_99, %swap3A_100, %swap3A_101] : memref<32x32x256xf32, #tpu.memory_space<vmem>>, vector<1x32x256xf32>
    %swap3A_103 = vector.shape_cast %swap3A_102 : vector<1x32x256xf32> to vector<32x256xf32>
    %swap3A_104 = vector.shape_cast %slice3A_98 : vector<32x256xf32> to vector<1x32x256xf32>
    tpu.vector_store %arg2[%swap3A_99, %swap3A_100, %swap3A_101], %swap3A_104 {strides = array<i32>} : memref<32x32x256xf32, #tpu.memory_space<vmem>>, vector<1x32x256xf32>,
    %slice3A_105 = vector.extract_strided_slice %transpose3A {offsets = [32, 1792], sizes = [32, 256], strides = [1, 1]} : vector<128x2048xf32> to vector<32x256xf32>
    %swap3A_106 = arith.constant 15 : index
    %swap3A_107 = arith.constant 0 : index
    %swap3A_108 = arith.constant 0 : index
    %swap3A_109 = vector.load %arg2[%swap3A_106, %swap3A_107, %swap3A_108] : memref<32x32x256xf32, #tpu.memory_space<vmem>>, vector<1x32x256xf32>
    %swap3A_110 = vector.shape_cast %swap3A_109 : vector<1x32x256xf32> to vector<32x256xf32>
    %swap3A_111 = vector.shape_cast %slice3A_105 : vector<32x256xf32> to vector<1x32x256xf32>
    tpu.vector_store %arg2[%swap3A_106, %swap3A_107, %swap3A_108], %swap3A_111 {strides = array<i32>} : memref<32x32x256xf32, #tpu.memory_space<vmem>>, vector<1x32x256xf32>,
    %slice3A_112 = vector.extract_strided_slice %transpose3A {offsets = [64, 0], sizes = [32, 256], strides = [1, 1]} : vector<128x2048xf32> to vector<32x256xf32>
    %swap3A_113 = arith.constant 16 : index
    %swap3A_114 = arith.constant 0 : index
    %swap3A_115 = arith.constant 0 : index
    %swap3A_116 = vector.load %arg2[%swap3A_113, %swap3A_114, %swap3A_115] : memref<32x32x256xf32, #tpu.memory_space<vmem>>, vector<1x32x256xf32>
    %swap3A_117 = vector.shape_cast %swap3A_116 : vector<1x32x256xf32> to vector<32x256xf32>
    %swap3A_118 = vector.shape_cast %slice3A_112 : vector<32x256xf32> to vector<1x32x256xf32>
    tpu.vector_store %arg2[%swap3A_113, %swap3A_114, %swap3A_115], %swap3A_118 {strides = array<i32>} : memref<32x32x256xf32, #tpu.memory_space<vmem>>, vector<1x32x256xf32>,
    %slice3A_119 = vector.extract_strided_slice %transpose3A {offsets = [64, 256], sizes = [32, 256], strides = [1, 1]} : vector<128x2048xf32> to vector<32x256xf32>
    %swap3A_120 = arith.constant 17 : index
    %swap3A_121 = arith.constant 0 : index
    %swap3A_122 = arith.constant 0 : index
    %swap3A_123 = vector.load %arg2[%swap3A_120, %swap3A_121, %swap3A_122] : memref<32x32x256xf32, #tpu.memory_space<vmem>>, vector<1x32x256xf32>
    %swap3A_124 = vector.shape_cast %swap3A_123 : vector<1x32x256xf32> to vector<32x256xf32>
    %swap3A_125 = vector.shape_cast %slice3A_119 : vector<32x256xf32> to vector<1x32x256xf32>
    tpu.vector_store %arg2[%swap3A_120, %swap3A_121, %swap3A_122], %swap3A_125 {strides = array<i32>} : memref<32x32x256xf32, #tpu.memory_space<vmem>>, vector<1x32x256xf32>,
    %slice3A_126 = vector.extract_strided_slice %transpose3A {offsets = [64, 512], sizes = [32, 256], strides = [1, 1]} : vector<128x2048xf32> to vector<32x256xf32>
    %swap3A_127 = arith.constant 18 : index
    %swap3A_128 = arith.constant 0 : index
    %swap3A_129 = arith.constant 0 : index
    %swap3A_130 = vector.load %arg2[%swap3A_127, %swap3A_128, %swap3A_129] : memref<32x32x256xf32, #tpu.memory_space<vmem>>, vector<1x32x256xf32>
    %swap3A_131 = vector.shape_cast %swap3A_130 : vector<1x32x256xf32> to vector<32x256xf32>
    %swap3A_132 = vector.shape_cast %slice3A_126 : vector<32x256xf32> to vector<1x32x256xf32>
    tpu.vector_store %arg2[%swap3A_127, %swap3A_128, %swap3A_129], %swap3A_132 {strides = array<i32>} : memref<32x32x256xf32, #tpu.memory_space<vmem>>, vector<1x32x256xf32>,
    %slice3A_133 = vector.extract_strided_slice %transpose3A {offsets = [64, 768], sizes = [32, 256], strides = [1, 1]} : vector<128x2048xf32> to vector<32x256xf32>
    %swap3A_134 = arith.constant 19 : index
    %swap3A_135 = arith.constant 0 : index
    %swap3A_136 = arith.constant 0 : index
    %swap3A_137 = vector.load %arg2[%swap3A_134, %swap3A_135, %swap3A_136] : memref<32x32x256xf32, #tpu.memory_space<vmem>>, vector<1x32x256xf32>
    %swap3A_138 = vector.shape_cast %swap3A_137 : vector<1x32x256xf32> to vector<32x256xf32>
    %swap3A_139 = vector.shape_cast %slice3A_133 : vector<32x256xf32> to vector<1x32x256xf32>
    tpu.vector_store %arg2[%swap3A_134, %swap3A_135, %swap3A_136], %swap3A_139 {strides = array<i32>} : memref<32x32x256xf32, #tpu.memory_space<vmem>>, vector<1x32x256xf32>,
    %slice3A_140 = vector.extract_strided_slice %transpose3A {offsets = [64, 1024], sizes = [32, 256], strides = [1, 1]} : vector<128x2048xf32> to vector<32x256xf32>
    %swap3A_141 = arith.constant 20 : index
    %swap3A_142 = arith.constant 0 : index
    %swap3A_143 = arith.constant 0 : index
    %swap3A_144 = vector.load %arg2[%swap3A_141, %swap3A_142, %swap3A_143] : memref<32x32x256xf32, #tpu.memory_space<vmem>>, vector<1x32x256xf32>
    %swap3A_145 = vector.shape_cast %swap3A_144 : vector<1x32x256xf32> to vector<32x256xf32>
    %swap3A_146 = vector.shape_cast %slice3A_140 : vector<32x256xf32> to vector<1x32x256xf32>
    tpu.vector_store %arg2[%swap3A_141, %swap3A_142, %swap3A_143], %swap3A_146 {strides = array<i32>} : memref<32x32x256xf32, #tpu.memory_space<vmem>>, vector<1x32x256xf32>,
    %slice3A_147 = vector.extract_strided_slice %transpose3A {offsets = [64, 1280], sizes = [32, 256], strides = [1, 1]} : vector<128x2048xf32> to vector<32x256xf32>
    %swap3A_148 = arith.constant 21 : index
    %swap3A_149 = arith.constant 0 : index
    %swap3A_150 = arith.constant 0 : index
    %swap3A_151 = vector.load %arg2[%swap3A_148, %swap3A_149, %swap3A_150] : memref<32x32x256xf32, #tpu.memory_space<vmem>>, vector<1x32x256xf32>
    %swap3A_152 = vector.shape_cast %swap3A_151 : vector<1x32x256xf32> to vector<32x256xf32>
    %swap3A_153 = vector.shape_cast %slice3A_147 : vector<32x256xf32> to vector<1x32x256xf32>
    tpu.vector_store %arg2[%swap3A_148, %swap3A_149, %swap3A_150], %swap3A_153 {strides = array<i32>} : memref<32x32x256xf32, #tpu.memory_space<vmem>>, vector<1x32x256xf32>,
    %slice3A_154 = vector.extract_strided_slice %transpose3A {offsets = [64, 1536], sizes = [32, 256], strides = [1, 1]} : vector<128x2048xf32> to vector<32x256xf32>
    %swap3A_155 = arith.constant 22 : index
    %swap3A_156 = arith.constant 0 : index
    %swap3A_157 = arith.constant 0 : index
    %swap3A_158 = vector.load %arg2[%swap3A_155, %swap3A_156, %swap3A_157] : memref<32x32x256xf32, #tpu.memory_space<vmem>>, vector<1x32x256xf32>
    %swap3A_159 = vector.shape_cast %swap3A_158 : vector<1x32x256xf32> to vector<32x256xf32>
    %swap3A_160 = vector.shape_cast %slice3A_154 : vector<32x256xf32> to vector<1x32x256xf32>
    tpu.vector_store %arg2[%swap3A_155, %swap3A_156, %swap3A_157], %swap3A_160 {strides = array<i32>} : memref<32x32x256xf32, #tpu.memory_space<vmem>>, vector<1x32x256xf32>,
    %slice3A_161 = vector.extract_strided_slice %transpose3A {offsets = [64, 1792], sizes = [32, 256], strides = [1, 1]} : vector<128x2048xf32> to vector<32x256xf32>
    %swap3A_162 = arith.constant 23 : index
    %swap3A_163 = arith.constant 0 : index
    %swap3A_164 = arith.constant 0 : index
    %swap3A_165 = vector.load %arg2[%swap3A_162, %swap3A_163, %swap3A_164] : memref<32x32x256xf32, #tpu.memory_space<vmem>>, vector<1x32x256xf32>
    %swap3A_166 = vector.shape_cast %swap3A_165 : vector<1x32x256xf32> to vector<32x256xf32>
    %swap3A_167 = vector.shape_cast %slice3A_161 : vector<32x256xf32> to vector<1x32x256xf32>
    tpu.vector_store %arg2[%swap3A_162, %swap3A_163, %swap3A_164], %swap3A_167 {strides = array<i32>} : memref<32x32x256xf32, #tpu.memory_space<vmem>>, vector<1x32x256xf32>,
    %slice3A_168 = vector.extract_strided_slice %transpose3A {offsets = [96, 0], sizes = [32, 256], strides = [1, 1]} : vector<128x2048xf32> to vector<32x256xf32>
    %swap3A_169 = arith.constant 24 : index
    %swap3A_170 = arith.constant 0 : index
    %swap3A_171 = arith.constant 0 : index
    %swap3A_172 = vector.load %arg2[%swap3A_169, %swap3A_170, %swap3A_171] : memref<32x32x256xf32, #tpu.memory_space<vmem>>, vector<1x32x256xf32>
    %swap3A_173 = vector.shape_cast %swap3A_172 : vector<1x32x256xf32> to vector<32x256xf32>
    %swap3A_174 = vector.shape_cast %slice3A_168 : vector<32x256xf32> to vector<1x32x256xf32>
    tpu.vector_store %arg2[%swap3A_169, %swap3A_170, %swap3A_171], %swap3A_174 {strides = array<i32>} : memref<32x32x256xf32, #tpu.memory_space<vmem>>, vector<1x32x256xf32>,
    %slice3A_175 = vector.extract_strided_slice %transpose3A {offsets = [96, 256], sizes = [32, 256], strides = [1, 1]} : vector<128x2048xf32> to vector<32x256xf32>
    %swap3A_176 = arith.constant 25 : index
    %swap3A_177 = arith.constant 0 : index
    %swap3A_178 = arith.constant 0 : index
    %swap3A_179 = vector.load %arg2[%swap3A_176, %swap3A_177, %swap3A_178] : memref<32x32x256xf32, #tpu.memory_space<vmem>>, vector<1x32x256xf32>
    %swap3A_180 = vector.shape_cast %swap3A_179 : vector<1x32x256xf32> to vector<32x256xf32>
    %swap3A_181 = vector.shape_cast %slice3A_175 : vector<32x256xf32> to vector<1x32x256xf32>
    tpu.vector_store %arg2[%swap3A_176, %swap3A_177, %swap3A_178], %swap3A_181 {strides = array<i32>} : memref<32x32x256xf32, #tpu.memory_space<vmem>>, vector<1x32x256xf32>,
    %slice3A_182 = vector.extract_strided_slice %transpose3A {offsets = [96, 512], sizes = [32, 256], strides = [1, 1]} : vector<128x2048xf32> to vector<32x256xf32>
    %swap3A_183 = arith.constant 26 : index
    %swap3A_184 = arith.constant 0 : index
    %swap3A_185 = arith.constant 0 : index
    %swap3A_186 = vector.load %arg2[%swap3A_183, %swap3A_184, %swap3A_185] : memref<32x32x256xf32, #tpu.memory_space<vmem>>, vector<1x32x256xf32>
    %swap3A_187 = vector.shape_cast %swap3A_186 : vector<1x32x256xf32> to vector<32x256xf32>
    %swap3A_188 = vector.shape_cast %slice3A_182 : vector<32x256xf32> to vector<1x32x256xf32>
    tpu.vector_store %arg2[%swap3A_183, %swap3A_184, %swap3A_185], %swap3A_188 {strides = array<i32>} : memref<32x32x256xf32, #tpu.memory_space<vmem>>, vector<1x32x256xf32>,
    %slice3A_189 = vector.extract_strided_slice %transpose3A {offsets = [96, 768], sizes = [32, 256], strides = [1, 1]} : vector<128x2048xf32> to vector<32x256xf32>
    %swap3A_190 = arith.constant 27 : index
    %swap3A_191 = arith.constant 0 : index
    %swap3A_192 = arith.constant 0 : index
    %swap3A_193 = vector.load %arg2[%swap3A_190, %swap3A_191, %swap3A_192] : memref<32x32x256xf32, #tpu.memory_space<vmem>>, vector<1x32x256xf32>
    %swap3A_194 = vector.shape_cast %swap3A_193 : vector<1x32x256xf32> to vector<32x256xf32>
    %swap3A_195 = vector.shape_cast %slice3A_189 : vector<32x256xf32> to vector<1x32x256xf32>
    tpu.vector_store %arg2[%swap3A_190, %swap3A_191, %swap3A_192], %swap3A_195 {strides = array<i32>} : memref<32x32x256xf32, #tpu.memory_space<vmem>>, vector<1x32x256xf32>,
    %slice3A_196 = vector.extract_strided_slice %transpose3A {offsets = [96, 1024], sizes = [32, 256], strides = [1, 1]} : vector<128x2048xf32> to vector<32x256xf32>
    %swap3A_197 = arith.constant 28 : index
    %swap3A_198 = arith.constant 0 : index
    %swap3A_199 = arith.constant 0 : index
    %swap3A_200 = vector.load %arg2[%swap3A_197, %swap3A_198, %swap3A_199] : memref<32x32x256xf32, #tpu.memory_space<vmem>>, vector<1x32x256xf32>
    %swap3A_201 = vector.shape_cast %swap3A_200 : vector<1x32x256xf32> to vector<32x256xf32>
    %swap3A_202 = vector.shape_cast %slice3A_196 : vector<32x256xf32> to vector<1x32x256xf32>
    tpu.vector_store %arg2[%swap3A_197, %swap3A_198, %swap3A_199], %swap3A_202 {strides = array<i32>} : memref<32x32x256xf32, #tpu.memory_space<vmem>>, vector<1x32x256xf32>,
    %slice3A_203 = vector.extract_strided_slice %transpose3A {offsets = [96, 1280], sizes = [32, 256], strides = [1, 1]} : vector<128x2048xf32> to vector<32x256xf32>
    %swap3A_204 = arith.constant 29 : index
    %swap3A_205 = arith.constant 0 : index
    %swap3A_206 = arith.constant 0 : index
    %swap3A_207 = vector.load %arg2[%swap3A_204, %swap3A_205, %swap3A_206] : memref<32x32x256xf32, #tpu.memory_space<vmem>>, vector<1x32x256xf32>
    %swap3A_208 = vector.shape_cast %swap3A_207 : vector<1x32x256xf32> to vector<32x256xf32>
    %swap3A_209 = vector.shape_cast %slice3A_203 : vector<32x256xf32> to vector<1x32x256xf32>
    tpu.vector_store %arg2[%swap3A_204, %swap3A_205, %swap3A_206], %swap3A_209 {strides = array<i32>} : memref<32x32x256xf32, #tpu.memory_space<vmem>>, vector<1x32x256xf32>,
    %slice3A_210 = vector.extract_strided_slice %transpose3A {offsets = [96, 1536], sizes = [32, 256], strides = [1, 1]} : vector<128x2048xf32> to vector<32x256xf32>
    %swap3A_211 = arith.constant 30 : index
    %swap3A_212 = arith.constant 0 : index
    %swap3A_213 = arith.constant 0 : index
    %swap3A_214 = vector.load %arg2[%swap3A_211, %swap3A_212, %swap3A_213] : memref<32x32x256xf32, #tpu.memory_space<vmem>>, vector<1x32x256xf32>
    %swap3A_215 = vector.shape_cast %swap3A_214 : vector<1x32x256xf32> to vector<32x256xf32>
    %swap3A_216 = vector.shape_cast %slice3A_210 : vector<32x256xf32> to vector<1x32x256xf32>
    tpu.vector_store %arg2[%swap3A_211, %swap3A_212, %swap3A_213], %swap3A_216 {strides = array<i32>} : memref<32x32x256xf32, #tpu.memory_space<vmem>>, vector<1x32x256xf32>,
    %slice3A_217 = vector.extract_strided_slice %transpose3A {offsets = [96, 1792], sizes = [32, 256], strides = [1, 1]} : vector<128x2048xf32> to vector<32x256xf32>
    %swap3A_218 = arith.constant 31 : index
    %swap3A_219 = arith.constant 0 : index
    %swap3A_220 = arith.constant 0 : index
    %swap3A_221 = vector.load %arg2[%swap3A_218, %swap3A_219, %swap3A_220] : memref<32x32x256xf32, #tpu.memory_space<vmem>>, vector<1x32x256xf32>
    %swap3A_222 = vector.shape_cast %swap3A_221 : vector<1x32x256xf32> to vector<32x256xf32>
    %swap3A_223 = vector.shape_cast %slice3A_217 : vector<32x256xf32> to vector<1x32x256xf32>
    tpu.vector_store %arg2[%swap3A_218, %swap3A_219, %swap3A_220], %swap3A_223 {strides = array<i32>} : memref<32x32x256xf32, #tpu.memory_space<vmem>>, vector<1x32x256xf32>,
    return
  }
  func.func @transform_0(%arg0: i32) -> (i32, i32) {
    %c0_i32 = arith.constant 0 : i32
    %c0_i32_0 = arith.constant 0 : i32
    return %arg0, %c0_i32 : i32, i32
  }
  func.func @transform_1(%arg0: i32) -> (i32, i32, i32) {
    %c0_i32 = arith.constant 0 : i32
    %c0_i32_0 = arith.constant 0 : i32
    %c0_i32_1 = arith.constant 0 : i32
    return %arg0, %c0_i32, %c0_i32_0 : i32, i32, i32
  }
}

</mosaic_0001>

<sc_bundles>
// kernel: kernel.5.cloned.1.call-start
scs
__scs_entry_jumppad:
0x0: {  	(pc) =	sbr.rel $0x88, $3  }
0x1: {  	(tag) =	ssettag $0x0;
	lr =	simm.s32 $0x1  }
0x2: {  	[smem:$0x3F9C] =	sst lr;
	_ =	strace $0xD0000000  }
0x3: {  	_ = 	snop  }
0x4: {  	_ = 	snop  }
0x5: {  	_ = 	snop  }
0x6: {  	_ = 	snop  }
0x7: {  	_ = 	snop  }
__scs_overlays_trampoline_lowered:
0x8: {  	[smem:$0x3FAB] =	sst s0  }
0x9: {  	[smem:$0x3FAC] =	sst s1  }
0xa: {  	[smem:$0x3FAD] =	sst s2  }
0xb: {  	[smem:$0x3FAE] =	sst s3  }
0xc: {  	[smem:$0x3FAF] =	sst s4  }
0xd: {  	[smem:$0x3FB0] =	sst s5  }
0xe: {  	[smem:$0x3FB1] =	sst s6  }
0xf: {  	[smem:$0x3FB2] =	sst s7  }
0x10: {  	[smem:$0x3FB3] =	sst s8  }
0x11: {  	[smem:$0x3FB4] =	sst s9;
	s0 =	simm.s32 @!p0 $0x0  }
0x12: {  	s1 =	sld [smem:$0x3F9A];
	s0 =	simm.s32 @p0 $0x1  }
0x13: {  	[smem:$0x3FB5] =	sst s0;
	s0 =	simm.s32 @!p1 $0x0  }
0x14: {  	s2 =	sld [smem:$0x3F99];
	s0 =	simm.s32 @p1 $0x1  }
0x15: {  	[smem:$0x3FB6] =	sst s0;
	s0 =	simm.s32 @!p2 $0x0  }
0x16: {  	s3 =	sld [smem:$0x3FDB];
	s0 =	simm.s32 @p2 $0x1  }
0x17: {  	s4 =	simm.s32 $0x1BF5;
	[smem:$0x3FB8] =	sst s0  }
0x18: {  	s0 =	sld [smem:$0x3F9B];
	_ =	swait.ge [sflag:s4], $0x0  }
0x19: {  	s7 =	sld [smem:$0x3F9C]  }
0x1a: {  	s8 =	sadd.s32 $0xFFFFE003, lr  }
0x1b: {  	s9 =	sadd.s32 $0xFFFFFEF7, lr;
	s5 =	simm.s32 $0xFFFFFFFF;
	p2 =	slt.u32 s8, $0xFFFFF086  }
0x1c: {  	p1 =	slt.u32 s9, $0xF7A;
	s5 =	simm.s32 @!p2 $0x0  }
0x1d: {  	s5 =	simm.s32 @p1 $0x1;
	p0 =	seq.s32 s7, s2  }
0x1e: {  	s7 =	smul.u32 @!p0 $0xF7A, s2;
	p2 =	seq.s32 @!p0 s5, $0x0  }
0x1f: {  	s9 =	smul.u32 $0xF7A, s1;
	s8 =	simm.s32 @!p0 $0x1BF5;
	p2 =	por !p2, p0  }
0x20: {  	[sflag:s8] =	ssyncset.s32 @!p0 $0xFFFFF086;
	s6 =	sadd.s32 @!p0 s3, s7;
	s7 =	simm.s32 @!p0 $0x108  }
0x21: {  	s3 =	sadd.s32 s3, s9;
	s6 =	sadd.s32 @!p0 $0x88, s6;
	s7 =	simm.s32 @p2 $0x1082  }
0x22: {  	[simem:s7], [sflag:s8] =	dma.local @!p0 [hbm:s6], $0xF7A  }
0x23: {  	s9 =	sor.u32 $0xD0000000, s2;
	s6 =	simm.s32 $0x108;
	_ =	swait.ge @!p0 [sflag:s8], $0x0  }
0x24: {  	s3 =	sadd.s32 $0x88, s3;
	s6 =	simm.s32 @!p1 $0x1082;
	[sflag:s4] =	ssyncset.s32 $0xFFFFF086  }
0x25: {  	[simem:s6], [sflag:s4] =	dma.local [hbm:s3], $0xF7A  }
0x26: {  	[smem:$0x3F9C] =	sst s1;
	(tag) =	ssettag s2;
	_ =	strace s9  }
0x27: {  	s1 =	sld [smem:$0x3FAC]  }
0x28: {  	s2 =	sld [smem:$0x3FAD]  }
0x29: {  	s4 =	sld [smem:$0x3FAF]  }
0x2a: {  	p0 =	seq.s32 s5, $0x0;
	s5 =	sld [smem:$0x3FB0]  }
0x2b: {  	s6 =	sld [smem:$0x3FB1]  }
0x2c: {  	s7 =	sld [smem:$0x3FB2]  }
0x2d: {  	s3 =	simm.s32 $0x108;
	s8 =	sld [smem:$0x3FB3]  }
0x2e: {  	s3 =	simm.s32 @!p0 $0x1082;
	s9 =	sld [smem:$0x3FB4]  }
0x2f: {  	lr =	sadd.s32 s0, s3;
	s0 =	sld [smem:$0x3FAB]  }
0x30: {  	s3 =	sld [smem:$0x3FAE]  }
0x31: {  	[smem:$0x3FB7] =	sst s10  }
0x32: {  	s10 =	sld [smem:$0x3FB5];
	_ =	sdelay $0x3  }
0x33: {  	p0 =	seq.s32 s10, $0x1;
	s10 =	sld [smem:$0x3FB7];
	_ =	sdelay $0x3  }
0x34: {  	[smem:$0x3FB7] =	sst s10  }
0x35: {  	s10 =	sld [smem:$0x3FB6];
	_ =	sdelay $0x3  }
0x36: {  	p1 =	seq.s32 s10, $0x1;
	s10 =	sld [smem:$0x3FB7];
	_ =	sdelay $0x3  }
0x37: {  	[smem:$0x3FB7] =	sst s10  }
0x38: {  	s10 =	sld [smem:$0x3FB8]  }
0x39: {  	_ = 	snop;
	(pc) =	sbr.ind lr, $3  }
0x3a: {  	_ = 	snop  }
0x3b: {  	_ = 	snop  }
0x3c: {  	p2 =	seq.s32 s10, $0x1;
	s10 =	sld [smem:$0x3FB7]  }
0x3d: {  	_ =	shalt  }
0x3e: {  	_ =	shalt  }
0x3f: {  	_ =	shalt  }
0x40: {  	_ =	shalt  }
0x41: {  	_ =	shalt  }
0x42: {  	_ =	shalt  }
0x43: {  	_ =	shalt  }
0x44: {  	_ =	shalt  }
0x45: {  	_ =	shalt  }
0x46: {  	_ =	shalt  }
0x47: {  	_ =	shalt  }
0x48: {  	_ =	shalt  }
0x49: {  	_ =	shalt  }
0x4a: {  	_ =	shalt  }
0x4b: {  	_ =	shalt  }
0x4c: {  	_ =	shalt  }
0x4d: {  	_ =	shalt  }
0x4e: {  	_ =	shalt  }
0x4f: {  	_ =	shalt  }
0x50: {  	_ =	shalt  }
0x51: {  	_ =	shalt  }
0x52: {  	_ =	shalt  }
0x53: {  	_ =	shalt  }
0x54: {  	_ =	shalt  }
0x55: {  	_ =	shalt  }
0x56: {  	_ =	shalt  }
0x57: {  	_ =	shalt  }
0x58: {  	_ =	shalt  }
0x59: {  	_ =	shalt  }
0x5a: {  	_ =	shalt  }
0x5b: {  	_ =	shalt  }
0x5c: {  	_ =	shalt  }
0x5d: {  	_ =	shalt  }
0x5e: {  	_ =	shalt  }
0x5f: {  	_ =	shalt  }
0x60: {  	_ =	shalt  }
0x61: {  	_ =	shalt  }
0x62: {  	_ =	shalt  }
0x63: {  	_ =	shalt  }
0x64: {  	_ =	shalt  }
0x65: {  	_ =	shalt  }
0x66: {  	_ =	shalt  }
0x67: {  	_ =	shalt  }
0x68: {  	_ =	shalt  }
0x69: {  	_ =	shalt  }
0x6a: {  	_ =	shalt  }
0x6b: {  	_ =	shalt  }
0x6c: {  	_ =	shalt  }
0x6d: {  	_ =	shalt  }
0x6e: {  	_ =	shalt  }
0x6f: {  	_ =	shalt  }
0x70: {  	_ =	shalt  }
0x71: {  	_ =	shalt  }
0x72: {  	_ =	shalt  }
0x73: {  	_ =	shalt  }
0x74: {  	_ =	shalt  }
0x75: {  	_ =	shalt  }
0x76: {  	_ =	shalt  }
0x77: {  	_ =	shalt  }
0x78: {  	_ =	shalt  }
0x79: {  	_ =	shalt  }
0x7a: {  	_ =	shalt  }
0x7b: {  	_ =	shalt  }
0x7c: {  	_ =	shalt  }
0x7d: {  	_ =	shalt  }
0x7e: {  	_ =	shalt  }
0x7f: {  	_ =	shalt  }
0x80: {  	_ =	shalt  }
0x81: {  	_ =	shalt  }
0x82: {  	_ =	shalt  }
0x83: {  	_ =	shalt  }
0x84: {  	_ =	shalt  }
0x85: {  	_ =	shalt  }
0x86: {  	_ =	shalt  }
0x87: {  	_ =	shalt  }
.Lfunc_end0:
.L_simem_size_0:
called_computation_lowered:
.L_overlay_start_0:
0x88: {  	s2 =	sld [smem:$0x3FD9]  }
0x89: {  	s3 =	sld [smem:$0x3FFE];
	_ =	sdelay $0x1  }
0x8a: {  	s1 =	srdreg.scid  }
0x8b: {  	s0 =	sand.u32 $0x1, s1  }
0x8c: {  	s17 =	sshll.u32 s0, $0xA;
	s2 =	sadd.s32 s3, s2  }
0x8d: {  	s2 =	sadd.s32 s2, s17  }
0x8e: {  	[smem:$0x3FC3] =	sst s2  }
0x8f: {  	_ = 	snop  }
0x90: {  	s2 =	sld [smem:$0x3FD0];
	(tm) =	ssettm $0x1  }
0x91: {  	s18 =	sld [smem:$0x3FFB];
	_ =	sdelay $0x3  }
0x92: {  	_ =	strace s18  }
0x93: {  	s3 =	sld [smem:$0x3FFC];
	_ =	sdelay $0x3  }
0x94: {  	_ =	strace s3  }
0x95: {  	s3 =	sld [smem:$0x3FFD];
	_ =	sdelay $0x3  }
0x96: {  	_ =	strace s3  }
0x97: {  	_ =	strace $0x8FFFFFFF  }
0x98: {  	s19 =	sld [smem:$0x3FDB];
	_ =	sdelay $0x1  }
0x99: {  	s4 =	simm.s32 $_scs_section_size  }
0x9a: {  	s5 =	simm.s32 $_size__tile_overlayer_lowered;
	s6 =	simm.s32 $_tile_overlayer_lowered  }
0x9b: {  	s22 =	simm.s32 $0x1BFF;
	s21 =	sshll.u32 s6, $0x1;
	s3 =	sadd.s32 s4, s19  }
0x9c: {  	s7 =	simm.s32 $0x0;
	s20 =	sshll.u32 s5, $0x1;
	s5 =	sadd.s32 s21, s3  }
0x9d: {  	[timem:s7], [sflag:s22] =	dma.local [hbm:s5], s20  }
0x9e: {  	_ =	swait.ge [sflag:s22], s20  }
0x9f: {  	s4 =	ssub.s32 $0x0, s20;
	[sflag:s22] =	ssyncset.done $0x0  }
0xa0: {  	[sflag:s22] =	ssyncadd.s32 s4;
	_ =	sdelay $0x1  }
0xa1: {  	s23 =	simm.s32 $0x1B8B  }
0xa2: {  	_ =	swait.ge [sflag:s23], $0x1  }
0xa3: {  	[sflag:s23] =	ssyncset.done $0x0  }
0xa4: {  	s25 =	simm.s32 $0x1B8E;
	s24 =	sld [smem:$0x3FFE];
	[sflag:s23] =	ssyncadd.s32 $0xFFFFFFFF  }
0xa5: {  	s26 =	simm.s32 $execute0_lowered;
	[smem:$0x3FD2] =	sst s25  }
0xa6: {  	s5 =	sshll.u32 s26, $0x1;
	_ =	strace $0x80000046;
	[dreg:$0x1] =	wrdreg $0xFFFFFFFF  }
0xa7: {  	s28 =	simm.s32 $_size_execute0_lowered;
	s3 =	sadd.s32 s3, s5;
	[dreg:$0x0] =	wrdreg $0x0  }
0xa8: {  	s5 =	sshll.u32 s28, $0x1;
	[dreg:$0x2] =	wrdreg s3  }
0xa9: {  	[dreg:$0x3] =	wrdreg s5  }
0xaa: {  	[dreg:$0x4] =	wrdreg $0xC0  }
0xab: {  	_ =	task [dreg:s7], $0x5FFFF  }
0xac: {  	[dreg:$0x1] =	wrdreg $0xFFFFFFFF  }
0xad: {  	[dreg:$0x0] =	wrdreg $0x60  }
0xae: {  	[dreg:$0x2] =	wrdreg s2  }
0xaf: {  	[dreg:$0x3] =	wrdreg s24  }
0xb0: {  	[dreg:$0x4] =	wrdreg $0x9  }
0xb1: {  	_ =	task.clear_ibuf [dreg:s7], $0x5FFFF;
	_ =	strace $0x90000046  }
0xb2: {  	s29 =	simm.s32 $0x9;
	_ =	strace $0x80000048  }
0xb3: {  	_ =	swait.ge [sflag:s29], $0x1  }
0xb4: {  	[sflag:s29] =	ssyncadd.s32 $0xFFFFFFFF  }
0xb5: {  	_ =	strace $0x90000048  }
0xb6: {  	_ =	sfence  }
0xb7: {  	s30 =	sld [smem:$0x0];
	_ =	sdelay $0x2  }
0xb8: {  	s31 =	sshll.u32 s1, $0xD;
	s1 =	sshrl.u32 s1, $0x2  }
0xb9: {  	s3 =	sand.u32 $0x4000, s31;
	s1 =	sadd.s32 s1, s30  }
0xba: {  	s0 =	sor.u32 s3, s0;
	s1 =	sshll.u32 s1, $0x11  }
0xbb: {  	s0 =	sor.u32 s1, s0  }
0xbc: {  	s0 =	sadd.s32 $0x8F2B, s0  }
0xbd: {  	[sflag:s0] =	ssyncadd.remote.s32 $0x1  }
0xbe: {  	_ =	sfence.sel $0xFFFF  }
0xbf: {  	[dreg:$0x0] =	wrdreg $0xFFFFFFFF;
	(pc) =	sbr.abs _section_cstart, $3  }
0xc0: {  	[dreg:$0x1] =	wrdreg $0xFFFFFFFF  }
0xc1: {  	_ =	task.clear_ibuf [dreg:s7], $0x2FFFF;
	_ =	strace $0x9FFFFFFF  }
0xc2: {  	(tm) =	ssettm $0x7FFFFFFF  }
0xc3: {  	_ =	shalt  }
tec
execute0_lowered:
.L_overlay_start_1:
0x0: {  	(tag) =	ssettag $0x1  }
0x1: {  	s0 =	rddreg [dreg:$0x0]  }
0x2: {  	s1 =	rddreg [dreg:$0x1];
	s3 =	srdreg.scid  }
0x3: {  	s5 =	stileid.u32;
	s2 =	simm.s32 $0x0;
	s14 =	simm.s32 $0x3  }
0x4: {  	s15 =	simm.s32 $0x80;
	s16 =	simm.s32 $0x2000;
	s17 =	simm.s32 $0x3000  }
0x5: {  	s28 =	simm.s32 $0x8000;
	s30 =	simm.s32 $0x9000;
	s31 =	simm.s32 $0x1  }
0x6: {  	s18 =	simm.s32 $0xA000;
	s29 =	simm.s32 $0x10000;
	s4 =	sand.u32 $0x1, s3  }
0x7: {  	s19 =	sshll.u32 s5, $0x1;
	[smem:$0x7FF] =	sst s2;
	s3 =	sadd.s32 $0x400, s1  }
0x8: {  	s5 =	sor.u32 s4, s19;
	_ =	strace $0x80000047;
	s4 =	ssub.s32 $0x2, s4  }
0x9: {  	s19 =	simm.s32 $0x4000;
	s6 =	sshll.u32 s5, $0xF;
	s5 =	sshll.u32 s5, $0xA  }
0xa: {  	s20 =	sshrl.u32 s4, $0x1;
	s1 =	sadd.s32 s6, s1;
	s0 =	sadd.s32 s0, s5  }
0xb: {  	s4 =	ssub.s32 s4, s20;
	s7 =	sadd.s32 $0x200400, s1;
	[dreg:$0x7] =	wrdreg s0  }
0xc: {  	s20 =	simm.s32 $0xF000;
	s21 =	sadd.s32 $0x204400, s1;
	[dreg:$0x3] =	wrdreg s7  }
0xd: {  	s5 =	simm.s32 $0x2;
	s22 =	sadd.s32 $0x200404, s1;
	[dreg:$0x4] =	wrdreg s21  }
0xe: {  	s6 =	simm.s32 $0x0;
	s23 =	sadd.s32 $0x204404, s1;
	[dreg:$0x5] =	wrdreg s22  }
0xf: {  	s24 =	sadd.s32 $0x200408, s1;
	s25 =	sadd.s32 $0x204408, s1;
	[dreg:$0x6] =	wrdreg s23  }
0x10: {  	s26 =	sadd.s32 $0x20040C, s1;
	s12 =	sadd.s32 $0x20440C, s1;
	[dreg:$0x8] =	wrdreg s24  }
0x11: {  	s13 =	smax.u32 s4, $0x1;
	s0 =	simm.s32 $0x20;
	[dreg:$0x9] =	wrdreg s25  }
0x12: {  	s1 =	simm.s32 $0xD000;
	s4 =	simm.s32 $0x11000;
	[dreg:$0xa] =	wrdreg s26  }
0x13: {  	v0 =	vlaneseq.u32;
	s21 =	simm.s32 $0x5000;
	s23 =	simm.s32 $0x6000;
	s25 =	simm.s32 $0x7000  }
0x14: {  	v0 =	vmul.u32 $0x800, v0;
	s22 =	simm.s32 $0xB000;
	s26 =	simm.s32 $0xC000;
	s24 =	simm.s32 $0xE000  }
.LBB2_1:
0x15: {  	s7 =	rddreg [dreg:$0x7]  }
0x16: {  	[tilespmem:s2], [sflag:$0x3] =	stream.linear.gather [hbm4b:s7+s2], $0x2000, $0x38;
	[tilespmem:$0x12000] =	vst v63  }
0x17: {  	s9 =	sand.u32 $0x7E00, s2;
	_ =	swait.ge [sflag:s14], $0x2000  }
0x18: {  	s8 =	sand.u32 $0x70, s2;
	s7 =	sshrl.u32 s9, $0x2;
	[sflag:s14] =	ssyncset.done $0x0  }
0x19: {  	s7 =	sor.u32 s8, s7;
	[sflag:s14] =	ssyncadd.s32 $0xFFFFE000  }
0x1a: {  	v1 =	vld [tilespmem:s7+$0x0]  }
0x1b: {  	s10 =	sand.u32 $0xF0, s2  }
0x1c: {  	v2 =	vmov s10  }
0x1d: {  	v2 =	vshll.u32 v2, $0xB  }
0x1e: {  	v2 =	vor.u32 v0, v2  }
0x1f: {  	v2 =	vadd.s32 v2, v1;
	v1 =	vshll.u32 v1, $0x2  }
0x20: {  	s11 =	simm.s32 $0x40;
	v3 =	vand.u32 $0xFFFFE000, v2;
	v1 =	vand.u32 $0x1FFC, v1;
	v2 =	vshrl.u32 v2, $0xB  }
0x21: {  	s10 =	sand.u32 $0x7E00, s11;
	s9 =	simm.s32 $0x80;
	s8 =	simm.s32 $0x10;
	v1 =	vor.u32 v1, v3;
	v2 =	vand.u32 $0x3, v2  }
.LBB2_2:
0x22: {  	p0 =	sne.s32 s9, $0x7FC0;
	s11 =	sand.u32 $0x70, s8;
	s10 =	sshrl.u32 s10, $0x2;
	v1 =	vor.u32 v2, v1  }
0x23: {  	[tilespmem:s7+$0x0] =	vst v1;
	s7 =	sor.u32 s11, s10  }
0x24: {  	v1 =	vld [tilespmem:s7+$0x0]  }
0x25: {  	s10 =	sand.u32 $0xF0, s8  }
0x26: {  	v2 =	vmov s10  }
.Ltmp0:
0x27: {  	v2 =	vshll.u32 v2, $0xB;
	(pc) =	sbr.rel @p0 .LBB2_2-.Ltmp0, $4  }
0x28: {  	v2 =	vor.u32 v0, v2  }
0x29: {  	v2 =	vadd.s32 v2, v1;
	v1 =	vshll.u32 v1, $0x2  }
0x2a: {  	v3 =	vand.u32 $0xFFFFE000, v2;
	v1 =	vand.u32 $0x1FFC, v1;
	v2 =	vshrl.u32 v2, $0xB  }
0x2b: {  	s8 =	sadd.s32 $0x10, s8;
	s10 =	sand.u32 $0x7E00, s9;
	s9 =	sadd.s32 $0x40, s9;
	v1 =	vor.u32 v1, v3;
	v2 =	vand.u32 $0x3, v2  }
0x2c: {  	s9 =	sand.u32 $0x70, s8;
	s10 =	sshrl.u32 s10, $0x2;
	v1 =	vor.u32 v2, v1  }
0x2d: {  	s9 =	sor.u32 s9, s10;
	[tilespmem:s7+$0x0] =	vst v1  }
0x2e: {  	v1 =	vld [tilespmem:s9+$0x0]  }
0x2f: {  	s10 =	sand.u32 $0xF0, s8  }
0x30: {  	v2 =	vmov s10  }
0x31: {  	v2 =	vshll.u32 v2, $0xB  }
0x32: {  	v2 =	vor.u32 v0, v2  }
0x33: {  	v2 =	vadd.s32 v2, v1;
	v1 =	vshll.u32 v1, $0x2  }
0x34: {  	v3 =	vand.u32 $0xFFFFE000, v2;
	v1 =	vand.u32 $0x1FFC, v1;
	v2 =	vshrl.u32 v2, $0xB  }
0x35: {  	v1 =	vor.u32 v1, v3;
	v2 =	vand.u32 $0x3, v2  }
0x36: {  	v1 =	vor.u32 v2, v1  }
0x37: {  	[tilespmem:s9+$0x0] =	vst v1  }
0x38: {  	[tilespmem:s16], [sflag:$0x1] =	stream.indirect.gather [hbm4b:s3+s15], $0x20, s2, s15, $0xb8;
	[tilespmem:$0x12000] =	vst v63  }
0x39: {  	_ = 	snop  }
0x3a: {  	[tilespmem:s17], [sflag:$0x1] =	stream.indirect.gather [hbm4b:s3+s15], $0x20, s15, s15, $0xb8;
	[tilespmem:$0x12000] =	vst v63  }
0x3b: {  	s11 =	simm.s32 $0x100  }
0x3c: {  	[tilespmem:s19], [sflag:$0x1] =	stream.indirect.gather [hbm4b:s3+s15], $0x20, s11, s15, $0xb8;
	[tilespmem:$0x12000] =	vst v63  }
0x3d: {  	s8 =	simm.s32 $0x180  }
0x3e: {  	[tilespmem:s21], [sflag:$0x1] =	stream.indirect.gather [hbm4b:s3+s15], $0x20, s8, s15, $0xb8;
	[tilespmem:$0x12000] =	vst v63  }
0x3f: {  	s9 =	simm.s32 $0x200  }
0x40: {  	[tilespmem:s23], [sflag:$0x1] =	stream.indirect.gather [hbm4b:s3+s15], $0x20, s9, s15, $0xb8;
	[tilespmem:$0x12000] =	vst v63  }
0x41: {  	s10 =	simm.s32 $0x280  }
0x42: {  	[tilespmem:s25], [sflag:$0x1] =	stream.indirect.gather [hbm4b:s3+s15], $0x20, s10, s15, $0xb8;
	[tilespmem:$0x12000] =	vst v63  }
0x43: {  	s11 =	simm.s32 $0x300  }
0x44: {  	[tilespmem:s28], [sflag:$0x1] =	stream.indirect.gather [hbm4b:s3+s15], $0x20, s11, s15, $0xb8;
	[tilespmem:$0x12000] =	vst v63  }
0x45: {  	s8 =	simm.s32 $0x380  }
0x46: {  	[tilespmem:s30], [sflag:$0x1] =	stream.indirect.gather [hbm4b:s3+s15], $0x20, s8, s15, $0xb8;
	[tilespmem:$0x12000] =	vst v63  }
0x47: {  	_ =	swait.ge [sflag:s31], $0x1000  }
0x48: {  	[sflag:s31] =	ssyncset.done $0x0  }
0x49: {  	[sflag:s31] =	ssyncadd.s32 $0xFFFFF000  }
0x4a: {  	_ =	swait.ge [sflag:s31], $0x1000  }
0x4b: {  	[sflag:s31] =	ssyncset.done $0x0  }
0x4c: {  	[sflag:s31] =	ssyncadd.s32 $0xFFFFF000  }
0x4d: {  	_ =	swait.ge [sflag:s31], $0x1000  }
0x4e: {  	[sflag:s31] =	ssyncset.done $0x0  }
0x4f: {  	[sflag:s31] =	ssyncadd.s32 $0xFFFFF000  }
0x50: {  	_ =	swait.ge [sflag:s31], $0x1000  }
0x51: {  	[sflag:s31] =	ssyncset.done $0x0  }
0x52: {  	[sflag:s31] =	ssyncadd.s32 $0xFFFFF000  }
0x53: {  	_ =	swait.ge [sflag:s31], $0x1000  }
0x54: {  	[sflag:s31] =	ssyncset.done $0x0  }
0x55: {  	[sflag:s31] =	ssyncadd.s32 $0xFFFFF000  }
0x56: {  	_ =	swait.ge [sflag:s31], $0x1000  }
0x57: {  	[sflag:s31] =	ssyncset.done $0x0  }
0x58: {  	[sflag:s31] =	ssyncadd.s32 $0xFFFFF000  }
0x59: {  	_ =	swait.ge [sflag:s31], $0x1000  }
0x5a: {  	[sflag:s31] =	ssyncset.done $0x0  }
0x5b: {  	[sflag:s31] =	ssyncadd.s32 $0xFFFFF000  }
0x5c: {  	_ =	swait.ge [sflag:s31], $0x1000  }
0x5d: {  	[sflag:s31] =	ssyncset.done $0x0  }
0x5e: {  	s9 =	rddreg [dreg:$0x3];
	[sflag:s31] =	ssyncadd.s32 $0xFFFFF000  }
0x5f: {  	[hbm4b:s9+s0] =	stream.strided.scatter [tilespmem:s16], [sflag:$0x2], $0x8000, s15, s0, $0x38;
	[tilespmem:$0x12000] =	vst v63  }
0x60: {  	s10 =	simm.s32 $0x400  }
0x61: {  	[tilespmem:s18], [sflag:$0x1] =	stream.indirect.gather [hbm4b:s3+s15], $0x20, s10, s15, $0xb8;
	[tilespmem:$0x12000] =	vst v63  }
0x62: {  	s11 =	simm.s32 $0x480  }
0x63: {  	[tilespmem:s22], [sflag:$0x1] =	stream.indirect.gather [hbm4b:s3+s15], $0x20, s11, s15, $0xb8;
	[tilespmem:$0x12000] =	vst v63  }
0x64: {  	s8 =	simm.s32 $0x500  }
0x65: {  	[tilespmem:s26], [sflag:$0x1] =	stream.indirect.gather [hbm4b:s3+s15], $0x20, s8, s15, $0xb8;
	[tilespmem:$0x12000] =	vst v63  }
0x66: {  	s9 =	simm.s32 $0x580  }
0x67: {  	[tilespmem:s1], [sflag:$0x1] =	stream.indirect.gather [hbm4b:s3+s15], $0x20, s9, s15, $0xb8;
	[tilespmem:$0x12000] =	vst v63  }
0x68: {  	s10 =	simm.s32 $0x600  }
0x69: {  	[tilespmem:s24], [sflag:$0x1] =	stream.indirect.gather [hbm4b:s3+s15], $0x20, s10, s15, $0xb8;
	[tilespmem:$0x12000] =	vst v63  }
0x6a: {  	s11 =	simm.s32 $0x680  }
0x6b: {  	[tilespmem:s20], [sflag:$0x1] =	stream.indirect.gather [hbm4b:s3+s15], $0x20, s11, s15, $0xb8;
	[tilespmem:$0x12000] =	vst v63  }
0x6c: {  	s8 =	simm.s32 $0x700  }
0x6d: {  	[tilespmem:s29], [sflag:$0x1] =	stream.indirect.gather [hbm4b:s3+s15], $0x20, s8, s15, $0xb8;
	[tilespmem:$0x12000] =	vst v63  }
0x6e: {  	s9 =	simm.s32 $0x780  }
0x6f: {  	[tilespmem:s4], [sflag:$0x1] =	stream.indirect.gather [hbm4b:s3+s15], $0x20, s9, s15, $0xb8;
	[tilespmem:$0x12000] =	vst v63  }
0x70: {  	_ =	swait.ge [sflag:s31], $0x1000  }
0x71: {  	[sflag:s31] =	ssyncset.done $0x0  }
0x72: {  	[sflag:s31] =	ssyncadd.s32 $0xFFFFF000  }
0x73: {  	_ =	swait.ge [sflag:s31], $0x1000  }
0x74: {  	[sflag:s31] =	ssyncset.done $0x0  }
0x75: {  	[sflag:s31] =	ssyncadd.s32 $0xFFFFF000  }
0x76: {  	_ =	swait.ge [sflag:s31], $0x1000  }
0x77: {  	[sflag:s31] =	ssyncset.done $0x0  }
0x78: {  	[sflag:s31] =	ssyncadd.s32 $0xFFFFF000  }
0x79: {  	_ =	swait.ge [sflag:s31], $0x1000  }
0x7a: {  	[sflag:s31] =	ssyncset.done $0x0  }
0x7b: {  	[sflag:s31] =	ssyncadd.s32 $0xFFFFF000  }
0x7c: {  	_ =	swait.ge [sflag:s31], $0x1000  }
0x7d: {  	[sflag:s31] =	ssyncset.done $0x0  }
0x7e: {  	[sflag:s31] =	ssyncadd.s32 $0xFFFFF000  }
0x7f: {  	_ =	swait.ge [sflag:s31], $0x1000  }
0x80: {  	[sflag:s31] =	ssyncset.done $0x0  }
0x81: {  	[sflag:s31] =	ssyncadd.s32 $0xFFFFF000  }
0x82: {  	_ =	swait.ge [sflag:s31], $0x1000  }
0x83: {  	[sflag:s31] =	ssyncset.done $0x0  }
0x84: {  	[sflag:s31] =	ssyncadd.s32 $0xFFFFF000  }
0x85: {  	_ =	swait.ge [sflag:s31], $0x1000  }
0x86: {  	[sflag:s31] =	ssyncset.done $0x0  }
0x87: {  	s10 =	rddreg [dreg:$0x4];
	[sflag:s31] =	ssyncadd.s32 $0xFFFFF000  }
0x88: {  	[hbm4b:s10+s0] =	stream.strided.scatter [tilespmem:s18], [sflag:$0x2], $0x8000, s15, s0, $0x38;
	[tilespmem:$0x12000] =	vst v63  }
0x89: {  	_ =	swait.ge [sflag:s5], $0x8000  }
0x8a: {  	[sflag:s5] =	ssyncset.done $0x0  }
0x8b: {  	s11 =	simm.s32 $0x800;
	[sflag:s5] =	ssyncadd.s32 $0xFFFF8000  }
0x8c: {  	[tilespmem:s16], [sflag:$0x1] =	stream.indirect.gather [hbm4b:s3+s15], $0x20, s11, s15, $0xb8;
	[tilespmem:$0x12000] =	vst v63  }
0x8d: {  	s8 =	simm.s32 $0x880  }
0x8e: {  	[tilespmem:s17], [sflag:$0x1] =	stream.indirect.gather [hbm4b:s3+s15], $0x20, s8, s15, $0xb8;
	[tilespmem:$0x12000] =	vst v63  }
0x8f: {  	s9 =	simm.s32 $0x900  }
0x90: {  	[tilespmem:s19], [sflag:$0x1] =	stream.indirect.gather [hbm4b:s3+s15], $0x20, s9, s15, $0xb8;
	[tilespmem:$0x12000] =	vst v63  }
0x91: {  	s10 =	simm.s32 $0x980  }
0x92: {  	[tilespmem:s21], [sflag:$0x1] =	stream.indirect.gather [hbm4b:s3+s15], $0x20, s10, s15, $0xb8;
	[tilespmem:$0x12000] =	vst v63  }
0x93: {  	s11 =	simm.s32 $0xA00  }
0x94: {  	[tilespmem:s23], [sflag:$0x1] =	stream.indirect.gather [hbm4b:s3+s15], $0x20, s11, s15, $0xb8;
	[tilespmem:$0x12000] =	vst v63  }
0x95: {  	s8 =	simm.s32 $0xA80  }
0x96: {  	[tilespmem:s25], [sflag:$0x1] =	stream.indirect.gather [hbm4b:s3+s15], $0x20, s8, s15, $0xb8;
	[tilespmem:$0x12000] =	vst v63  }
0x97: {  	s9 =	simm.s32 $0xB00  }
0x98: {  	[tilespmem:s28], [sflag:$0x1] =	stream.indirect.gather [hbm4b:s3+s15], $0x20, s9, s15, $0xb8;
	[tilespmem:$0x12000] =	vst v63  }
0x99: {  	s10 =	simm.s32 $0xB80  }
0x9a: {  	[tilespmem:s30], [sflag:$0x1] =	stream.indirect.gather [hbm4b:s3+s15], $0x20, s10, s15, $0xb8;
	[tilespmem:$0x12000] =	vst v63  }
0x9b: {  	_ =	swait.ge [sflag:s31], $0x1000  }
0x9c: {  	[sflag:s31] =	ssyncset.done $0x0  }
0x9d: {  	[sflag:s31] =	ssyncadd.s32 $0xFFFFF000  }
0x9e: {  	_ =	swait.ge [sflag:s31], $0x1000  }
0x9f: {  	[sflag:s31] =	ssyncset.done $0x0  }
0xa0: {  	[sflag:s31] =	ssyncadd.s32 $0xFFFFF000  }
0xa1: {  	_ =	swait.ge [sflag:s31], $0x1000  }
0xa2: {  	[sflag:s31] =	ssyncset.done $0x0  }
0xa3: {  	[sflag:s31] =	ssyncadd.s32 $0xFFFFF000  }
0xa4: {  	_ =	swait.ge [sflag:s31], $0x1000  }
0xa5: {  	[sflag:s31] =	ssyncset.done $0x0  }
0xa6: {  	[sflag:s31] =	ssyncadd.s32 $0xFFFFF000  }
0xa7: {  	_ =	swait.ge [sflag:s31], $0x1000  }
0xa8: {  	[sflag:s31] =	ssyncset.done $0x0  }
0xa9: {  	[sflag:s31] =	ssyncadd.s32 $0xFFFFF000  }
0xaa: {  	_ =	swait.ge [sflag:s31], $0x1000  }
0xab: {  	[sflag:s31] =	ssyncset.done $0x0  }
0xac: {  	[sflag:s31] =	ssyncadd.s32 $0xFFFFF000  }
0xad: {  	_ =	swait.ge [sflag:s31], $0x1000  }
0xae: {  	[sflag:s31] =	ssyncset.done $0x0  }
0xaf: {  	[sflag:s31] =	ssyncadd.s32 $0xFFFFF000  }
0xb0: {  	_ =	swait.ge [sflag:s31], $0x1000  }
0xb1: {  	[sflag:s31] =	ssyncset.done $0x0  }
0xb2: {  	s11 =	rddreg [dreg:$0x5];
	[sflag:s31] =	ssyncadd.s32 $0xFFFFF000  }
0xb3: {  	[hbm4b:s11+s0] =	stream.strided.scatter [tilespmem:s16], [sflag:$0x2], $0x8000, s15, s0, $0x38;
	[tilespmem:$0x12000] =	vst v63  }
0xb4: {  	_ =	swait.ge [sflag:s5], $0x8000  }
0xb5: {  	[sflag:s5] =	ssyncset.done $0x0  }
0xb6: {  	s8 =	simm.s32 $0xC00;
	[sflag:s5] =	ssyncadd.s32 $0xFFFF8000  }
0xb7: {  	[tilespmem:s18], [sflag:$0x1] =	stream.indirect.gather [hbm4b:s3+s15], $0x20, s8, s15, $0xb8;
	[tilespmem:$0x12000] =	vst v63  }
0xb8: {  	s9 =	simm.s32 $0xC80  }
0xb9: {  	[tilespmem:s22], [sflag:$0x1] =	stream.indirect.gather [hbm4b:s3+s15], $0x20, s9, s15, $0xb8;
	[tilespmem:$0x12000] =	vst v63  }
0xba: {  	s10 =	simm.s32 $0xD00  }
0xbb: {  	[tilespmem:s26], [sflag:$0x1] =	stream.indirect.gather [hbm4b:s3+s15], $0x20, s10, s15, $0xb8;
	[tilespmem:$0x12000] =	vst v63  }
0xbc: {  	s11 =	simm.s32 $0xD80  }
0xbd: {  	[tilespmem:s1], [sflag:$0x1] =	stream.indirect.gather [hbm4b:s3+s15], $0x20, s11, s15, $0xb8;
	[tilespmem:$0x12000] =	vst v63  }
0xbe: {  	s8 =	simm.s32 $0xE00  }
0xbf: {  	[tilespmem:s24], [sflag:$0x1] =	stream.indirect.gather [hbm4b:s3+s15], $0x20, s8, s15, $0xb8;
	[tilespmem:$0x12000] =	vst v63  }
0xc0: {  	s9 =	simm.s32 $0xE80  }
0xc1: {  	[tilespmem:s20], [sflag:$0x1] =	stream.indirect.gather [hbm4b:s3+s15], $0x20, s9, s15, $0xb8;
	[tilespmem:$0x12000] =	vst v63  }
0xc2: {  	s10 =	simm.s32 $0xF00  }
0xc3: {  	[tilespmem:s29], [sflag:$0x1] =	stream.indirect.gather [hbm4b:s3+s15], $0x20, s10, s15, $0xb8;
	[tilespmem:$0x12000] =	vst v63  }
0xc4: {  	s11 =	simm.s32 $0xF80  }
0xc5: {  	[tilespmem:s4], [sflag:$0x1] =	stream.indirect.gather [hbm4b:s3+s15], $0x20, s11, s15, $0xb8;
	[tilespmem:$0x12000] =	vst v63  }
0xc6: {  	_ =	swait.ge [sflag:s31], $0x1000  }
0xc7: {  	[sflag:s31] =	ssyncset.done $0x0  }
0xc8: {  	[sflag:s31] =	ssyncadd.s32 $0xFFFFF000  }
0xc9: {  	_ =	swait.ge [sflag:s31], $0x1000  }
0xca: {  	[sflag:s31] =	ssyncset.done $0x0  }
0xcb: {  	[sflag:s31] =	ssyncadd.s32 $0xFFFFF000  }
0xcc: {  	_ =	swait.ge [sflag:s31], $0x1000  }
0xcd: {  	[sflag:s31] =	ssyncset.done $0x0  }
0xce: {  	[sflag:s31] =	ssyncadd.s32 $0xFFFFF000  }
0xcf: {  	_ =	swait.ge [sflag:s31], $0x1000  }
0xd0: {  	[sflag:s31] =	ssyncset.done $0x0  }
0xd1: {  	[sflag:s31] =	ssyncadd.s32 $0xFFFFF000  }
0xd2: {  	_ =	swait.ge [sflag:s31], $0x1000  }
0xd3: {  	[sflag:s31] =	ssyncset.done $0x0  }
0xd4: {  	[sflag:s31] =	ssyncadd.s32 $0xFFFFF000  }
0xd5: {  	_ =	swait.ge [sflag:s31], $0x1000  }
0xd6: {  	[sflag:s31] =	ssyncset.done $0x0  }
0xd7: {  	[sflag:s31] =	ssyncadd.s32 $0xFFFFF000  }
0xd8: {  	_ =	swait.ge [sflag:s31], $0x1000  }
0xd9: {  	[sflag:s31] =	ssyncset.done $0x0  }
0xda: {  	[sflag:s31] =	ssyncadd.s32 $0xFFFFF000  }
0xdb: {  	_ =	swait.ge [sflag:s31], $0x1000  }
0xdc: {  	[sflag:s31] =	ssyncset.done $0x0  }
0xdd: {  	s8 =	rddreg [dreg:$0x6];
	[sflag:s31] =	ssyncadd.s32 $0xFFFFF000  }
0xde: {  	[hbm4b:s8+s0] =	stream.strided.scatter [tilespmem:s18], [sflag:$0x2], $0x8000, s15, s0, $0x38;
	[tilespmem:$0x12000] =	vst v63  }
0xdf: {  	_ =	swait.ge [sflag:s5], $0x8000  }
0xe0: {  	[sflag:s5] =	ssyncset.done $0x0  }
0xe1: {  	s9 =	simm.s32 $0x1000;
	[sflag:s5] =	ssyncadd.s32 $0xFFFF8000  }
0xe2: {  	[tilespmem:s16], [sflag:$0x1] =	stream.indirect.gather [hbm4b:s3+s15], $0x20, s9, s15, $0xb8;
	[tilespmem:$0x12000] =	vst v63  }
0xe3: {  	s10 =	simm.s32 $0x1080  }
0xe4: {  	[tilespmem:s17], [sflag:$0x1] =	stream.indirect.gather [hbm4b:s3+s15], $0x20, s10, s15, $0xb8;
	[tilespmem:$0x12000] =	vst v63  }
0xe5: {  	s11 =	simm.s32 $0x1100  }
0xe6: {  	[tilespmem:s19], [sflag:$0x1] =	stream.indirect.gather [hbm4b:s3+s15], $0x20, s11, s15, $0xb8;
	[tilespmem:$0x12000] =	vst v63  }
0xe7: {  	s8 =	simm.s32 $0x1180  }
0xe8: {  	[tilespmem:s21], [sflag:$0x1] =	stream.indirect.gather [hbm4b:s3+s15], $0x20, s8, s15, $0xb8;
	[tilespmem:$0x12000] =	vst v63  }
0xe9: {  	s9 =	simm.s32 $0x1200  }
0xea: {  	[tilespmem:s23], [sflag:$0x1] =	stream.indirect.gather [hbm4b:s3+s15], $0x20, s9, s15, $0xb8;
	[tilespmem:$0x12000] =	vst v63  }
0xeb: {  	s10 =	simm.s32 $0x1280  }
0xec: {  	[tilespmem:s25], [sflag:$0x1] =	stream.indirect.gather [hbm4b:s3+s15], $0x20, s10, s15, $0xb8;
	[tilespmem:$0x12000] =	vst v63  }
0xed: {  	s11 =	simm.s32 $0x1300  }
0xee: {  	[tilespmem:s28], [sflag:$0x1] =	stream.indirect.gather [hbm4b:s3+s15], $0x20, s11, s15, $0xb8;
	[tilespmem:$0x12000] =	vst v63  }
0xef: {  	s8 =	simm.s32 $0x1380  }
0xf0: {  	[tilespmem:s30], [sflag:$0x1] =	stream.indirect.gather [hbm4b:s3+s15], $0x20, s8, s15, $0xb8;
	[tilespmem:$0x12000] =	vst v63  }
0xf1: {  	_ =	swait.ge [sflag:s31], $0x1000  }
0xf2: {  	[sflag:s31] =	ssyncset.done $0x0  }
0xf3: {  	[sflag:s31] =	ssyncadd.s32 $0xFFFFF000  }
0xf4: {  	_ =	swait.ge [sflag:s31], $0x1000  }
0xf5: {  	[sflag:s31] =	ssyncset.done $0x0  }
0xf6: {  	[sflag:s31] =	ssyncadd.s32 $0xFFFFF000  }
0xf7: {  	_ =	swait.ge [sflag:s31], $0x1000  }
0xf8: {  	[sflag:s31] =	ssyncset.done $0x0  }
0xf9: {  	[sflag:s31] =	ssyncadd.s32 $0xFFFFF000  }
0xfa: {  	_ =	swait.ge [sflag:s31], $0x1000  }
0xfb: {  	[sflag:s31] =	ssyncset.done $0x0  }
0xfc: {  	[sflag:s31] =	ssyncadd.s32 $0xFFFFF000  }
0xfd: {  	_ =	swait.ge [sflag:s31], $0x1000  }
0xfe: {  	[sflag:s31] =	ssyncset.done $0x0  }
0xff: {  	[sflag:s31] =	ssyncadd.s32 $0xFFFFF000  }
0x100: {  	_ =	swait.ge [sflag:s31], $0x1000  }
0x101: {  	[sflag:s31] =	ssyncset.done $0x0  }
0x102: {  	[sflag:s31] =	ssyncadd.s32 $0xFFFFF000  }
0x103: {  	_ =	swait.ge [sflag:s31], $0x1000  }
0x104: {  	[sflag:s31] =	ssyncset.done $0x0  }
0x105: {  	[sflag:s31] =	ssyncadd.s32 $0xFFFFF000  }
0x106: {  	_ =	swait.ge [sflag:s31], $0x1000  }
0x107: {  	[sflag:s31] =	ssyncset.done $0x0  }
0x108: {  	s9 =	rddreg [dreg:$0x8];
	[sflag:s31] =	ssyncadd.s32 $0xFFFFF000  }
0x109: {  	[hbm4b:s9+s0] =	stream.strided.scatter [tilespmem:s16], [sflag:$0x2], $0x8000, s15, s0, $0x38;
	[tilespmem:$0x12000] =	vst v63  }
0x10a: {  	_ =	swait.ge [sflag:s5], $0x8000  }
0x10b: {  	[sflag:s5] =	ssyncset.done $0x0  }
0x10c: {  	s10 =	simm.s32 $0x1400;
	[sflag:s5] =	ssyncadd.s32 $0xFFFF8000  }
0x10d: {  	[tilespmem:s18], [sflag:$0x1] =	stream.indirect.gather [hbm4b:s3+s15], $0x20, s10, s15, $0xb8;
	[tilespmem:$0x12000] =	vst v63  }
0x10e: {  	s11 =	simm.s32 $0x1480  }
0x10f: {  	[tilespmem:s22], [sflag:$0x1] =	stream.indirect.gather [hbm4b:s3+s15], $0x20, s11, s15, $0xb8;
	[tilespmem:$0x12000] =	vst v63  }
0x110: {  	s8 =	simm.s32 $0x1500  }
0x111: {  	[tilespmem:s26], [sflag:$0x1] =	stream.indirect.gather [hbm4b:s3+s15], $0x20, s8, s15, $0xb8;
	[tilespmem:$0x12000] =	vst v63  }
0x112: {  	s9 =	simm.s32 $0x1580  }
0x113: {  	[tilespmem:s1], [sflag:$0x1] =	stream.indirect.gather [hbm4b:s3+s15], $0x20, s9, s15, $0xb8;
	[tilespmem:$0x12000] =	vst v63  }
0x114: {  	s10 =	simm.s32 $0x1600  }
0x115: {  	[tilespmem:s24], [sflag:$0x1] =	stream.indirect.gather [hbm4b:s3+s15], $0x20, s10, s15, $0xb8;
	[tilespmem:$0x12000] =	vst v63  }
0x116: {  	s11 =	simm.s32 $0x1680  }
0x117: {  	[tilespmem:s20], [sflag:$0x1] =	stream.indirect.gather [hbm4b:s3+s15], $0x20, s11, s15, $0xb8;
	[tilespmem:$0x12000] =	vst v63  }
0x118: {  	s8 =	simm.s32 $0x1700  }
0x119: {  	[tilespmem:s29], [sflag:$0x1] =	stream.indirect.gather [hbm4b:s3+s15], $0x20, s8, s15, $0xb8;
	[tilespmem:$0x12000] =	vst v63  }
0x11a: {  	s9 =	simm.s32 $0x1780  }
0x11b: {  	[tilespmem:s4], [sflag:$0x1] =	stream.indirect.gather [hbm4b:s3+s15], $0x20, s9, s15, $0xb8;
	[tilespmem:$0x12000] =	vst v63  }
0x11c: {  	_ =	swait.ge [sflag:s31], $0x1000  }
0x11d: {  	[sflag:s31] =	ssyncset.done $0x0  }
0x11e: {  	[sflag:s31] =	ssyncadd.s32 $0xFFFFF000  }
0x11f: {  	_ =	swait.ge [sflag:s31], $0x1000  }
0x120: {  	[sflag:s31] =	ssyncset.done $0x0  }
0x121: {  	[sflag:s31] =	ssyncadd.s32 $0xFFFFF000  }
0x122: {  	_ =	swait.ge [sflag:s31], $0x1000  }
0x123: {  	[sflag:s31] =	ssyncset.done $0x0  }
0x124: {  	[sflag:s31] =	ssyncadd.s32 $0xFFFFF000  }
0x125: {  	_ =	swait.ge [sflag:s31], $0x1000  }
0x126: {  	[sflag:s31] =	ssyncset.done $0x0  }
0x127: {  	[sflag:s31] =	ssyncadd.s32 $0xFFFFF000  }
0x128: {  	_ =	swait.ge [sflag:s31], $0x1000  }
0x129: {  	[sflag:s31] =	ssyncset.done $0x0  }
0x12a: {  	[sflag:s31] =	ssyncadd.s32 $0xFFFFF000  }
0x12b: {  	_ =	swait.ge [sflag:s31], $0x1000  }
0x12c: {  	[sflag:s31] =	ssyncset.done $0x0  }
0x12d: {  	[sflag:s31] =	ssyncadd.s32 $0xFFFFF000  }
0x12e: {  	_ =	swait.ge [sflag:s31], $0x1000  }
0x12f: {  	[sflag:s31] =	ssyncset.done $0x0  }
0x130: {  	[sflag:s31] =	ssyncadd.s32 $0xFFFFF000  }
0x131: {  	_ =	swait.ge [sflag:s31], $0x1000  }
0x132: {  	[sflag:s31] =	ssyncset.done $0x0  }
0x133: {  	s10 =	rddreg [dreg:$0x9];
	[sflag:s31] =	ssyncadd.s32 $0xFFFFF000  }
0x134: {  	[hbm4b:s10+s0] =	stream.strided.scatter [tilespmem:s18], [sflag:$0x2], $0x8000, s15, s0, $0x38;
	[tilespmem:$0x12000] =	vst v63  }
0x135: {  	_ =	swait.ge [sflag:s5], $0x8000  }
0x136: {  	[sflag:s5] =	ssyncset.done $0x0  }
0x137: {  	s11 =	simm.s32 $0x1800;
	[sflag:s5] =	ssyncadd.s32 $0xFFFF8000  }
0x138: {  	[tilespmem:s16], [sflag:$0x1] =	stream.indirect.gather [hbm4b:s3+s15], $0x20, s11, s15, $0xb8;
	[tilespmem:$0x12000] =	vst v63  }
0x139: {  	s8 =	simm.s32 $0x1880  }
0x13a: {  	[tilespmem:s17], [sflag:$0x1] =	stream.indirect.gather [hbm4b:s3+s15], $0x20, s8, s15, $0xb8;
	[tilespmem:$0x12000] =	vst v63  }
0x13b: {  	s9 =	simm.s32 $0x1900  }
0x13c: {  	[tilespmem:s19], [sflag:$0x1] =	stream.indirect.gather [hbm4b:s3+s15], $0x20, s9, s15, $0xb8;
	[tilespmem:$0x12000] =	vst v63  }
0x13d: {  	s10 =	simm.s32 $0x1980  }
0x13e: {  	[tilespmem:s21], [sflag:$0x1] =	stream.indirect.gather [hbm4b:s3+s15], $0x20, s10, s15, $0xb8;
	[tilespmem:$0x12000] =	vst v63  }
0x13f: {  	s11 =	simm.s32 $0x1A00  }
0x140: {  	[tilespmem:s23], [sflag:$0x1] =	stream.indirect.gather [hbm4b:s3+s15], $0x20, s11, s15, $0xb8;
	[tilespmem:$0x12000] =	vst v63  }
0x141: {  	s8 =	simm.s32 $0x1A80  }
0x142: {  	[tilespmem:s25], [sflag:$0x1] =	stream.indirect.gather [hbm4b:s3+s15], $0x20, s8, s15, $0xb8;
	[tilespmem:$0x12000] =	vst v63  }
0x143: {  	s9 =	simm.s32 $0x1B00  }
0x144: {  	[tilespmem:s28], [sflag:$0x1] =	stream.indirect.gather [hbm4b:s3+s15], $0x20, s9, s15, $0xb8;
	[tilespmem:$0x12000] =	vst v63  }
0x145: {  	s10 =	simm.s32 $0x1B80  }
0x146: {  	[tilespmem:s30], [sflag:$0x1] =	stream.indirect.gather [hbm4b:s3+s15], $0x20, s10, s15, $0xb8;
	[tilespmem:$0x12000] =	vst v63  }
0x147: {  	_ =	swait.ge [sflag:s31], $0x1000  }
0x148: {  	[sflag:s31] =	ssyncset.done $0x0  }
0x149: {  	[sflag:s31] =	ssyncadd.s32 $0xFFFFF000  }
0x14a: {  	_ =	swait.ge [sflag:s31], $0x1000  }
0x14b: {  	[sflag:s31] =	ssyncset.done $0x0  }
0x14c: {  	[sflag:s31] =	ssyncadd.s32 $0xFFFFF000  }
0x14d: {  	_ =	swait.ge [sflag:s31], $0x1000  }
0x14e: {  	[sflag:s31] =	ssyncset.done $0x0  }
0x14f: {  	[sflag:s31] =	ssyncadd.s32 $0xFFFFF000  }
0x150: {  	_ =	swait.ge [sflag:s31], $0x1000  }
0x151: {  	[sflag:s31] =	ssyncset.done $0x0  }
0x152: {  	[sflag:s31] =	ssyncadd.s32 $0xFFFFF000  }
0x153: {  	_ =	swait.ge [sflag:s31], $0x1000  }
0x154: {  	[sflag:s31] =	ssyncset.done $0x0  }
0x155: {  	[sflag:s31] =	ssyncadd.s32 $0xFFFFF000  }
0x156: {  	_ =	swait.ge [sflag:s31], $0x1000  }
0x157: {  	[sflag:s31] =	ssyncset.done $0x0  }
0x158: {  	[sflag:s31] =	ssyncadd.s32 $0xFFFFF000  }
0x159: {  	_ =	swait.ge [sflag:s31], $0x1000  }
0x15a: {  	[sflag:s31] =	ssyncset.done $0x0  }
0x15b: {  	[sflag:s31] =	ssyncadd.s32 $0xFFFFF000  }
0x15c: {  	_ =	swait.ge [sflag:s31], $0x1000  }
0x15d: {  	[sflag:s31] =	ssyncset.done $0x0  }
0x15e: {  	s11 =	rddreg [dreg:$0xa];
	[sflag:s31] =	ssyncadd.s32 $0xFFFFF000  }
0x15f: {  	[hbm4b:s11+s0] =	stream.strided.scatter [tilespmem:s16], [sflag:$0x2], $0x8000, s15, s0, $0x38;
	[tilespmem:$0x12000] =	vst v63  }
0x160: {  	_ =	swait.ge [sflag:s5], $0x8000  }
0x161: {  	[sflag:s5] =	ssyncset.done $0x0  }
0x162: {  	s8 =	simm.s32 $0x1C00;
	[sflag:s5] =	ssyncadd.s32 $0xFFFF8000  }
0x163: {  	[tilespmem:s18], [sflag:$0x1] =	stream.indirect.gather [hbm4b:s3+s15], $0x20, s8, s15, $0xb8;
	[tilespmem:$0x12000] =	vst v63  }
0x164: {  	s9 =	simm.s32 $0x1C80  }
0x165: {  	[tilespmem:s22], [sflag:$0x1] =	stream.indirect.gather [hbm4b:s3+s15], $0x20, s9, s15, $0xb8;
	[tilespmem:$0x12000] =	vst v63  }
0x166: {  	s10 =	simm.s32 $0x1D00  }
0x167: {  	[tilespmem:s26], [sflag:$0x1] =	stream.indirect.gather [hbm4b:s3+s15], $0x20, s10, s15, $0xb8;
	[tilespmem:$0x12000] =	vst v63  }
0x168: {  	s11 =	simm.s32 $0x1D80  }
0x169: {  	[tilespmem:s1], [sflag:$0x1] =	stream.indirect.gather [hbm4b:s3+s15], $0x20, s11, s15, $0xb8;
	[tilespmem:$0x12000] =	vst v63  }
0x16a: {  	s8 =	simm.s32 $0x1E00  }
0x16b: {  	[tilespmem:s24], [sflag:$0x1] =	stream.indirect.gather [hbm4b:s3+s15], $0x20, s8, s15, $0xb8;
	[tilespmem:$0x12000] =	vst v63  }
0x16c: {  	s9 =	simm.s32 $0x1E80  }
0x16d: {  	[tilespmem:s20], [sflag:$0x1] =	stream.indirect.gather [hbm4b:s3+s15], $0x20, s9, s15, $0xb8;
	[tilespmem:$0x12000] =	vst v63  }
0x16e: {  	s10 =	simm.s32 $0x1F00  }
0x16f: {  	[tilespmem:s29], [sflag:$0x1] =	stream.indirect.gather [hbm4b:s3+s15], $0x20, s10, s15, $0xb8;
	[tilespmem:$0x12000] =	vst v63  }
0x170: {  	s11 =	simm.s32 $0x1F80  }
0x171: {  	[tilespmem:s4], [sflag:$0x1] =	stream.indirect.gather [hbm4b:s3+s15], $0x20, s11, s15, $0xb8;
	[tilespmem:$0x12000] =	vst v63  }
0x172: {  	_ =	swait.ge [sflag:s31], $0x1000  }
0x173: {  	[sflag:s31] =	ssyncset.done $0x0  }
0x174: {  	[sflag:s31] =	ssyncadd.s32 $0xFFFFF000  }
0x175: {  	_ =	swait.ge [sflag:s31], $0x1000  }
0x176: {  	[sflag:s31] =	ssyncset.done $0x0  }
0x177: {  	[sflag:s31] =	ssyncadd.s32 $0xFFFFF000  }
0x178: {  	_ =	swait.ge [sflag:s31], $0x1000  }
0x179: {  	[sflag:s31] =	ssyncset.done $0x0  }
0x17a: {  	[sflag:s31] =	ssyncadd.s32 $0xFFFFF000  }
0x17b: {  	_ =	swait.ge [sflag:s31], $0x1000  }
0x17c: {  	[sflag:s31] =	ssyncset.done $0x0  }
0x17d: {  	[sflag:s31] =	ssyncadd.s32 $0xFFFFF000  }
0x17e: {  	_ =	swait.ge [sflag:s31], $0x1000  }
0x17f: {  	[sflag:s31] =	ssyncset.done $0x0  }
0x180: {  	[sflag:s31] =	ssyncadd.s32 $0xFFFFF000  }
0x181: {  	_ =	swait.ge [sflag:s31], $0x1000  }
0x182: {  	[sflag:s31] =	ssyncset.done $0x0  }
0x183: {  	[sflag:s31] =	ssyncadd.s32 $0xFFFFF000  }
0x184: {  	_ =	swait.ge [sflag:s31], $0x1000  }
0x185: {  	[sflag:s31] =	ssyncset.done $0x0  }
0x186: {  	[sflag:s31] =	ssyncadd.s32 $0xFFFFF000  }
0x187: {  	_ =	swait.ge [sflag:s31], $0x1000  }
0x188: {  	[sflag:s31] =	ssyncset.done $0x0  }
0x189: {  	s6 =	sadd.s32 $0x1, s6;
	[sflag:s31] =	ssyncadd.s32 $0xFFFFF000  }
0x18a: {  	[hbm4b:s12+s0] =	stream.strided.scatter [tilespmem:s18], [sflag:$0x2], $0x8000, s15, s0, $0x38;
	[tilespmem:$0x12000] =	vst v63  }
0x18b: {  	p0 =	sne.s32 s6, s13;
	_ =	swait.ge [sflag:s5], $0x8000  }
.Ltmp1:
0x18c: {  	[sflag:s5] =	ssyncset.done $0x0;
	(pc) =	sbr.rel @p0 .LBB2_1-.Ltmp1, $4  }
0x18d: {  	[sflag:s5] =	ssyncadd.s32 $0xFFFF8000  }
0x18e: {  	_ =	swait.ge [sflag:s5], $0x8000  }
0x18f: {  	[sflag:s5] =	ssyncset.done $0x0  }
0x190: {  	[sflag:s5] =	ssyncadd.s32 $0xFFFF8000  }
0x191: {  	_ =	sfence.sel $0x180000  }
0x192: {  	[bflag:$0x0] =	sbarrier.arrive $0xFFFF  }
0x193: {  	_ =	strace $0x90000047  }
0x194: {  	s0 =	stileid.u32;
	[bflag:$0x2] =	sbarrier.arrive $0xFFFF  }
0x195: {  	p0 =	sne.s32 s0, $0x0;
	s0 =	rddreg [dreg:$0x2]  }
0x196: {  	s0 =	sadd.s32 @!p0 $0x100000, s0  }
0x197: {  	[sflag:s0] =	ssyncadd.tile.s32 @!p0 $0x1;
	_ =	shalt  }
.Lfunc_end2:
_tile_overlayer_lowered:
.L_overlay_start_2:
0x198: {  	(tag) =	ssettag $0x2  }
0x199: {  	s0 =	rddreg [dreg:$0x0];
	s2 =	stileid.u32  }
0x19a: {  	s1 =	rddreg [dreg:$0x1];
	p0 =	sne.s32 s2, $0x0  }
0x19b: {  	s3 =	rddreg [dreg:$0x2];
	[bflag:$0x3] =	sbarrier.arrive $0xFFFF;
	s2 =	simm.s32 @!p0 $0x1C03  }
0x19c: {  	[timem:s3], [sflag:s2] =	dma.local @!p0 [hbm:s0], s1  }
0x19d: {  	s0 =	simm.s32 @!p0 $0x3  }
0x19e: {  	_ =	swait.ge @!p0 [sflag:s0], s1  }
0x19f: {  	s1 =	ssub.s32 @!p0 $0x0, s1;
	[sflag:s0] =	ssyncset.done @!p0 $0x0  }
0x1a0: {  	[sflag:s0] =	ssyncadd.s32 @!p0 s1  }
0x1a1: {  	[bflag:$0x3] =	sbarrier.arrive $0xFFFF  }
0x1a2: {  	_ =	shalt  }

</sc_bundles>
